<compile_context>
chip_gen: v7x
topology: tpu7x:2x2x1
jax: 0.10.2.dev20260603
libtpu: 0.0.44.dev20260713+nightly
codegen_flags: <defaults>
</compile_context>

<pallas_src>
import functools

import jax
import jax.numpy as jnp
from jax import lax
from jax.experimental import pallas as pl
from jax.experimental.pallas import tpu as pltpu
from jax.experimental.pallas import tpu_sc as plsc

N = 10000
E = 320000
D = 128
NC = 2
NS = 16
EPT = E // NS
CHUNK = 80
NCHUNK = EPT // CHUNK
NP = 10240
RPT = NP // NS

_MESH = plsc.VectorSubcoreMesh(
    core_axis_name="c", subcore_axis_name="s", num_cores=NC, num_subcores=NS)


def _hist_body(idx_hbm, out_hbm, ones_hbm, zeros_hbm,
               idx_va, idx_vb, ones_v, acc, isem_a, isem_b, sid):
    rows = pl.ds(sid * RPT, RPT)
    pltpu.sync_copy(zeros_hbm, acc.at[rows])
    pltpu.sync_copy(ones_hbm, ones_v)
    plsc.subcore_barrier()

    ebase = sid * EPT

    def start_idx(i, idx_v, isem):
        pltpu.async_copy(idx_hbm.at[pl.ds(ebase + i * CHUNK, CHUNK)],
                         idx_v, isem)

    start_idx(0, idx_va, isem_a)

    def pair(k, carry):
        start_idx(2 * k + 1, idx_vb, isem_b)
        pltpu.make_async_copy(idx_hbm.at[pl.ds(0, CHUNK)], idx_va,
                              isem_a).wait()
        pltpu.sync_copy(ones_v, acc.at[idx_va], add=True)

        @pl.when(k < NPAIR - 1)
        def _():
            start_idx(2 * k + 2, idx_va, isem_a)

        pltpu.make_async_copy(idx_hbm.at[pl.ds(0, CHUNK)], idx_vb,
                              isem_b).wait()
        pltpu.sync_copy(ones_v, acc.at[idx_vb], add=True)
        return carry

    lax.fori_loop(0, NPAIR, pair, 0)
    plsc.subcore_barrier()
    pltpu.sync_copy(acc.at[rows], out_hbm.at[rows])


@functools.partial(
    pl.kernel,
    out_type=[jax.ShapeDtypeStruct((NP, D), jnp.float32)] * 2,
    mesh=_MESH,
    scratch_types=[
        pltpu.VMEM((CHUNK,), jnp.int32),
        pltpu.VMEM((CHUNK,), jnp.int32),
        pltpu.VMEM((CHUNK, D), jnp.float32),
        pltpu.VMEM_SHARED((NP, D), jnp.float32),
        pltpu.SemaphoreType.DMA,
        pltpu.SemaphoreType.DMA,
    ],
)
def _hist_kernel(idx_a, idx_b, ones_hbm, zeros_hbm, cnt_a, cnt_b,
                 idx_va, idx_vb, ones_v, acc, isem_a, isem_b):
    cid = lax.axis_index("c")
    sid = lax.axis_index("s")

    @pl.when(cid == 0)
    def _():
        _hist_body(idx_a, cnt_a, ones_hbm, zeros_hbm,
                   idx_va, idx_vb, ones_v, acc, isem_a, isem_b, sid)

    @pl.when(cid == 1)
    def _():
        _hist_body(idx_b, cnt_b, ones_hbm, zeros_hbm,
                   idx_va, idx_vb, ones_v, acc, isem_a, isem_b, sid)


NPAIR = NCHUNK // 2


def _agg_body(src_hbm, dst_hbm, feat_hbm, out_hbm, zeros_hbm,
              idx_sa, idx_da, idx_sb, idx_db, rows_a, rows_b,
              acc, sem_a, sem_b, sid):
    rows = pl.ds(sid * RPT, RPT)
    pltpu.sync_copy(zeros_hbm, acc.at[rows])
    plsc.subcore_barrier()

    ebase = sid * EPT

    def load_idx(i, idx_s, idx_d):
        base = ebase + i * CHUNK
        pltpu.sync_copy(src_hbm.at[pl.ds(base, CHUNK)], idx_s)
        pltpu.sync_copy(dst_hbm.at[pl.ds(base, CHUNK)], idx_d)

    load_idx(0, idx_sa, idx_da)
    ga = pltpu.async_copy(feat_hbm.at[idx_sa], rows_a, sem_a)

    def pair(k, carry):
        load_idx(2 * k + 1, idx_sb, idx_db)
        gb = pltpu.async_copy(feat_hbm.at[idx_sb], rows_b, sem_b)
        pltpu.make_async_copy(feat_hbm.at[idx_sa], rows_a, sem_a).wait()
        pltpu.sync_copy(rows_a, acc.at[idx_da], add=True)

        @pl.when(k < NPAIR - 1)
        def _():
            load_idx(2 * k + 2, idx_sa, idx_da)
            pltpu.async_copy(feat_hbm.at[idx_sa], rows_a, sem_a)

        pltpu.make_async_copy(feat_hbm.at[idx_sb], rows_b, sem_b).wait()
        pltpu.sync_copy(rows_b, acc.at[idx_db], add=True)
        return carry

    lax.fori_loop(0, NPAIR, pair, 0)
    plsc.subcore_barrier()
    pltpu.sync_copy(acc.at[rows], out_hbm.at[rows])


@functools.partial(
    pl.kernel,
    out_type=[jax.ShapeDtypeStruct((NP, D), jnp.float32)] * 2,
    mesh=_MESH,
    scratch_types=[
        pltpu.VMEM((CHUNK,), jnp.int32),
        pltpu.VMEM((CHUNK,), jnp.int32),
        pltpu.VMEM((CHUNK,), jnp.int32),
        pltpu.VMEM((CHUNK,), jnp.int32),
        pltpu.VMEM((CHUNK, D), jnp.float32),
        pltpu.VMEM((CHUNK, D), jnp.float32),
        pltpu.VMEM_SHARED((NP, D), jnp.float32),
        pltpu.SemaphoreType.DMA,
        pltpu.SemaphoreType.DMA,
    ],
)
def _agg_kernel(src_c, dst_c, src_b, dst_b, xu_s, xi_s, zeros_hbm,
                agg_item, agg_user,
                idx_sa, idx_da, idx_sb, idx_db, rows_a, rows_b,
                acc, sem_a, sem_b):
    cid = lax.axis_index("c")
    sid = lax.axis_index("s")

    @pl.when(cid == 0)
    def _():
        _agg_body(src_c, dst_c, xu_s, agg_item, zeros_hbm,
                  idx_sa, idx_da, idx_sb, idx_db, rows_a, rows_b,
                  acc, sem_a, sem_b, sid)

    @pl.when(cid == 1)
    def _():
        _agg_body(src_b, dst_b, xi_s, agg_user, zeros_hbm,
                  idx_sa, idx_da, idx_sb, idx_db, rows_a, rows_b,
                  acc, sem_a, sem_b, sid)


_BLK = 1000
_GRID = N // _BLK


def _rs(cnt_ref):
    return lax.rsqrt(jnp.maximum(cnt_ref[:, 0:1], 1.0))


def _prescale_body(xu_ref, cu_ref, xi_ref, ci_ref, ou_ref, oi_ref):
    ou_ref[...] = xu_ref[...] * _rs(cu_ref)
    oi_ref[...] = xi_ref[...] * _rs(ci_ref)


def _layer1_body(ai_ref, cii_ref, cio_ref, wc_ref, bc_ref,
                 au_ref, cui_ref, cuo_ref, wb_ref, bb_ref,
                 oi_ref, ou_ref):
    hi = (ai_ref[...] * _rs(cii_ref)) @ wc_ref[...] + bc_ref[...]
    oi_ref[...] = jnp.maximum(hi, 0.0) * _rs(cio_ref)
    hu = (au_ref[...] * _rs(cui_ref)) @ wb_ref[...] + bb_ref[...]
    ou_ref[...] = jnp.maximum(hu, 0.0) * _rs(cuo_ref)


def _layer2_body(ai_ref, cii_ref, wc_ref, bc_ref,
                 au_ref, cui_ref, wb_ref, bb_ref,
                 oi_ref, ou_ref):
    oi_ref[...] = (ai_ref[...] * _rs(cii_ref)) @ wc_ref[...] + bc_ref[...]
    ou_ref[...] = (au_ref[...] * _rs(cui_ref)) @ wb_ref[...] + bb_ref[...]


def _row_spec(width):
    return pl.BlockSpec((_BLK, width), lambda i: (i, 0))


_FULL_W = pl.BlockSpec((D, D), lambda i: (0, 0))
_FULL_B = pl.BlockSpec((1, D), lambda i: (0, 0))
_FEAT = functools.partial(jax.ShapeDtypeStruct, (N, D))


def _prescale(xu, cu, xi, ci):
    return pl.pallas_call(
        _prescale_body,
        grid=(_GRID,),
        in_specs=[_row_spec(D), _row_spec(D), _row_spec(D), _row_spec(D)],
        out_specs=[_row_spec(D), _row_spec(D)],
        out_shape=[_FEAT(jnp.float32)] * 2,
    )(xu, cu, xi, ci)


def _layer1(ai, cii, cio, wc, bc, au, cui, cuo, wb, bb):
    return pl.pallas_call(
        _layer1_body,
        grid=(_GRID,),
        in_specs=[_row_spec(D), _row_spec(D), _row_spec(D), _FULL_W, _FULL_B,
                  _row_spec(D), _row_spec(D), _row_spec(D), _FULL_W, _FULL_B],
        out_specs=[_row_spec(D), _row_spec(D)],
        out_shape=[_FEAT(jnp.float32)] * 2,
    )(ai, cii, cio, wc, bc, au, cui, cuo, wb, bb)


def _layer2(ai, cii, wc, bc, au, cui, wb, bb):
    return pl.pallas_call(
        _layer2_body,
        grid=(_GRID,),
        in_specs=[_row_spec(D), _row_spec(D), _FULL_W, _FULL_B,
                  _row_spec(D), _row_spec(D), _FULL_W, _FULL_B],
        out_specs=[_row_spec(D), _row_spec(D)],
        out_shape=[_FEAT(jnp.float32)] * 2,
    )(ai, cii, wc, bc, au, cui, wb, bb)


@jax.jit
def kernel(x_user, x_item, edge_index_clicks, edge_index_clicked_by,
           W1_clicks, b1_clicks, W1_clicked_by, b1_clicked_by,
           W2_clicks, b2_clicks, W2_clicked_by, b2_clicked_by):
    src_c = edge_index_clicks[0].astype(jnp.int32)
    dst_c = edge_index_clicks[1].astype(jnp.int32)
    src_b = edge_index_clicked_by[0].astype(jnp.int32)
    dst_b = edge_index_clicked_by[1].astype(jnp.int32)

    zeros_feat = jnp.zeros((RPT, D), jnp.float32)
    ones_feat = jnp.ones((CHUNK, D), jnp.float32)

    cnt_sc, cnt_sb = _hist_kernel(src_c, src_b, ones_feat, zeros_feat)
    cnt_dc, cnt_db = _hist_kernel(dst_c, dst_b, ones_feat, zeros_feat)
    cnt_sc, cnt_dc = cnt_sc[:N], cnt_dc[:N]
    cnt_sb, cnt_db = cnt_sb[:N], cnt_db[:N]

    b1c = b1_clicks.reshape(1, D)
    b1b = b1_clicked_by.reshape(1, D)
    b2c = b2_clicks.reshape(1, D)
    b2b = b2_clicked_by.reshape(1, D)

    xu_s, xi_s = _prescale(x_user, cnt_sc, x_item, cnt_sb)
    agg_item, agg_user = _agg_kernel(
        src_c, dst_c, src_b, dst_b, xu_s, xi_s, zeros_feat)
    agg_item, agg_user = agg_item[:N], agg_user[:N]
    hi_s, hu_s = _layer1(agg_item, cnt_dc, cnt_sb, W1_clicks, b1c,
                         agg_user, cnt_db, cnt_sc, W1_clicked_by, b1b)

    agg2_item, agg2_user = _agg_kernel(
        src_c, dst_c, src_b, dst_b, hu_s, hi_s, zeros_feat)
    agg2_item, agg2_user = agg2_item[:N], agg2_user[:N]
    out_item, out_user = _layer2(agg2_item, cnt_dc, W2_clicks, b2c,
                                 agg2_user, cnt_db, W2_clicked_by, b2b)
    return (out_user, out_item)

# --- scband reference (transcript-rebuilt; emitter-appended) ---
"""Pipeline reference for scband-heterogeneous-graph-embedding-29506425324287 (READ-ONLY COPY).

The authoritative reference and input builder live on the scoring server;
editing this copy changes nothing except your own understanding.
"""

import jax, jax.numpy as jnp
import numpy as np

N_USER = 10000
N_ITEM = 10000
E = 320000
D_IN = 128
D_H = 128
D_OUT = 128


def graph_conv(x_src, src, dst, n_src, n_dst, W, b):
    # DGL GraphConv with norm='both': src-side D^{-1/2}, sum aggregate, dst-side D^{-1/2}, then linear + bias
    deg_out = jnp.clip(jax.ops.segment_sum(jnp.ones(src.shape[0], dtype=x_src.dtype), src, num_segments=n_src), 1.0)
    h = x_src * (deg_out ** -0.5)[:, None]
    msg = h[src]
    agg = jax.ops.segment_sum(msg, dst, num_segments=n_dst)
    deg_in = jnp.clip(jax.ops.segment_sum(jnp.ones(dst.shape[0], dtype=x_src.dtype), dst, num_segments=n_dst), 1.0)
    agg = agg * (deg_in ** -0.5)[:, None]
    return agg @ W + b


def setup_inputs(seed: int = 0) -> dict:
    key = jax.random.key(seed)
    ks = [jax.random.fold_in(key, i) for i in range(16)]
    inp = {}
    inp['x_user'] = jax.random.normal(ks[0], (N_USER, D_IN), dtype=jnp.float32)
    inp['x_item'] = jax.random.normal(ks[1], (N_ITEM, D_IN), dtype=jnp.float32)
    # etype 'clicks': user -> item ; etype 'clicked_by': item -> user
    inp['edge_index_clicks'] = jax.random.randint(ks[2], (2, E), 0, N_USER, dtype=jnp.int64)
    inp['edge_index_clicked_by'] = jax.random.randint(ks[3], (2, E), 0, N_ITEM, dtype=jnp.int64)
    # learned parameters: one GraphConv per etype per layer
    inp['W1_clicks'] = jax.random.normal(ks[4], (D_IN, D_H), dtype=jnp.float32) * 0.05
    inp['b1_clicks'] = jnp.zeros((D_H,), dtype=jnp.float32)
    inp['W1_clicked_by'] = jax.random.normal(ks[5], (D_IN, D_H), dtype=jnp.float32) * 0.05
    inp['b1_clicked_by'] = jnp.zeros((D_H,), dtype=jnp.float32)
    inp['W2_clicks'] = jax.random.normal(ks[6], (D_H, D_OUT), dtype=jnp.float32) * 0.05
    inp['b2_clicks'] = jnp.zeros((D_OUT,), dtype=jnp.float32)
    inp['W2_clicked_by'] = jax.random.normal(ks[7], (D_H, D_OUT), dtype=jnp.float32) * 0.05
    inp['b2_clicked_by'] = jnp.zeros((D_OUT,), dtype=jnp.float32)
    return inp


def reference(x_user, x_item, edge_index_clicks, edge_index_clicked_by,
              W1_clicks, b1_clicks, W1_clicked_by, b1_clicked_by,
              W2_clicks, b2_clicks, W2_clicked_by, b2_clicked_by):
    src_c, dst_c = edge_index_clicks[0], edge_index_clicks[1]        # user -> item
    src_b, dst_b = edge_index_clicked_by[0], edge_index_clicked_by[1]  # item -> user
    # layer 1 (HeteroGraphConv, sum aggregate per dst type; one etype per dst type here)
    h_item = graph_conv(x_user, src_c, dst_c, N_USER, N_ITEM, W1_clicks, b1_clicks)
    h_user = graph_conv(x_item, src_b, dst_b, N_ITEM, N_USER, W1_clicked_by, b1_clicked_by)
    h_item = jax.nn.relu(h_item)
    h_user = jax.nn.relu(h_user)
    # layer 2
    out_item = graph_conv(h_user, src_c, dst_c, N_USER, N_ITEM, W2_clicks, b2_clicks)
    out_user = graph_conv(h_item, src_b, dst_b, N_ITEM, N_USER, W2_clicked_by, b2_clicked_by)
    return (out_user, out_item)

if __name__ == "__main__":
    import jax
    _d = setup_inputs()
    print(jax.jit(kernel)(*tuple(_d.values())))

</pallas_src>

<mosaic_0001>
#map = affine_map<(d0, d1) -> (0)>
#map1 = affine_map<(d0, d1) -> (0, 0)>
module attributes {stable_mosaic.version = 14 : i64} {
  func.func @_hist_kernel(%arg0: i32, %arg1: i32, %arg2: memref<320000xi32, #tpu.memory_space<hbm>>, %arg3: memref<320000xi32, #tpu.memory_space<hbm>>, %arg4: memref<80x128xf32, #tpu.memory_space<hbm>>, %arg5: memref<640x128xf32, #tpu.memory_space<hbm>>, %arg6: memref<10240x128xf32, #tpu.memory_space<hbm>>, %arg7: memref<10240x128xf32, #tpu.memory_space<hbm>>, %arg8: memref<80xi32, #tpu.memory_space<vmem>>, %arg9: memref<80xi32, #tpu.memory_space<vmem>>, %arg10: memref<80x128xf32, #tpu.memory_space<vmem>>, %arg11: memref<10240x128xf32, #tpu.memory_space<vmem_shared>>, %arg12: memref<!tpu.dma_semaphore, #tpu.memory_space<semaphore_mem>>, %arg13: memref<!tpu.dma_semaphore, #tpu.memory_space<semaphore_mem>>) attributes {dimension_semantics = [#tpu.dimension_semantics<core_parallel>, #tpu.dimension_semantics<subcore_parallel>], iteration_bounds = array<i64: 2, 16>, scalar_prefetch = 0 : i64, scratch_operands = 6 : i64, tpu.core_type = #tpu.core_type<sc_vector_subcore>, window_params = [{transform_indices = #map}, {transform_indices = #map}, {transform_indices = #map1}, {transform_indices = #map1}, {transform_indices = #map1}, {transform_indices = #map1}]} {
    %eq3A = arith.constant 0 : i32
    %eq3A_0 = arith.cmpi eq, %arg0, %eq3A : i32
    %convert_element_type3A = arith.extui %eq3A_0 : i1 to i32
    %cond3A = arith.constant 0 : i32
    %cond3A_1 = arith.cmpi ne, %convert_element_type3A, %cond3A : i32
    scf.if %cond3A_1 {
      %mul3A = arith.constant 640 : i32
      %mul3A_7 = arith.muli %arg1, %mul3A : i32
      "tpu.region"() ({
        %run_scoped3A = tpu.sem_alloc : memref<!tpu.dma_semaphore, #tpu.memory_space<semaphore_mem>>
        %dma_start3A_18 = arith.constant 0 : i32
        %dma_start3A_19 = tpu.memref_slice %arg11[%mul3A_7, %dma_start3A_18] : memref<10240x128xf32, #tpu.memory_space<vmem_shared>> -> memref<640x128xf32, #tpu.memory_space<vmem_shared>>
        tpu.enqueue_dma source(%arg5 : memref<640x128xf32, #tpu.memory_space<hbm>>) target(%dma_start3A_19 : memref<640x128xf32, #tpu.memory_space<vmem_shared>>) target_semaphore(%run_scoped3A : memref<!tpu.dma_semaphore, #tpu.memory_space<semaphore_mem>>)
        %dma_wait3A = arith.constant 0 : i32
        %dma_wait3A_20 = tpu.memref_slice %arg11[%mul3A_7, %dma_wait3A] : memref<10240x128xf32, #tpu.memory_space<vmem_shared>> -> memref<640x128xf32, #tpu.memory_space<vmem_shared>>
        tpu.wait_dma2 semaphore(%run_scoped3A : memref<!tpu.dma_semaphore, #tpu.memory_space<semaphore_mem>>) src(%arg5 : memref<640x128xf32, #tpu.memory_space<hbm>>) dst(%dma_wait3A_20 : memref<640x128xf32, #tpu.memory_space<vmem_shared>>)
        tpu.yield
      }) : () -> ()
      "tpu.region"() ({
        %run_scoped3A = tpu.sem_alloc : memref<!tpu.dma_semaphore, #tpu.memory_space<semaphore_mem>>
        tpu.enqueue_dma source(%arg4 : memref<80x128xf32, #tpu.memory_space<hbm>>) target(%arg10 : memref<80x128xf32, #tpu.memory_space<vmem>>) target_semaphore(%run_scoped3A : memref<!tpu.dma_semaphore, #tpu.memory_space<semaphore_mem>>)
        tpu.wait_dma2 semaphore(%run_scoped3A : memref<!tpu.dma_semaphore, #tpu.memory_space<semaphore_mem>>) src(%arg4 : memref<80x128xf32, #tpu.memory_space<hbm>>) dst(%arg10 : memref<80x128xf32, #tpu.memory_space<vmem>>)
        tpu.yield
      }) : () -> ()
      %barrier3A = arith.constant 0 : index
      tpu.barrier barrier_id(%barrier3A)
      %mul3A_8 = arith.constant 20000 : i32
      %mul3A_9 = arith.muli %arg1, %mul3A_8 : i32
      %add3A = arith.constant 0 : i32
      %add3A_10 = arith.addi %mul3A_9, %add3A : i32
      %dma_start3A = tpu.memref_slice %arg2[%add3A_10] : memref<320000xi32, #tpu.memory_space<hbm>> -> memref<80xi32, #tpu.memory_space<hbm>>
      %dma_start3A_11 = tpu.memref_slice %arg2[%add3A_10] : memref<320000xi32, #tpu.memory_space<hbm>> -> memref<80xi32, #tpu.memory_space<hbm>>
      tpu.enqueue_dma source(%dma_start3A_11 : memref<80xi32, #tpu.memory_space<hbm>>) target(%arg8 : memref<80xi32, #tpu.memory_space<vmem>>) target_semaphore(%arg12 : memref<!tpu.dma_semaphore, #tpu.memory_space<semaphore_mem>>)
      %scan3A = arith.constant 0 : i32
      %scan3A_12 = arith.constant 0 : i32
      %scan3A_13 = arith.constant 125 : i32
      %scan3A_14 = arith.addi %scan3A_12, %scan3A_13 : i32
      %scan3A_15 = arith.constant 1 : i32
      scf.for %scan3A_18 = %scan3A_12 to %scan3A_14 step %scan3A_15  : i32 {
        %mul3A_19 = arith.constant 2 : i32
        %mul3A_20 = arith.muli %mul3A_19, %scan3A_18 : i32
        %add3A_21 = arith.constant 1 : i32
        %add3A_22 = arith.addi %mul3A_20, %add3A_21 : i32
        %mul3A_23 = arith.constant 80 : i32
        %mul3A_24 = arith.muli %add3A_22, %mul3A_23 : i32
        %add3A_25 = arith.addi %mul3A_9, %mul3A_24 : i32
        %dma_start3A_26 = tpu.memref_slice %arg2[%add3A_25] : memref<320000xi32, #tpu.memory_space<hbm>> -> memref<80xi32, #tpu.memory_space<hbm>>
        %dma_start3A_27 = tpu.memref_slice %arg2[%add3A_25] : memref<320000xi32, #tpu.memory_space<hbm>> -> memref<80xi32, #tpu.memory_space<hbm>>
        tpu.enqueue_dma source(%dma_start3A_27 : memref<80xi32, #tpu.memory_space<hbm>>) target(%arg9 : memref<80xi32, #tpu.memory_space<vmem>>) target_semaphore(%arg13 : memref<!tpu.dma_semaphore, #tpu.memory_space<semaphore_mem>>)
        %dma_wait3A = arith.constant 0 : i32
        %dma_wait3A_28 = tpu.memref_slice %arg2[%dma_wait3A] : memref<320000xi32, #tpu.memory_space<hbm>> -> memref<80xi32, #tpu.memory_space<hbm>>
        %dma_wait3A_29 = arith.constant 0 : i32
        %dma_wait3A_30 = tpu.memref_slice %arg2[%dma_wait3A_29] : memref<320000xi32, #tpu.memory_space<hbm>> -> memref<80xi32, #tpu.memory_space<hbm>>
        tpu.wait_dma2 semaphore(%arg12 : memref<!tpu.dma_semaphore, #tpu.memory_space<semaphore_mem>>) src(%dma_wait3A_30 : memref<80xi32, #tpu.memory_space<hbm>>) dst(%arg8 : memref<80xi32, #tpu.memory_space<vmem>>)
        "tpu.region"() ({
          %run_scoped3A = tpu.sem_alloc : memref<!tpu.dma_semaphore, #tpu.memory_space<semaphore_mem>>
          %dma_start3A_39 = arith.constant 0 : i32
          %dma_start3A_40 = arith.constant 0 : i32
          %dma_start3A_41 = tpu.memref_slice %arg11[%dma_start3A_39, %dma_start3A_40] : memref<10240x128xf32, #tpu.memory_space<vmem_shared>> -> memref<10240x128xf32, #tpu.memory_space<vmem_shared>>
          tpu.enqueue_indirect_dma source(%arg10 : memref<80x128xf32, #tpu.memory_space<vmem>>) target(%dma_start3A_41 : memref<10240x128xf32, #tpu.memory_space<vmem_shared>>) offsets(%arg8 : memref<80xi32, #tpu.memory_space<vmem>>) semaphore(%run_scoped3A : memref<!tpu.dma_semaphore, #tpu.memory_space<semaphore_mem>>) {add = true}
          %dma_wait3A_42 = arith.constant 0 : i32
          %dma_wait3A_43 = arith.constant 0 : i32
          %dma_wait3A_44 = tpu.memref_slice %arg11[%dma_wait3A_42, %dma_wait3A_43] : memref<10240x128xf32, #tpu.memory_space<vmem_shared>> -> memref<10240x128xf32, #tpu.memory_space<vmem_shared>>
          tpu.wait_indirect_dma semaphore(%run_scoped3A : memref<!tpu.dma_semaphore, #tpu.memory_space<semaphore_mem>>) src(%arg10 : memref<80x128xf32, #tpu.memory_space<vmem>>) dst(%dma_wait3A_44 : memref<10240x128xf32, #tpu.memory_space<vmem_shared>>)
          tpu.yield
        }) : () -> ()
        %lt3A = arith.constant 124 : i32
        %lt3A_31 = arith.cmpi slt, %scan3A_18, %lt3A : i32
        %convert_element_type3A_32 = arith.extui %lt3A_31 : i1 to i32
        %cond3A_33 = arith.constant 0 : i32
        %cond3A_34 = arith.cmpi ne, %convert_element_type3A_32, %cond3A_33 : i32
        scf.if %cond3A_34 {
          %mul3A_39 = arith.constant 2 : i32
          %mul3A_40 = arith.muli %mul3A_39, %scan3A_18 : i32
          %add3A_41 = arith.constant 2 : i32
          %add3A_42 = arith.addi %mul3A_40, %add3A_41 : i32
          %mul3A_43 = arith.constant 80 : i32
          %mul3A_44 = arith.muli %add3A_42, %mul3A_43 : i32
          %add3A_45 = arith.addi %mul3A_9, %mul3A_44 : i32
          %dma_start3A_46 = tpu.memref_slice %arg2[%add3A_45] : memref<320000xi32, #tpu.memory_space<hbm>> -> memref<80xi32, #tpu.memory_space<hbm>>
          %dma_start3A_47 = tpu.memref_slice %arg2[%add3A_45] : memref<320000xi32, #tpu.memory_space<hbm>> -> memref<80xi32, #tpu.memory_space<hbm>>
          tpu.enqueue_dma source(%dma_start3A_47 : memref<80xi32, #tpu.memory_space<hbm>>) target(%arg8 : memref<80xi32, #tpu.memory_space<vmem>>) target_semaphore(%arg12 : memref<!tpu.dma_semaphore, #tpu.memory_space<semaphore_mem>>)
        } else {
        }
        %dma_wait3A_35 = arith.constant 0 : i32
        %dma_wait3A_36 = tpu.memref_slice %arg2[%dma_wait3A_35] : memref<320000xi32, #tpu.memory_space<hbm>> -> memref<80xi32, #tpu.memory_space<hbm>>
        %dma_wait3A_37 = arith.constant 0 : i32
        %dma_wait3A_38 = tpu.memref_slice %arg2[%dma_wait3A_37] : memref<320000xi32, #tpu.memory_space<hbm>> -> memref<80xi32, #tpu.memory_space<hbm>>
        tpu.wait_dma2 semaphore(%arg13 : memref<!tpu.dma_semaphore, #tpu.memory_space<semaphore_mem>>) src(%dma_wait3A_38 : memref<80xi32, #tpu.memory_space<hbm>>) dst(%arg9 : memref<80xi32, #tpu.memory_space<vmem>>)
        "tpu.region"() ({
          %run_scoped3A = tpu.sem_alloc : memref<!tpu.dma_semaphore, #tpu.memory_space<semaphore_mem>>
          %dma_start3A_39 = arith.constant 0 : i32
          %dma_start3A_40 = arith.constant 0 : i32
          %dma_start3A_41 = tpu.memref_slice %arg11[%dma_start3A_39, %dma_start3A_40] : memref<10240x128xf32, #tpu.memory_space<vmem_shared>> -> memref<10240x128xf32, #tpu.memory_space<vmem_shared>>
          tpu.enqueue_indirect_dma source(%arg10 : memref<80x128xf32, #tpu.memory_space<vmem>>) target(%dma_start3A_41 : memref<10240x128xf32, #tpu.memory_space<vmem_shared>>) offsets(%arg9 : memref<80xi32, #tpu.memory_space<vmem>>) semaphore(%run_scoped3A : memref<!tpu.dma_semaphore, #tpu.memory_space<semaphore_mem>>) {add = true}
          %dma_wait3A_42 = arith.constant 0 : i32
          %dma_wait3A_43 = arith.constant 0 : i32
          %dma_wait3A_44 = tpu.memref_slice %arg11[%dma_wait3A_42, %dma_wait3A_43] : memref<10240x128xf32, #tpu.memory_space<vmem_shared>> -> memref<10240x128xf32, #tpu.memory_space<vmem_shared>>
          tpu.wait_indirect_dma semaphore(%run_scoped3A : memref<!tpu.dma_semaphore, #tpu.memory_space<semaphore_mem>>) src(%arg10 : memref<80x128xf32, #tpu.memory_space<vmem>>) dst(%dma_wait3A_44 : memref<10240x128xf32, #tpu.memory_space<vmem_shared>>)
          tpu.yield
        }) : () -> ()
      }
      %scan3A_16 = arith.constant 125 : i32
      %barrier3A_17 = arith.constant 0 : index
      tpu.barrier barrier_id(%barrier3A_17)
      "tpu.region"() ({
        %run_scoped3A = tpu.sem_alloc : memref<!tpu.dma_semaphore, #tpu.memory_space<semaphore_mem>>
        %dma_start3A_18 = arith.constant 0 : i32
        %dma_start3A_19 = tpu.memref_slice %arg6[%mul3A_7, %dma_start3A_18] : memref<10240x128xf32, #tpu.memory_space<hbm>> -> memref<640x128xf32, #tpu.memory_space<hbm>>
        %dma_start3A_20 = arith.constant 0 : i32
        %dma_start3A_21 = tpu.memref_slice %arg11[%mul3A_7, %dma_start3A_20] : memref<10240x128xf32, #tpu.memory_space<vmem_shared>> -> memref<640x128xf32, #tpu.memory_space<vmem_shared>>
        tpu.enqueue_dma source(%dma_start3A_21 : memref<640x128xf32, #tpu.memory_space<vmem_shared>>) target(%dma_start3A_19 : memref<640x128xf32, #tpu.memory_space<hbm>>) target_semaphore(%run_scoped3A : memref<!tpu.dma_semaphore, #tpu.memory_space<semaphore_mem>>)
        %dma_wait3A = arith.constant 0 : i32
        %dma_wait3A_22 = tpu.memref_slice %arg6[%mul3A_7, %dma_wait3A] : memref<10240x128xf32, #tpu.memory_space<hbm>> -> memref<640x128xf32, #tpu.memory_space<hbm>>
        %dma_wait3A_23 = arith.constant 0 : i32
        %dma_wait3A_24 = tpu.memref_slice %arg11[%mul3A_7, %dma_wait3A_23] : memref<10240x128xf32, #tpu.memory_space<vmem_shared>> -> memref<640x128xf32, #tpu.memory_space<vmem_shared>>
        tpu.wait_dma2 semaphore(%run_scoped3A : memref<!tpu.dma_semaphore, #tpu.memory_space<semaphore_mem>>) src(%dma_wait3A_24 : memref<640x128xf32, #tpu.memory_space<vmem_shared>>) dst(%dma_wait3A_22 : memref<640x128xf32, #tpu.memory_space<hbm>>)
        tpu.yield
      }) : () -> ()
    } else {
    }
    %eq3A_2 = arith.constant 1 : i32
    %eq3A_3 = arith.cmpi eq, %arg0, %eq3A_2 : i32
    %convert_element_type3A_4 = arith.extui %eq3A_3 : i1 to i32
    %cond3A_5 = arith.constant 0 : i32
    %cond3A_6 = arith.cmpi ne, %convert_element_type3A_4, %cond3A_5 : i32
    scf.if %cond3A_6 {
      %mul3A = arith.constant 640 : i32
      %mul3A_7 = arith.muli %arg1, %mul3A : i32
      "tpu.region"() ({
        %run_scoped3A = tpu.sem_alloc : memref<!tpu.dma_semaphore, #tpu.memory_space<semaphore_mem>>
        %dma_start3A_18 = arith.constant 0 : i32
        %dma_start3A_19 = tpu.memref_slice %arg11[%mul3A_7, %dma_start3A_18] : memref<10240x128xf32, #tpu.memory_space<vmem_shared>> -> memref<640x128xf32, #tpu.memory_space<vmem_shared>>
        tpu.enqueue_dma source(%arg5 : memref<640x128xf32, #tpu.memory_space<hbm>>) target(%dma_start3A_19 : memref<640x128xf32, #tpu.memory_space<vmem_shared>>) target_semaphore(%run_scoped3A : memref<!tpu.dma_semaphore, #tpu.memory_space<semaphore_mem>>)
        %dma_wait3A = arith.constant 0 : i32
        %dma_wait3A_20 = tpu.memref_slice %arg11[%mul3A_7, %dma_wait3A] : memref<10240x128xf32, #tpu.memory_space<vmem_shared>> -> memref<640x128xf32, #tpu.memory_space<vmem_shared>>
        tpu.wait_dma2 semaphore(%run_scoped3A : memref<!tpu.dma_semaphore, #tpu.memory_space<semaphore_mem>>) src(%arg5 : memref<640x128xf32, #tpu.memory_space<hbm>>) dst(%dma_wait3A_20 : memref<640x128xf32, #tpu.memory_space<vmem_shared>>)
        tpu.yield
      }) : () -> ()
      "tpu.region"() ({
        %run_scoped3A = tpu.sem_alloc : memref<!tpu.dma_semaphore, #tpu.memory_space<semaphore_mem>>
        tpu.enqueue_dma source(%arg4 : memref<80x128xf32, #tpu.memory_space<hbm>>) target(%arg10 : memref<80x128xf32, #tpu.memory_space<vmem>>) target_semaphore(%run_scoped3A : memref<!tpu.dma_semaphore, #tpu.memory_space<semaphore_mem>>)
        tpu.wait_dma2 semaphore(%run_scoped3A : memref<!tpu.dma_semaphore, #tpu.memory_space<semaphore_mem>>) src(%arg4 : memref<80x128xf32, #tpu.memory_space<hbm>>) dst(%arg10 : memref<80x128xf32, #tpu.memory_space<vmem>>)
        tpu.yield
      }) : () -> ()
      %barrier3A = arith.constant 0 : index
      tpu.barrier barrier_id(%barrier3A)
      %mul3A_8 = arith.constant 20000 : i32
      %mul3A_9 = arith.muli %arg1, %mul3A_8 : i32
      %add3A = arith.constant 0 : i32
      %add3A_10 = arith.addi %mul3A_9, %add3A : i32
      %dma_start3A = tpu.memref_slice %arg3[%add3A_10] : memref<320000xi32, #tpu.memory_space<hbm>> -> memref<80xi32, #tpu.memory_space<hbm>>
      %dma_start3A_11 = tpu.memref_slice %arg3[%add3A_10] : memref<320000xi32, #tpu.memory_space<hbm>> -> memref<80xi32, #tpu.memory_space<hbm>>
      tpu.enqueue_dma source(%dma_start3A_11 : memref<80xi32, #tpu.memory_space<hbm>>) target(%arg8 : memref<80xi32, #tpu.memory_space<vmem>>) target_semaphore(%arg12 : memref<!tpu.dma_semaphore, #tpu.memory_space<semaphore_mem>>)
      %scan3A = arith.constant 0 : i32
      %scan3A_12 = arith.constant 0 : i32
      %scan3A_13 = arith.constant 125 : i32
      %scan3A_14 = arith.addi %scan3A_12, %scan3A_13 : i32
      %scan3A_15 = arith.constant 1 : i32
      scf.for %scan3A_18 = %scan3A_12 to %scan3A_14 step %scan3A_15  : i32 {
        %mul3A_19 = arith.constant 2 : i32
        %mul3A_20 = arith.muli %mul3A_19, %scan3A_18 : i32
        %add3A_21 = arith.constant 1 : i32
        %add3A_22 = arith.addi %mul3A_20, %add3A_21 : i32
        %mul3A_23 = arith.constant 80 : i32
        %mul3A_24 = arith.muli %add3A_22, %mul3A_23 : i32
        %add3A_25 = arith.addi %mul3A_9, %mul3A_24 : i32
        %dma_start3A_26 = tpu.memref_slice %arg3[%add3A_25] : memref<320000xi32, #tpu.memory_space<hbm>> -> memref<80xi32, #tpu.memory_space<hbm>>
        %dma_start3A_27 = tpu.memref_slice %arg3[%add3A_25] : memref<320000xi32, #tpu.memory_space<hbm>> -> memref<80xi32, #tpu.memory_space<hbm>>
        tpu.enqueue_dma source(%dma_start3A_27 : memref<80xi32, #tpu.memory_space<hbm>>) target(%arg9 : memref<80xi32, #tpu.memory_space<vmem>>) target_semaphore(%arg13 : memref<!tpu.dma_semaphore, #tpu.memory_space<semaphore_mem>>)
        %dma_wait3A = arith.constant 0 : i32
        %dma_wait3A_28 = tpu.memref_slice %arg3[%dma_wait3A] : memref<320000xi32, #tpu.memory_space<hbm>> -> memref<80xi32, #tpu.memory_space<hbm>>
        %dma_wait3A_29 = arith.constant 0 : i32
        %dma_wait3A_30 = tpu.memref_slice %arg3[%dma_wait3A_29] : memref<320000xi32, #tpu.memory_space<hbm>> -> memref<80xi32, #tpu.memory_space<hbm>>
        tpu.wait_dma2 semaphore(%arg12 : memref<!tpu.dma_semaphore, #tpu.memory_space<semaphore_mem>>) src(%dma_wait3A_30 : memref<80xi32, #tpu.memory_space<hbm>>) dst(%arg8 : memref<80xi32, #tpu.memory_space<vmem>>)
        "tpu.region"() ({
          %run_scoped3A = tpu.sem_alloc : memref<!tpu.dma_semaphore, #tpu.memory_space<semaphore_mem>>
          %dma_start3A_39 = arith.constant 0 : i32
          %dma_start3A_40 = arith.constant 0 : i32
          %dma_start3A_41 = tpu.memref_slice %arg11[%dma_start3A_39, %dma_start3A_40] : memref<10240x128xf32, #tpu.memory_space<vmem_shared>> -> memref<10240x128xf32, #tpu.memory_space<vmem_shared>>
          tpu.enqueue_indirect_dma source(%arg10 : memref<80x128xf32, #tpu.memory_space<vmem>>) target(%dma_start3A_41 : memref<10240x128xf32, #tpu.memory_space<vmem_shared>>) offsets(%arg8 : memref<80xi32, #tpu.memory_space<vmem>>) semaphore(%run_scoped3A : memref<!tpu.dma_semaphore, #tpu.memory_space<semaphore_mem>>) {add = true}
          %dma_wait3A_42 = arith.constant 0 : i32
          %dma_wait3A_43 = arith.constant 0 : i32
          %dma_wait3A_44 = tpu.memref_slice %arg11[%dma_wait3A_42, %dma_wait3A_43] : memref<10240x128xf32, #tpu.memory_space<vmem_shared>> -> memref<10240x128xf32, #tpu.memory_space<vmem_shared>>
          tpu.wait_indirect_dma semaphore(%run_scoped3A : memref<!tpu.dma_semaphore, #tpu.memory_space<semaphore_mem>>) src(%arg10 : memref<80x128xf32, #tpu.memory_space<vmem>>) dst(%dma_wait3A_44 : memref<10240x128xf32, #tpu.memory_space<vmem_shared>>)
          tpu.yield
        }) : () -> ()
        %lt3A = arith.constant 124 : i32
        %lt3A_31 = arith.cmpi slt, %scan3A_18, %lt3A : i32
        %convert_element_type3A_32 = arith.extui %lt3A_31 : i1 to i32
        %cond3A_33 = arith.constant 0 : i32
        %cond3A_34 = arith.cmpi ne, %convert_element_type3A_32, %cond3A_33 : i32
        scf.if %cond3A_34 {
          %mul3A_39 = arith.constant 2 : i32
          %mul3A_40 = arith.muli %mul3A_39, %scan3A_18 : i32
          %add3A_41 = arith.constant 2 : i32
          %add3A_42 = arith.addi %mul3A_40, %add3A_41 : i32
          %mul3A_43 = arith.constant 80 : i32
          %mul3A_44 = arith.muli %add3A_42, %mul3A_43 : i32
          %add3A_45 = arith.addi %mul3A_9, %mul3A_44 : i32
          %dma_start3A_46 = tpu.memref_slice %arg3[%add3A_45] : memref<320000xi32, #tpu.memory_space<hbm>> -> memref<80xi32, #tpu.memory_space<hbm>>
          %dma_start3A_47 = tpu.memref_slice %arg3[%add3A_45] : memref<320000xi32, #tpu.memory_space<hbm>> -> memref<80xi32, #tpu.memory_space<hbm>>
          tpu.enqueue_dma source(%dma_start3A_47 : memref<80xi32, #tpu.memory_space<hbm>>) target(%arg8 : memref<80xi32, #tpu.memory_space<vmem>>) target_semaphore(%arg12 : memref<!tpu.dma_semaphore, #tpu.memory_space<semaphore_mem>>)
        } else {
        }
        %dma_wait3A_35 = arith.constant 0 : i32
        %dma_wait3A_36 = tpu.memref_slice %arg3[%dma_wait3A_35] : memref<320000xi32, #tpu.memory_space<hbm>> -> memref<80xi32, #tpu.memory_space<hbm>>
        %dma_wait3A_37 = arith.constant 0 : i32
        %dma_wait3A_38 = tpu.memref_slice %arg3[%dma_wait3A_37] : memref<320000xi32, #tpu.memory_space<hbm>> -> memref<80xi32, #tpu.memory_space<hbm>>
        tpu.wait_dma2 semaphore(%arg13 : memref<!tpu.dma_semaphore, #tpu.memory_space<semaphore_mem>>) src(%dma_wait3A_38 : memref<80xi32, #tpu.memory_space<hbm>>) dst(%arg9 : memref<80xi32, #tpu.memory_space<vmem>>)
        "tpu.region"() ({
          %run_scoped3A = tpu.sem_alloc : memref<!tpu.dma_semaphore, #tpu.memory_space<semaphore_mem>>
          %dma_start3A_39 = arith.constant 0 : i32
          %dma_start3A_40 = arith.constant 0 : i32
          %dma_start3A_41 = tpu.memref_slice %arg11[%dma_start3A_39, %dma_start3A_40] : memref<10240x128xf32, #tpu.memory_space<vmem_shared>> -> memref<10240x128xf32, #tpu.memory_space<vmem_shared>>
          tpu.enqueue_indirect_dma source(%arg10 : memref<80x128xf32, #tpu.memory_space<vmem>>) target(%dma_start3A_41 : memref<10240x128xf32, #tpu.memory_space<vmem_shared>>) offsets(%arg9 : memref<80xi32, #tpu.memory_space<vmem>>) semaphore(%run_scoped3A : memref<!tpu.dma_semaphore, #tpu.memory_space<semaphore_mem>>) {add = true}
          %dma_wait3A_42 = arith.constant 0 : i32
          %dma_wait3A_43 = arith.constant 0 : i32
          %dma_wait3A_44 = tpu.memref_slice %arg11[%dma_wait3A_42, %dma_wait3A_43] : memref<10240x128xf32, #tpu.memory_space<vmem_shared>> -> memref<10240x128xf32, #tpu.memory_space<vmem_shared>>
          tpu.wait_indirect_dma semaphore(%run_scoped3A : memref<!tpu.dma_semaphore, #tpu.memory_space<semaphore_mem>>) src(%arg10 : memref<80x128xf32, #tpu.memory_space<vmem>>) dst(%dma_wait3A_44 : memref<10240x128xf32, #tpu.memory_space<vmem_shared>>)
          tpu.yield
        }) : () -> ()
      }
      %scan3A_16 = arith.constant 125 : i32
      %barrier3A_17 = arith.constant 0 : index
      tpu.barrier barrier_id(%barrier3A_17)
      "tpu.region"() ({
        %run_scoped3A = tpu.sem_alloc : memref<!tpu.dma_semaphore, #tpu.memory_space<semaphore_mem>>
        %dma_start3A_18 = arith.constant 0 : i32
        %dma_start3A_19 = tpu.memref_slice %arg7[%mul3A_7, %dma_start3A_18] : memref<10240x128xf32, #tpu.memory_space<hbm>> -> memref<640x128xf32, #tpu.memory_space<hbm>>
        %dma_start3A_20 = arith.constant 0 : i32
        %dma_start3A_21 = tpu.memref_slice %arg11[%mul3A_7, %dma_start3A_20] : memref<10240x128xf32, #tpu.memory_space<vmem_shared>> -> memref<640x128xf32, #tpu.memory_space<vmem_shared>>
        tpu.enqueue_dma source(%dma_start3A_21 : memref<640x128xf32, #tpu.memory_space<vmem_shared>>) target(%dma_start3A_19 : memref<640x128xf32, #tpu.memory_space<hbm>>) target_semaphore(%run_scoped3A : memref<!tpu.dma_semaphore, #tpu.memory_space<semaphore_mem>>)
        %dma_wait3A = arith.constant 0 : i32
        %dma_wait3A_22 = tpu.memref_slice %arg7[%mul3A_7, %dma_wait3A] : memref<10240x128xf32, #tpu.memory_space<hbm>> -> memref<640x128xf32, #tpu.memory_space<hbm>>
        %dma_wait3A_23 = arith.constant 0 : i32
        %dma_wait3A_24 = tpu.memref_slice %arg11[%mul3A_7, %dma_wait3A_23] : memref<10240x128xf32, #tpu.memory_space<vmem_shared>> -> memref<640x128xf32, #tpu.memory_space<vmem_shared>>
        tpu.wait_dma2 semaphore(%run_scoped3A : memref<!tpu.dma_semaphore, #tpu.memory_space<semaphore_mem>>) src(%dma_wait3A_24 : memref<640x128xf32, #tpu.memory_space<vmem_shared>>) dst(%dma_wait3A_22 : memref<640x128xf32, #tpu.memory_space<hbm>>)
        tpu.yield
      }) : () -> ()
    } else {
    }
    return
  }
}

#map = affine_map<(d0, d1) -> (0)>
#map1 = affine_map<(d0, d1) -> (0, 0)>
module attributes {stable_mosaic.version = 14 : i64} {
  func.func @_agg_kernel(%arg0: i32, %arg1: i32, %arg2: memref<320000xi32, #tpu.memory_space<hbm>>, %arg3: memref<320000xi32, #tpu.memory_space<hbm>>, %arg4: memref<320000xi32, #tpu.memory_space<hbm>>, %arg5: memref<320000xi32, #tpu.memory_space<hbm>>, %arg6: memref<10000x128xf32, #tpu.memory_space<hbm>>, %arg7: memref<10000x128xf32, #tpu.memory_space<hbm>>, %arg8: memref<640x128xf32, #tpu.memory_space<hbm>>, %arg9: memref<10240x128xf32, #tpu.memory_space<hbm>>, %arg10: memref<10240x128xf32, #tpu.memory_space<hbm>>, %arg11: memref<80xi32, #tpu.memory_space<vmem>>, %arg12: memref<80xi32, #tpu.memory_space<vmem>>, %arg13: memref<80xi32, #tpu.memory_space<vmem>>, %arg14: memref<80xi32, #tpu.memory_space<vmem>>, %arg15: memref<80x128xf32, #tpu.memory_space<vmem>>, %arg16: memref<80x128xf32, #tpu.memory_space<vmem>>, %arg17: memref<10240x128xf32, #tpu.memory_space<vmem_shared>>, %arg18: memref<!tpu.dma_semaphore, #tpu.memory_space<semaphore_mem>>, %arg19: memref<!tpu.dma_semaphore, #tpu.memory_space<semaphore_mem>>) attributes {dimension_semantics = [#tpu.dimension_semantics<core_parallel>, #tpu.dimension_semantics<subcore_parallel>], iteration_bounds = array<i64: 2, 16>, scalar_prefetch = 0 : i64, scratch_operands = 9 : i64, tpu.core_type = #tpu.core_type<sc_vector_subcore>, window_params = [{transform_indices = #map}, {transform_indices = #map}, {transform_indices = #map}, {transform_indices = #map}, {transform_indices = #map1}, {transform_indices = #map1}, {transform_indices = #map1}, {transform_indices = #map1}, {transform_indices = #map1}]} {
    %eq3A = arith.constant 0 : i32
    %eq3A_0 = arith.cmpi eq, %arg0, %eq3A : i32
    %convert_element_type3A = arith.extui %eq3A_0 : i1 to i32
    %cond3A = arith.constant 0 : i32
    %cond3A_1 = arith.cmpi ne, %convert_element_type3A, %cond3A : i32
    scf.if %cond3A_1 {
      %mul3A = arith.constant 640 : i32
      %mul3A_7 = arith.muli %arg1, %mul3A : i32
      "tpu.region"() ({
        %run_scoped3A = tpu.sem_alloc : memref<!tpu.dma_semaphore, #tpu.memory_space<semaphore_mem>>
        %dma_start3A_19 = arith.constant 0 : i32
        %dma_start3A_20 = tpu.memref_slice %arg17[%mul3A_7, %dma_start3A_19] : memref<10240x128xf32, #tpu.memory_space<vmem_shared>> -> memref<640x128xf32, #tpu.memory_space<vmem_shared>>
        tpu.enqueue_dma source(%arg8 : memref<640x128xf32, #tpu.memory_space<hbm>>) target(%dma_start3A_20 : memref<640x128xf32, #tpu.memory_space<vmem_shared>>) target_semaphore(%run_scoped3A : memref<!tpu.dma_semaphore, #tpu.memory_space<semaphore_mem>>)
        %dma_wait3A = arith.constant 0 : i32
        %dma_wait3A_21 = tpu.memref_slice %arg17[%mul3A_7, %dma_wait3A] : memref<10240x128xf32, #tpu.memory_space<vmem_shared>> -> memref<640x128xf32, #tpu.memory_space<vmem_shared>>
        tpu.wait_dma2 semaphore(%run_scoped3A : memref<!tpu.dma_semaphore, #tpu.memory_space<semaphore_mem>>) src(%arg8 : memref<640x128xf32, #tpu.memory_space<hbm>>) dst(%dma_wait3A_21 : memref<640x128xf32, #tpu.memory_space<vmem_shared>>)
        tpu.yield
      }) : () -> ()
      %barrier3A = arith.constant 0 : index
      tpu.barrier barrier_id(%barrier3A)
      %mul3A_8 = arith.constant 20000 : i32
      %mul3A_9 = arith.muli %arg1, %mul3A_8 : i32
      %add3A = arith.constant 0 : i32
      %add3A_10 = arith.addi %mul3A_9, %add3A : i32
      "tpu.region"() ({
        %run_scoped3A = tpu.sem_alloc : memref<!tpu.dma_semaphore, #tpu.memory_space<semaphore_mem>>
        %dma_start3A_19 = tpu.memref_slice %arg2[%add3A_10] : memref<320000xi32, #tpu.memory_space<hbm>> -> memref<80xi32, #tpu.memory_space<hbm>>
        %dma_start3A_20 = tpu.memref_slice %arg2[%add3A_10] : memref<320000xi32, #tpu.memory_space<hbm>> -> memref<80xi32, #tpu.memory_space<hbm>>
        tpu.enqueue_dma source(%dma_start3A_20 : memref<80xi32, #tpu.memory_space<hbm>>) target(%arg11 : memref<80xi32, #tpu.memory_space<vmem>>) target_semaphore(%run_scoped3A : memref<!tpu.dma_semaphore, #tpu.memory_space<semaphore_mem>>)
        %dma_wait3A = tpu.memref_slice %arg2[%add3A_10] : memref<320000xi32, #tpu.memory_space<hbm>> -> memref<80xi32, #tpu.memory_space<hbm>>
        %dma_wait3A_21 = tpu.memref_slice %arg2[%add3A_10] : memref<320000xi32, #tpu.memory_space<hbm>> -> memref<80xi32, #tpu.memory_space<hbm>>
        tpu.wait_dma2 semaphore(%run_scoped3A : memref<!tpu.dma_semaphore, #tpu.memory_space<semaphore_mem>>) src(%dma_wait3A_21 : memref<80xi32, #tpu.memory_space<hbm>>) dst(%arg11 : memref<80xi32, #tpu.memory_space<vmem>>)
        tpu.yield
      }) : () -> ()
      "tpu.region"() ({
        %run_scoped3A = tpu.sem_alloc : memref<!tpu.dma_semaphore, #tpu.memory_space<semaphore_mem>>
        %dma_start3A_19 = tpu.memref_slice %arg3[%add3A_10] : memref<320000xi32, #tpu.memory_space<hbm>> -> memref<80xi32, #tpu.memory_space<hbm>>
        %dma_start3A_20 = tpu.memref_slice %arg3[%add3A_10] : memref<320000xi32, #tpu.memory_space<hbm>> -> memref<80xi32, #tpu.memory_space<hbm>>
        tpu.enqueue_dma source(%dma_start3A_20 : memref<80xi32, #tpu.memory_space<hbm>>) target(%arg12 : memref<80xi32, #tpu.memory_space<vmem>>) target_semaphore(%run_scoped3A : memref<!tpu.dma_semaphore, #tpu.memory_space<semaphore_mem>>)
        %dma_wait3A = tpu.memref_slice %arg3[%add3A_10] : memref<320000xi32, #tpu.memory_space<hbm>> -> memref<80xi32, #tpu.memory_space<hbm>>
        %dma_wait3A_21 = tpu.memref_slice %arg3[%add3A_10] : memref<320000xi32, #tpu.memory_space<hbm>> -> memref<80xi32, #tpu.memory_space<hbm>>
        tpu.wait_dma2 semaphore(%run_scoped3A : memref<!tpu.dma_semaphore, #tpu.memory_space<semaphore_mem>>) src(%dma_wait3A_21 : memref<80xi32, #tpu.memory_space<hbm>>) dst(%arg12 : memref<80xi32, #tpu.memory_space<vmem>>)
        tpu.yield
      }) : () -> ()
      %dma_start3A = arith.constant 0 : i32
      %dma_start3A_11 = arith.constant 0 : i32
      %dma_start3A_12 = tpu.memref_slice %arg6[%dma_start3A, %dma_start3A_11] : memref<10000x128xf32, #tpu.memory_space<hbm>> -> memref<10000x128xf32, #tpu.memory_space<hbm>>
      tpu.enqueue_indirect_dma source(%dma_start3A_12 : memref<10000x128xf32, #tpu.memory_space<hbm>>) target(%arg15 : memref<80x128xf32, #tpu.memory_space<vmem>>) offsets(%arg11 : memref<80xi32, #tpu.memory_space<vmem>>) semaphore(%arg18 : memref<!tpu.dma_semaphore, #tpu.memory_space<semaphore_mem>>)
      %scan3A = arith.constant 0 : i32
      %scan3A_13 = arith.constant 0 : i32
      %scan3A_14 = arith.constant 125 : i32
      %scan3A_15 = arith.addi %scan3A_13, %scan3A_14 : i32
      %scan3A_16 = arith.constant 1 : i32
      scf.for %scan3A_19 = %scan3A_13 to %scan3A_15 step %scan3A_16  : i32 {
        %mul3A_20 = arith.constant 2 : i32
        %mul3A_21 = arith.muli %mul3A_20, %scan3A_19 : i32
        %add3A_22 = arith.constant 1 : i32
        %add3A_23 = arith.addi %mul3A_21, %add3A_22 : i32
        %mul3A_24 = arith.constant 80 : i32
        %mul3A_25 = arith.muli %add3A_23, %mul3A_24 : i32
        %add3A_26 = arith.addi %mul3A_9, %mul3A_25 : i32
        "tpu.region"() ({
          %run_scoped3A = tpu.sem_alloc : memref<!tpu.dma_semaphore, #tpu.memory_space<semaphore_mem>>
          %dma_start3A_39 = tpu.memref_slice %arg2[%add3A_26] : memref<320000xi32, #tpu.memory_space<hbm>> -> memref<80xi32, #tpu.memory_space<hbm>>
          %dma_start3A_40 = tpu.memref_slice %arg2[%add3A_26] : memref<320000xi32, #tpu.memory_space<hbm>> -> memref<80xi32, #tpu.memory_space<hbm>>
          tpu.enqueue_dma source(%dma_start3A_40 : memref<80xi32, #tpu.memory_space<hbm>>) target(%arg13 : memref<80xi32, #tpu.memory_space<vmem>>) target_semaphore(%run_scoped3A : memref<!tpu.dma_semaphore, #tpu.memory_space<semaphore_mem>>)
          %dma_wait3A_41 = tpu.memref_slice %arg2[%add3A_26] : memref<320000xi32, #tpu.memory_space<hbm>> -> memref<80xi32, #tpu.memory_space<hbm>>
          %dma_wait3A_42 = tpu.memref_slice %arg2[%add3A_26] : memref<320000xi32, #tpu.memory_space<hbm>> -> memref<80xi32, #tpu.memory_space<hbm>>
          tpu.wait_dma2 semaphore(%run_scoped3A : memref<!tpu.dma_semaphore, #tpu.memory_space<semaphore_mem>>) src(%dma_wait3A_42 : memref<80xi32, #tpu.memory_space<hbm>>) dst(%arg13 : memref<80xi32, #tpu.memory_space<vmem>>)
          tpu.yield
        }) : () -> ()
        "tpu.region"() ({
          %run_scoped3A = tpu.sem_alloc : memref<!tpu.dma_semaphore, #tpu.memory_space<semaphore_mem>>
          %dma_start3A_39 = tpu.memref_slice %arg3[%add3A_26] : memref<320000xi32, #tpu.memory_space<hbm>> -> memref<80xi32, #tpu.memory_space<hbm>>
          %dma_start3A_40 = tpu.memref_slice %arg3[%add3A_26] : memref<320000xi32, #tpu.memory_space<hbm>> -> memref<80xi32, #tpu.memory_space<hbm>>
          tpu.enqueue_dma source(%dma_start3A_40 : memref<80xi32, #tpu.memory_space<hbm>>) target(%arg14 : memref<80xi32, #tpu.memory_space<vmem>>) target_semaphore(%run_scoped3A : memref<!tpu.dma_semaphore, #tpu.memory_space<semaphore_mem>>)
          %dma_wait3A_41 = tpu.memref_slice %arg3[%add3A_26] : memref<320000xi32, #tpu.memory_space<hbm>> -> memref<80xi32, #tpu.memory_space<hbm>>
          %dma_wait3A_42 = tpu.memref_slice %arg3[%add3A_26] : memref<320000xi32, #tpu.memory_space<hbm>> -> memref<80xi32, #tpu.memory_space<hbm>>
          tpu.wait_dma2 semaphore(%run_scoped3A : memref<!tpu.dma_semaphore, #tpu.memory_space<semaphore_mem>>) src(%dma_wait3A_42 : memref<80xi32, #tpu.memory_space<hbm>>) dst(%arg14 : memref<80xi32, #tpu.memory_space<vmem>>)
          tpu.yield
        }) : () -> ()
        %dma_start3A_27 = arith.constant 0 : i32
        %dma_start3A_28 = arith.constant 0 : i32
        %dma_start3A_29 = tpu.memref_slice %arg6[%dma_start3A_27, %dma_start3A_28] : memref<10000x128xf32, #tpu.memory_space<hbm>> -> memref<10000x128xf32, #tpu.memory_space<hbm>>
        tpu.enqueue_indirect_dma source(%dma_start3A_29 : memref<10000x128xf32, #tpu.memory_space<hbm>>) target(%arg16 : memref<80x128xf32, #tpu.memory_space<vmem>>) offsets(%arg13 : memref<80xi32, #tpu.memory_space<vmem>>) semaphore(%arg19 : memref<!tpu.dma_semaphore, #tpu.memory_space<semaphore_mem>>)
        %dma_wait3A = arith.constant 0 : i32
        %dma_wait3A_30 = arith.constant 0 : i32
        %dma_wait3A_31 = tpu.memref_slice %arg6[%dma_wait3A, %dma_wait3A_30] : memref<10000x128xf32, #tpu.memory_space<hbm>> -> memref<10000x128xf32, #tpu.memory_space<hbm>>
        tpu.wait_indirect_dma semaphore(%arg18 : memref<!tpu.dma_semaphore, #tpu.memory_space<semaphore_mem>>) src(%dma_wait3A_31 : memref<10000x128xf32, #tpu.memory_space<hbm>>) dst(%arg15 : memref<80x128xf32, #tpu.memory_space<vmem>>)
        "tpu.region"() ({
          %run_scoped3A = tpu.sem_alloc : memref<!tpu.dma_semaphore, #tpu.memory_space<semaphore_mem>>
          %dma_start3A_39 = arith.constant 0 : i32
          %dma_start3A_40 = arith.constant 0 : i32
          %dma_start3A_41 = tpu.memref_slice %arg17[%dma_start3A_39, %dma_start3A_40] : memref<10240x128xf32, #tpu.memory_space<vmem_shared>> -> memref<10240x128xf32, #tpu.memory_space<vmem_shared>>
          tpu.enqueue_indirect_dma source(%arg15 : memref<80x128xf32, #tpu.memory_space<vmem>>) target(%dma_start3A_41 : memref<10240x128xf32, #tpu.memory_space<vmem_shared>>) offsets(%arg12 : memref<80xi32, #tpu.memory_space<vmem>>) semaphore(%run_scoped3A : memref<!tpu.dma_semaphore, #tpu.memory_space<semaphore_mem>>) {add = true}
          %dma_wait3A_42 = arith.constant 0 : i32
          %dma_wait3A_43 = arith.constant 0 : i32
          %dma_wait3A_44 = tpu.memref_slice %arg17[%dma_wait3A_42, %dma_wait3A_43] : memref<10240x128xf32, #tpu.memory_space<vmem_shared>> -> memref<10240x128xf32, #tpu.memory_space<vmem_shared>>
          tpu.wait_indirect_dma semaphore(%run_scoped3A : memref<!tpu.dma_semaphore, #tpu.memory_space<semaphore_mem>>) src(%arg15 : memref<80x128xf32, #tpu.memory_space<vmem>>) dst(%dma_wait3A_44 : memref<10240x128xf32, #tpu.memory_space<vmem_shared>>)
          tpu.yield
        }) : () -> ()
        %lt3A = arith.constant 124 : i32
        %lt3A_32 = arith.cmpi slt, %scan3A_19, %lt3A : i32
        %convert_element_type3A_33 = arith.extui %lt3A_32 : i1 to i32
        %cond3A_34 = arith.constant 0 : i32
        %cond3A_35 = arith.cmpi ne, %convert_element_type3A_33, %cond3A_34 : i32
        scf.if %cond3A_35 {
          %mul3A_39 = arith.constant 2 : i32
          %mul3A_40 = arith.muli %mul3A_39, %scan3A_19 : i32
          %add3A_41 = arith.constant 2 : i32
          %add3A_42 = arith.addi %mul3A_40, %add3A_41 : i32
          %mul3A_43 = arith.constant 80 : i32
          %mul3A_44 = arith.muli %add3A_42, %mul3A_43 : i32
          %add3A_45 = arith.addi %mul3A_9, %mul3A_44 : i32
          "tpu.region"() ({
            %run_scoped3A = tpu.sem_alloc : memref<!tpu.dma_semaphore, #tpu.memory_space<semaphore_mem>>
            %dma_start3A_49 = tpu.memref_slice %arg2[%add3A_45] : memref<320000xi32, #tpu.memory_space<hbm>> -> memref<80xi32, #tpu.memory_space<hbm>>
            %dma_start3A_50 = tpu.memref_slice %arg2[%add3A_45] : memref<320000xi32, #tpu.memory_space<hbm>> -> memref<80xi32, #tpu.memory_space<hbm>>
            tpu.enqueue_dma source(%dma_start3A_50 : memref<80xi32, #tpu.memory_space<hbm>>) target(%arg11 : memref<80xi32, #tpu.memory_space<vmem>>) target_semaphore(%run_scoped3A : memref<!tpu.dma_semaphore, #tpu.memory_space<semaphore_mem>>)
            %dma_wait3A_51 = tpu.memref_slice %arg2[%add3A_45] : memref<320000xi32, #tpu.memory_space<hbm>> -> memref<80xi32, #tpu.memory_space<hbm>>
            %dma_wait3A_52 = tpu.memref_slice %arg2[%add3A_45] : memref<320000xi32, #tpu.memory_space<hbm>> -> memref<80xi32, #tpu.memory_space<hbm>>
            tpu.wait_dma2 semaphore(%run_scoped3A : memref<!tpu.dma_semaphore, #tpu.memory_space<semaphore_mem>>) src(%dma_wait3A_52 : memref<80xi32, #tpu.memory_space<hbm>>) dst(%arg11 : memref<80xi32, #tpu.memory_space<vmem>>)
            tpu.yield
          }) : () -> ()
          "tpu.region"() ({
            %run_scoped3A = tpu.sem_alloc : memref<!tpu.dma_semaphore, #tpu.memory_space<semaphore_mem>>
            %dma_start3A_49 = tpu.memref_slice %arg3[%add3A_45] : memref<320000xi32, #tpu.memory_space<hbm>> -> memref<80xi32, #tpu.memory_space<hbm>>
            %dma_start3A_50 = tpu.memref_slice %arg3[%add3A_45] : memref<320000xi32, #tpu.memory_space<hbm>> -> memref<80xi32, #tpu.memory_space<hbm>>
            tpu.enqueue_dma source(%dma_start3A_50 : memref<80xi32, #tpu.memory_space<hbm>>) target(%arg12 : memref<80xi32, #tpu.memory_space<vmem>>) target_semaphore(%run_scoped3A : memref<!tpu.dma_semaphore, #tpu.memory_space<semaphore_mem>>)
            %dma_wait3A_51 = tpu.memref_slice %arg3[%add3A_45] : memref<320000xi32, #tpu.memory_space<hbm>> -> memref<80xi32, #tpu.memory_space<hbm>>
            %dma_wait3A_52 = tpu.memref_slice %arg3[%add3A_45] : memref<320000xi32, #tpu.memory_space<hbm>> -> memref<80xi32, #tpu.memory_space<hbm>>
            tpu.wait_dma2 semaphore(%run_scoped3A : memref<!tpu.dma_semaphore, #tpu.memory_space<semaphore_mem>>) src(%dma_wait3A_52 : memref<80xi32, #tpu.memory_space<hbm>>) dst(%arg12 : memref<80xi32, #tpu.memory_space<vmem>>)
            tpu.yield
          }) : () -> ()
          %dma_start3A_46 = arith.constant 0 : i32
          %dma_start3A_47 = arith.constant 0 : i32
          %dma_start3A_48 = tpu.memref_slice %arg6[%dma_start3A_46, %dma_start3A_47] : memref<10000x128xf32, #tpu.memory_space<hbm>> -> memref<10000x128xf32, #tpu.memory_space<hbm>>
          tpu.enqueue_indirect_dma source(%dma_start3A_48 : memref<10000x128xf32, #tpu.memory_space<hbm>>) target(%arg15 : memref<80x128xf32, #tpu.memory_space<vmem>>) offsets(%arg11 : memref<80xi32, #tpu.memory_space<vmem>>) semaphore(%arg18 : memref<!tpu.dma_semaphore, #tpu.memory_space<semaphore_mem>>)
        } else {
        }
        %dma_wait3A_36 = arith.constant 0 : i32
        %dma_wait3A_37 = arith.constant 0 : i32
        %dma_wait3A_38 = tpu.memref_slice %arg6[%dma_wait3A_36, %dma_wait3A_37] : memref<10000x128xf32, #tpu.memory_space<hbm>> -> memref<10000x128xf32, #tpu.memory_space<hbm>>
        tpu.wait_indirect_dma semaphore(%arg19 : memref<!tpu.dma_semaphore, #tpu.memory_space<semaphore_mem>>) src(%dma_wait3A_38 : memref<10000x128xf32, #tpu.memory_space<hbm>>) dst(%arg16 : memref<80x128xf32, #tpu.memory_space<vmem>>)
        "tpu.region"() ({
          %run_scoped3A = tpu.sem_alloc : memref<!tpu.dma_semaphore, #tpu.memory_space<semaphore_mem>>
          %dma_start3A_39 = arith.constant 0 : i32
          %dma_start3A_40 = arith.constant 0 : i32
          %dma_start3A_41 = tpu.memref_slice %arg17[%dma_start3A_39, %dma_start3A_40] : memref<10240x128xf32, #tpu.memory_space<vmem_shared>> -> memref<10240x128xf32, #tpu.memory_space<vmem_shared>>
          tpu.enqueue_indirect_dma source(%arg16 : memref<80x128xf32, #tpu.memory_space<vmem>>) target(%dma_start3A_41 : memref<10240x128xf32, #tpu.memory_space<vmem_shared>>) offsets(%arg14 : memref<80xi32, #tpu.memory_space<vmem>>) semaphore(%run_scoped3A : memref<!tpu.dma_semaphore, #tpu.memory_space<semaphore_mem>>) {add = true}
          %dma_wait3A_42 = arith.constant 0 : i32
          %dma_wait3A_43 = arith.constant 0 : i32
          %dma_wait3A_44 = tpu.memref_slice %arg17[%dma_wait3A_42, %dma_wait3A_43] : memref<10240x128xf32, #tpu.memory_space<vmem_shared>> -> memref<10240x128xf32, #tpu.memory_space<vmem_shared>>
          tpu.wait_indirect_dma semaphore(%run_scoped3A : memref<!tpu.dma_semaphore, #tpu.memory_space<semaphore_mem>>) src(%arg16 : memref<80x128xf32, #tpu.memory_space<vmem>>) dst(%dma_wait3A_44 : memref<10240x128xf32, #tpu.memory_space<vmem_shared>>)
          tpu.yield
        }) : () -> ()
      }
      %scan3A_17 = arith.constant 125 : i32
      %barrier3A_18 = arith.constant 0 : index
      tpu.barrier barrier_id(%barrier3A_18)
      "tpu.region"() ({
        %run_scoped3A = tpu.sem_alloc : memref<!tpu.dma_semaphore, #tpu.memory_space<semaphore_mem>>
        %dma_start3A_19 = arith.constant 0 : i32
        %dma_start3A_20 = tpu.memref_slice %arg9[%mul3A_7, %dma_start3A_19] : memref<10240x128xf32, #tpu.memory_space<hbm>> -> memref<640x128xf32, #tpu.memory_space<hbm>>
        %dma_start3A_21 = arith.constant 0 : i32
        %dma_start3A_22 = tpu.memref_slice %arg17[%mul3A_7, %dma_start3A_21] : memref<10240x128xf32, #tpu.memory_space<vmem_shared>> -> memref<640x128xf32, #tpu.memory_space<vmem_shared>>
        tpu.enqueue_dma source(%dma_start3A_22 : memref<640x128xf32, #tpu.memory_space<vmem_shared>>) target(%dma_start3A_20 : memref<640x128xf32, #tpu.memory_space<hbm>>) target_semaphore(%run_scoped3A : memref<!tpu.dma_semaphore, #tpu.memory_space<semaphore_mem>>)
        %dma_wait3A = arith.constant 0 : i32
        %dma_wait3A_23 = tpu.memref_slice %arg9[%mul3A_7, %dma_wait3A] : memref<10240x128xf32, #tpu.memory_space<hbm>> -> memref<640x128xf32, #tpu.memory_space<hbm>>
        %dma_wait3A_24 = arith.constant 0 : i32
        %dma_wait3A_25 = tpu.memref_slice %arg17[%mul3A_7, %dma_wait3A_24] : memref<10240x128xf32, #tpu.memory_space<vmem_shared>> -> memref<640x128xf32, #tpu.memory_space<vmem_shared>>
        tpu.wait_dma2 semaphore(%run_scoped3A : memref<!tpu.dma_semaphore, #tpu.memory_space<semaphore_mem>>) src(%dma_wait3A_25 : memref<640x128xf32, #tpu.memory_space<vmem_shared>>) dst(%dma_wait3A_23 : memref<640x128xf32, #tpu.memory_space<hbm>>)
        tpu.yield
      }) : () -> ()
    } else {
    }
    %eq3A_2 = arith.constant 1 : i32
    %eq3A_3 = arith.cmpi eq, %arg0, %eq3A_2 : i32
    %convert_element_type3A_4 = arith.extui %eq3A_3 : i1 to i32
    %cond3A_5 = arith.constant 0 : i32
    %cond3A_6 = arith.cmpi ne, %convert_element_type3A_4, %cond3A_5 : i32
    scf.if %cond3A_6 {
      %mul3A = arith.constant 640 : i32
      %mul3A_7 = arith.muli %arg1, %mul3A : i32
      "tpu.region"() ({
        %run_scoped3A = tpu.sem_alloc : memref<!tpu.dma_semaphore, #tpu.memory_space<semaphore_mem>>
        %dma_start3A_19 = arith.constant 0 : i32
        %dma_start3A_20 = tpu.memref_slice %arg17[%mul3A_7, %dma_start3A_19] : memref<10240x128xf32, #tpu.memory_space<vmem_shared>> -> memref<640x128xf32, #tpu.memory_space<vmem_shared>>
        tpu.enqueue_dma source(%arg8 : memref<640x128xf32, #tpu.memory_space<hbm>>) target(%dma_start3A_20 : memref<640x128xf32, #tpu.memory_space<vmem_shared>>) target_semaphore(%run_scoped3A : memref<!tpu.dma_semaphore, #tpu.memory_space<semaphore_mem>>)
        %dma_wait3A = arith.constant 0 : i32
        %dma_wait3A_21 = tpu.memref_slice %arg17[%mul3A_7, %dma_wait3A] : memref<10240x128xf32, #tpu.memory_space<vmem_shared>> -> memref<640x128xf32, #tpu.memory_space<vmem_shared>>
        tpu.wait_dma2 semaphore(%run_scoped3A : memref<!tpu.dma_semaphore, #tpu.memory_space<semaphore_mem>>) src(%arg8 : memref<640x128xf32, #tpu.memory_space<hbm>>) dst(%dma_wait3A_21 : memref<640x128xf32, #tpu.memory_space<vmem_shared>>)
        tpu.yield
      }) : () -> ()
      %barrier3A = arith.constant 0 : index
      tpu.barrier barrier_id(%barrier3A)
      %mul3A_8 = arith.constant 20000 : i32
      %mul3A_9 = arith.muli %arg1, %mul3A_8 : i32
      %add3A = arith.constant 0 : i32
      %add3A_10 = arith.addi %mul3A_9, %add3A : i32
      "tpu.region"() ({
        %run_scoped3A = tpu.sem_alloc : memref<!tpu.dma_semaphore, #tpu.memory_space<semaphore_mem>>
        %dma_start3A_19 = tpu.memref_slice %arg4[%add3A_10] : memref<320000xi32, #tpu.memory_space<hbm>> -> memref<80xi32, #tpu.memory_space<hbm>>
        %dma_start3A_20 = tpu.memref_slice %arg4[%add3A_10] : memref<320000xi32, #tpu.memory_space<hbm>> -> memref<80xi32, #tpu.memory_space<hbm>>
        tpu.enqueue_dma source(%dma_start3A_20 : memref<80xi32, #tpu.memory_space<hbm>>) target(%arg11 : memref<80xi32, #tpu.memory_space<vmem>>) target_semaphore(%run_scoped3A : memref<!tpu.dma_semaphore, #tpu.memory_space<semaphore_mem>>)
        %dma_wait3A = tpu.memref_slice %arg4[%add3A_10] : memref<320000xi32, #tpu.memory_space<hbm>> -> memref<80xi32, #tpu.memory_space<hbm>>
        %dma_wait3A_21 = tpu.memref_slice %arg4[%add3A_10] : memref<320000xi32, #tpu.memory_space<hbm>> -> memref<80xi32, #tpu.memory_space<hbm>>
        tpu.wait_dma2 semaphore(%run_scoped3A : memref<!tpu.dma_semaphore, #tpu.memory_space<semaphore_mem>>) src(%dma_wait3A_21 : memref<80xi32, #tpu.memory_space<hbm>>) dst(%arg11 : memref<80xi32, #tpu.memory_space<vmem>>)
        tpu.yield
      }) : () -> ()
      "tpu.region"() ({
        %run_scoped3A = tpu.sem_alloc : memref<!tpu.dma_semaphore, #tpu.memory_space<semaphore_mem>>
        %dma_start3A_19 = tpu.memref_slice %arg5[%add3A_10] : memref<320000xi32, #tpu.memory_space<hbm>> -> memref<80xi32, #tpu.memory_space<hbm>>
        %dma_start3A_20 = tpu.memref_slice %arg5[%add3A_10] : memref<320000xi32, #tpu.memory_space<hbm>> -> memref<80xi32, #tpu.memory_space<hbm>>
        tpu.enqueue_dma source(%dma_start3A_20 : memref<80xi32, #tpu.memory_space<hbm>>) target(%arg12 : memref<80xi32, #tpu.memory_space<vmem>>) target_semaphore(%run_scoped3A : memref<!tpu.dma_semaphore, #tpu.memory_space<semaphore_mem>>)
        %dma_wait3A = tpu.memref_slice %arg5[%add3A_10] : memref<320000xi32, #tpu.memory_space<hbm>> -> memref<80xi32, #tpu.memory_space<hbm>>
        %dma_wait3A_21 = tpu.memref_slice %arg5[%add3A_10] : memref<320000xi32, #tpu.memory_space<hbm>> -> memref<80xi32, #tpu.memory_space<hbm>>
        tpu.wait_dma2 semaphore(%run_scoped3A : memref<!tpu.dma_semaphore, #tpu.memory_space<semaphore_mem>>) src(%dma_wait3A_21 : memref<80xi32, #tpu.memory_space<hbm>>) dst(%arg12 : memref<80xi32, #tpu.memory_space<vmem>>)
        tpu.yield
      }) : () -> ()
      %dma_start3A = arith.constant 0 : i32
      %dma_start3A_11 = arith.constant 0 : i32
      %dma_start3A_12 = tpu.memref_slice %arg7[%dma_start3A, %dma_start3A_11] : memref<10000x128xf32, #tpu.memory_space<hbm>> -> memref<10000x128xf32, #tpu.memory_space<hbm>>
      tpu.enqueue_indirect_dma source(%dma_start3A_12 : memref<10000x128xf32, #tpu.memory_space<hbm>>) target(%arg15 : memref<80x128xf32, #tpu.memory_space<vmem>>) offsets(%arg11 : memref<80xi32, #tpu.memory_space<vmem>>) semaphore(%arg18 : memref<!tpu.dma_semaphore, #tpu.memory_space<semaphore_mem>>)
      %scan3A = arith.constant 0 : i32
      %scan3A_13 = arith.constant 0 : i32
      %scan3A_14 = arith.constant 125 : i32
      %scan3A_15 = arith.addi %scan3A_13, %scan3A_14 : i32
      %scan3A_16 = arith.constant 1 : i32
      scf.for %scan3A_19 = %scan3A_13 to %scan3A_15 step %scan3A_16  : i32 {
        %mul3A_20 = arith.constant 2 : i32
        %mul3A_21 = arith.muli %mul3A_20, %scan3A_19 : i32
        %add3A_22 = arith.constant 1 : i32
        %add3A_23 = arith.addi %mul3A_21, %add3A_22 : i32
        %mul3A_24 = arith.constant 80 : i32
        %mul3A_25 = arith.muli %add3A_23, %mul3A_24 : i32
        %add3A_26 = arith.addi %mul3A_9, %mul3A_25 : i32
        "tpu.region"() ({
          %run_scoped3A = tpu.sem_alloc : memref<!tpu.dma_semaphore, #tpu.memory_space<semaphore_mem>>
          %dma_start3A_39 = tpu.memref_slice %arg4[%add3A_26] : memref<320000xi32, #tpu.memory_space<hbm>> -> memref<80xi32, #tpu.memory_space<hbm>>
          %dma_start3A_40 = tpu.memref_slice %arg4[%add3A_26] : memref<320000xi32, #tpu.memory_space<hbm>> -> memref<80xi32, #tpu.memory_space<hbm>>
          tpu.enqueue_dma source(%dma_start3A_40 : memref<80xi32, #tpu.memory_space<hbm>>) target(%arg13 : memref<80xi32, #tpu.memory_space<vmem>>) target_semaphore(%run_scoped3A : memref<!tpu.dma_semaphore, #tpu.memory_space<semaphore_mem>>)
          %dma_wait3A_41 = tpu.memref_slice %arg4[%add3A_26] : memref<320000xi32, #tpu.memory_space<hbm>> -> memref<80xi32, #tpu.memory_space<hbm>>
          %dma_wait3A_42 = tpu.memref_slice %arg4[%add3A_26] : memref<320000xi32, #tpu.memory_space<hbm>> -> memref<80xi32, #tpu.memory_space<hbm>>
          tpu.wait_dma2 semaphore(%run_scoped3A : memref<!tpu.dma_semaphore, #tpu.memory_space<semaphore_mem>>) src(%dma_wait3A_42 : memref<80xi32, #tpu.memory_space<hbm>>) dst(%arg13 : memref<80xi32, #tpu.memory_space<vmem>>)
          tpu.yield
        }) : () -> ()
        "tpu.region"() ({
          %run_scoped3A = tpu.sem_alloc : memref<!tpu.dma_semaphore, #tpu.memory_space<semaphore_mem>>
          %dma_start3A_39 = tpu.memref_slice %arg5[%add3A_26] : memref<320000xi32, #tpu.memory_space<hbm>> -> memref<80xi32, #tpu.memory_space<hbm>>
          %dma_start3A_40 = tpu.memref_slice %arg5[%add3A_26] : memref<320000xi32, #tpu.memory_space<hbm>> -> memref<80xi32, #tpu.memory_space<hbm>>
          tpu.enqueue_dma source(%dma_start3A_40 : memref<80xi32, #tpu.memory_space<hbm>>) target(%arg14 : memref<80xi32, #tpu.memory_space<vmem>>) target_semaphore(%run_scoped3A : memref<!tpu.dma_semaphore, #tpu.memory_space<semaphore_mem>>)
          %dma_wait3A_41 = tpu.memref_slice %arg5[%add3A_26] : memref<320000xi32, #tpu.memory_space<hbm>> -> memref<80xi32, #tpu.memory_space<hbm>>
          %dma_wait3A_42 = tpu.memref_slice %arg5[%add3A_26] : memref<320000xi32, #tpu.memory_space<hbm>> -> memref<80xi32, #tpu.memory_space<hbm>>
          tpu.wait_dma2 semaphore(%run_scoped3A : memref<!tpu.dma_semaphore, #tpu.memory_space<semaphore_mem>>) src(%dma_wait3A_42 : memref<80xi32, #tpu.memory_space<hbm>>) dst(%arg14 : memref<80xi32, #tpu.memory_space<vmem>>)
          tpu.yield
        }) : () -> ()
        %dma_start3A_27 = arith.constant 0 : i32
        %dma_start3A_28 = arith.constant 0 : i32
        %dma_start3A_29 = tpu.memref_slice %arg7[%dma_start3A_27, %dma_start3A_28] : memref<10000x128xf32, #tpu.memory_space<hbm>> -> memref<10000x128xf32, #tpu.memory_space<hbm>>
        tpu.enqueue_indirect_dma source(%dma_start3A_29 : memref<10000x128xf32, #tpu.memory_space<hbm>>) target(%arg16 : memref<80x128xf32, #tpu.memory_space<vmem>>) offsets(%arg13 : memref<80xi32, #tpu.memory_space<vmem>>) semaphore(%arg19 : memref<!tpu.dma_semaphore, #tpu.memory_space<semaphore_mem>>)
        %dma_wait3A = arith.constant 0 : i32
        %dma_wait3A_30 = arith.constant 0 : i32
        %dma_wait3A_31 = tpu.memref_slice %arg7[%dma_wait3A, %dma_wait3A_30] : memref<10000x128xf32, #tpu.memory_space<hbm>> -> memref<10000x128xf32, #tpu.memory_space<hbm>>
        tpu.wait_indirect_dma semaphore(%arg18 : memref<!tpu.dma_semaphore, #tpu.memory_space<semaphore_mem>>) src(%dma_wait3A_31 : memref<10000x128xf32, #tpu.memory_space<hbm>>) dst(%arg15 : memref<80x128xf32, #tpu.memory_space<vmem>>)
        "tpu.region"() ({
          %run_scoped3A = tpu.sem_alloc : memref<!tpu.dma_semaphore, #tpu.memory_space<semaphore_mem>>
          %dma_start3A_39 = arith.constant 0 : i32
          %dma_start3A_40 = arith.constant 0 : i32
          %dma_start3A_41 = tpu.memref_slice %arg17[%dma_start3A_39, %dma_start3A_40] : memref<10240x128xf32, #tpu.memory_space<vmem_shared>> -> memref<10240x128xf32, #tpu.memory_space<vmem_shared>>
          tpu.enqueue_indirect_dma source(%arg15 : memref<80x128xf32, #tpu.memory_space<vmem>>) target(%dma_start3A_41 : memref<10240x128xf32, #tpu.memory_space<vmem_shared>>) offsets(%arg12 : memref<80xi32, #tpu.memory_space<vmem>>) semaphore(%run_scoped3A : memref<!tpu.dma_semaphore, #tpu.memory_space<semaphore_mem>>) {add = true}
          %dma_wait3A_42 = arith.constant 0 : i32
          %dma_wait3A_43 = arith.constant 0 : i32
          %dma_wait3A_44 = tpu.memref_slice %arg17[%dma_wait3A_42, %dma_wait3A_43] : memref<10240x128xf32, #tpu.memory_space<vmem_shared>> -> memref<10240x128xf32, #tpu.memory_space<vmem_shared>>
          tpu.wait_indirect_dma semaphore(%run_scoped3A : memref<!tpu.dma_semaphore, #tpu.memory_space<semaphore_mem>>) src(%arg15 : memref<80x128xf32, #tpu.memory_space<vmem>>) dst(%dma_wait3A_44 : memref<10240x128xf32, #tpu.memory_space<vmem_shared>>)
          tpu.yield
        }) : () -> ()
        %lt3A = arith.constant 124 : i32
        %lt3A_32 = arith.cmpi slt, %scan3A_19, %lt3A : i32
        %convert_element_type3A_33 = arith.extui %lt3A_32 : i1 to i32
        %cond3A_34 = arith.constant 0 : i32
        %cond3A_35 = arith.cmpi ne, %convert_element_type3A_33, %cond3A_34 : i32
        scf.if %cond3A_35 {
          %mul3A_39 = arith.constant 2 : i32
          %mul3A_40 = arith.muli %mul3A_39, %scan3A_19 : i32
          %add3A_41 = arith.constant 2 : i32
          %add3A_42 = arith.addi %mul3A_40, %add3A_41 : i32
          %mul3A_43 = arith.constant 80 : i32
          %mul3A_44 = arith.muli %add3A_42, %mul3A_43 : i32
          %add3A_45 = arith.addi %mul3A_9, %mul3A_44 : i32
          "tpu.region"() ({
            %run_scoped3A = tpu.sem_alloc : memref<!tpu.dma_semaphore, #tpu.memory_space<semaphore_mem>>
            %dma_start3A_49 = tpu.memref_slice %arg4[%add3A_45] : memref<320000xi32, #tpu.memory_space<hbm>> -> memref<80xi32, #tpu.memory_space<hbm>>
            %dma_start3A_50 = tpu.memref_slice %arg4[%add3A_45] : memref<320000xi32, #tpu.memory_space<hbm>> -> memref<80xi32, #tpu.memory_space<hbm>>
            tpu.enqueue_dma source(%dma_start3A_50 : memref<80xi32, #tpu.memory_space<hbm>>) target(%arg11 : memref<80xi32, #tpu.memory_space<vmem>>) target_semaphore(%run_scoped3A : memref<!tpu.dma_semaphore, #tpu.memory_space<semaphore_mem>>)
            %dma_wait3A_51 = tpu.memref_slice %arg4[%add3A_45] : memref<320000xi32, #tpu.memory_space<hbm>> -> memref<80xi32, #tpu.memory_space<hbm>>
            %dma_wait3A_52 = tpu.memref_slice %arg4[%add3A_45] : memref<320000xi32, #tpu.memory_space<hbm>> -> memref<80xi32, #tpu.memory_space<hbm>>
            tpu.wait_dma2 semaphore(%run_scoped3A : memref<!tpu.dma_semaphore, #tpu.memory_space<semaphore_mem>>) src(%dma_wait3A_52 : memref<80xi32, #tpu.memory_space<hbm>>) dst(%arg11 : memref<80xi32, #tpu.memory_space<vmem>>)
            tpu.yield
          }) : () -> ()
          "tpu.region"() ({
            %run_scoped3A = tpu.sem_alloc : memref<!tpu.dma_semaphore, #tpu.memory_space<semaphore_mem>>
            %dma_start3A_49 = tpu.memref_slice %arg5[%add3A_45] : memref<320000xi32, #tpu.memory_space<hbm>> -> memref<80xi32, #tpu.memory_space<hbm>>
            %dma_start3A_50 = tpu.memref_slice %arg5[%add3A_45] : memref<320000xi32, #tpu.memory_space<hbm>> -> memref<80xi32, #tpu.memory_space<hbm>>
            tpu.enqueue_dma source(%dma_start3A_50 : memref<80xi32, #tpu.memory_space<hbm>>) target(%arg12 : memref<80xi32, #tpu.memory_space<vmem>>) target_semaphore(%run_scoped3A : memref<!tpu.dma_semaphore, #tpu.memory_space<semaphore_mem>>)
            %dma_wait3A_51 = tpu.memref_slice %arg5[%add3A_45] : memref<320000xi32, #tpu.memory_space<hbm>> -> memref<80xi32, #tpu.memory_space<hbm>>
            %dma_wait3A_52 = tpu.memref_slice %arg5[%add3A_45] : memref<320000xi32, #tpu.memory_space<hbm>> -> memref<80xi32, #tpu.memory_space<hbm>>
            tpu.wait_dma2 semaphore(%run_scoped3A : memref<!tpu.dma_semaphore, #tpu.memory_space<semaphore_mem>>) src(%dma_wait3A_52 : memref<80xi32, #tpu.memory_space<hbm>>) dst(%arg12 : memref<80xi32, #tpu.memory_space<vmem>>)
            tpu.yield
          }) : () -> ()
          %dma_start3A_46 = arith.constant 0 : i32
          %dma_start3A_47 = arith.constant 0 : i32
          %dma_start3A_48 = tpu.memref_slice %arg7[%dma_start3A_46, %dma_start3A_47] : memref<10000x128xf32, #tpu.memory_space<hbm>> -> memref<10000x128xf32, #tpu.memory_space<hbm>>
          tpu.enqueue_indirect_dma source(%dma_start3A_48 : memref<10000x128xf32, #tpu.memory_space<hbm>>) target(%arg15 : memref<80x128xf32, #tpu.memory_space<vmem>>) offsets(%arg11 : memref<80xi32, #tpu.memory_space<vmem>>) semaphore(%arg18 : memref<!tpu.dma_semaphore, #tpu.memory_space<semaphore_mem>>)
        } else {
        }
        %dma_wait3A_36 = arith.constant 0 : i32
        %dma_wait3A_37 = arith.constant 0 : i32
        %dma_wait3A_38 = tpu.memref_slice %arg7[%dma_wait3A_36, %dma_wait3A_37] : memref<10000x128xf32, #tpu.memory_space<hbm>> -> memref<10000x128xf32, #tpu.memory_space<hbm>>
        tpu.wait_indirect_dma semaphore(%arg19 : memref<!tpu.dma_semaphore, #tpu.memory_space<semaphore_mem>>) src(%dma_wait3A_38 : memref<10000x128xf32, #tpu.memory_space<hbm>>) dst(%arg16 : memref<80x128xf32, #tpu.memory_space<vmem>>)
        "tpu.region"() ({
          %run_scoped3A = tpu.sem_alloc : memref<!tpu.dma_semaphore, #tpu.memory_space<semaphore_mem>>
          %dma_start3A_39 = arith.constant 0 : i32
          %dma_start3A_40 = arith.constant 0 : i32
          %dma_start3A_41 = tpu.memref_slice %arg17[%dma_start3A_39, %dma_start3A_40] : memref<10240x128xf32, #tpu.memory_space<vmem_shared>> -> memref<10240x128xf32, #tpu.memory_space<vmem_shared>>
          tpu.enqueue_indirect_dma source(%arg16 : memref<80x128xf32, #tpu.memory_space<vmem>>) target(%dma_start3A_41 : memref<10240x128xf32, #tpu.memory_space<vmem_shared>>) offsets(%arg14 : memref<80xi32, #tpu.memory_space<vmem>>) semaphore(%run_scoped3A : memref<!tpu.dma_semaphore, #tpu.memory_space<semaphore_mem>>) {add = true}
          %dma_wait3A_42 = arith.constant 0 : i32
          %dma_wait3A_43 = arith.constant 0 : i32
          %dma_wait3A_44 = tpu.memref_slice %arg17[%dma_wait3A_42, %dma_wait3A_43] : memref<10240x128xf32, #tpu.memory_space<vmem_shared>> -> memref<10240x128xf32, #tpu.memory_space<vmem_shared>>
          tpu.wait_indirect_dma semaphore(%run_scoped3A : memref<!tpu.dma_semaphore, #tpu.memory_space<semaphore_mem>>) src(%arg16 : memref<80x128xf32, #tpu.memory_space<vmem>>) dst(%dma_wait3A_44 : memref<10240x128xf32, #tpu.memory_space<vmem_shared>>)
          tpu.yield
        }) : () -> ()
      }
      %scan3A_17 = arith.constant 125 : i32
      %barrier3A_18 = arith.constant 0 : index
      tpu.barrier barrier_id(%barrier3A_18)
      "tpu.region"() ({
        %run_scoped3A = tpu.sem_alloc : memref<!tpu.dma_semaphore, #tpu.memory_space<semaphore_mem>>
        %dma_start3A_19 = arith.constant 0 : i32
        %dma_start3A_20 = tpu.memref_slice %arg10[%mul3A_7, %dma_start3A_19] : memref<10240x128xf32, #tpu.memory_space<hbm>> -> memref<640x128xf32, #tpu.memory_space<hbm>>
        %dma_start3A_21 = arith.constant 0 : i32
        %dma_start3A_22 = tpu.memref_slice %arg17[%mul3A_7, %dma_start3A_21] : memref<10240x128xf32, #tpu.memory_space<vmem_shared>> -> memref<640x128xf32, #tpu.memory_space<vmem_shared>>
        tpu.enqueue_dma source(%dma_start3A_22 : memref<640x128xf32, #tpu.memory_space<vmem_shared>>) target(%dma_start3A_20 : memref<640x128xf32, #tpu.memory_space<hbm>>) target_semaphore(%run_scoped3A : memref<!tpu.dma_semaphore, #tpu.memory_space<semaphore_mem>>)
        %dma_wait3A = arith.constant 0 : i32
        %dma_wait3A_23 = tpu.memref_slice %arg10[%mul3A_7, %dma_wait3A] : memref<10240x128xf32, #tpu.memory_space<hbm>> -> memref<640x128xf32, #tpu.memory_space<hbm>>
        %dma_wait3A_24 = arith.constant 0 : i32
        %dma_wait3A_25 = tpu.memref_slice %arg17[%mul3A_7, %dma_wait3A_24] : memref<10240x128xf32, #tpu.memory_space<vmem_shared>> -> memref<640x128xf32, #tpu.memory_space<vmem_shared>>
        tpu.wait_dma2 semaphore(%run_scoped3A : memref<!tpu.dma_semaphore, #tpu.memory_space<semaphore_mem>>) src(%dma_wait3A_25 : memref<640x128xf32, #tpu.memory_space<vmem_shared>>) dst(%dma_wait3A_23 : memref<640x128xf32, #tpu.memory_space<hbm>>)
        tpu.yield
      }) : () -> ()
    } else {
    }
    return
  }
}

#map = affine_map<(d0, d1) -> (0)>
#map1 = affine_map<(d0, d1) -> (0, 0)>
module attributes {stable_mosaic.version = 14 : i64} {
  func.func @_agg_kernel(%arg0: i32, %arg1: i32, %arg2: memref<320000xi32, #tpu.memory_space<hbm>>, %arg3: memref<320000xi32, #tpu.memory_space<hbm>>, %arg4: memref<320000xi32, #tpu.memory_space<hbm>>, %arg5: memref<320000xi32, #tpu.memory_space<hbm>>, %arg6: memref<10000x128xf32, #tpu.memory_space<hbm>>, %arg7: memref<10000x128xf32, #tpu.memory_space<hbm>>, %arg8: memref<640x128xf32, #tpu.memory_space<hbm>>, %arg9: memref<10240x128xf32, #tpu.memory_space<hbm>>, %arg10: memref<10240x128xf32, #tpu.memory_space<hbm>>, %arg11: memref<80xi32, #tpu.memory_space<vmem>>, %arg12: memref<80xi32, #tpu.memory_space<vmem>>, %arg13: memref<80xi32, #tpu.memory_space<vmem>>, %arg14: memref<80xi32, #tpu.memory_space<vmem>>, %arg15: memref<80x128xf32, #tpu.memory_space<vmem>>, %arg16: memref<80x128xf32, #tpu.memory_space<vmem>>, %arg17: memref<10240x128xf32, #tpu.memory_space<vmem_shared>>, %arg18: memref<!tpu.dma_semaphore, #tpu.memory_space<semaphore_mem>>, %arg19: memref<!tpu.dma_semaphore, #tpu.memory_space<semaphore_mem>>) attributes {dimension_semantics = [#tpu.dimension_semantics<core_parallel>, #tpu.dimension_semantics<subcore_parallel>], iteration_bounds = array<i64: 2, 16>, scalar_prefetch = 0 : i64, scratch_operands = 9 : i64, tpu.core_type = #tpu.core_type<sc_vector_subcore>, window_params = [{transform_indices = #map}, {transform_indices = #map}, {transform_indices = #map}, {transform_indices = #map}, {transform_indices = #map1}, {transform_indices = #map1}, {transform_indices = #map1}, {transform_indices = #map1}, {transform_indices = #map1}]} {
    %eq3A = arith.constant 0 : i32
    %eq3A_0 = arith.cmpi eq, %arg0, %eq3A : i32
    %convert_element_type3A = arith.extui %eq3A_0 : i1 to i32
    %cond3A = arith.constant 0 : i32
    %cond3A_1 = arith.cmpi ne, %convert_element_type3A, %cond3A : i32
    scf.if %cond3A_1 {
      %mul3A = arith.constant 640 : i32
      %mul3A_7 = arith.muli %arg1, %mul3A : i32
      "tpu.region"() ({
        %run_scoped3A = tpu.sem_alloc : memref<!tpu.dma_semaphore, #tpu.memory_space<semaphore_mem>>
        %dma_start3A_19 = arith.constant 0 : i32
        %dma_start3A_20 = tpu.memref_slice %arg17[%mul3A_7, %dma_start3A_19] : memref<10240x128xf32, #tpu.memory_space<vmem_shared>> -> memref<640x128xf32, #tpu.memory_space<vmem_shared>>
        tpu.enqueue_dma source(%arg8 : memref<640x128xf32, #tpu.memory_space<hbm>>) target(%dma_start3A_20 : memref<640x128xf32, #tpu.memory_space<vmem_shared>>) target_semaphore(%run_scoped3A : memref<!tpu.dma_semaphore, #tpu.memory_space<semaphore_mem>>)
        %dma_wait3A = arith.constant 0 : i32
        %dma_wait3A_21 = tpu.memref_slice %arg17[%mul3A_7, %dma_wait3A] : memref<10240x128xf32, #tpu.memory_space<vmem_shared>> -> memref<640x128xf32, #tpu.memory_space<vmem_shared>>
        tpu.wait_dma2 semaphore(%run_scoped3A : memref<!tpu.dma_semaphore, #tpu.memory_space<semaphore_mem>>) src(%arg8 : memref<640x128xf32, #tpu.memory_space<hbm>>) dst(%dma_wait3A_21 : memref<640x128xf32, #tpu.memory_space<vmem_shared>>)
        tpu.yield
      }) : () -> ()
      %barrier3A = arith.constant 0 : index
      tpu.barrier barrier_id(%barrier3A)
      %mul3A_8 = arith.constant 20000 : i32
      %mul3A_9 = arith.muli %arg1, %mul3A_8 : i32
      %add3A = arith.constant 0 : i32
      %add3A_10 = arith.addi %mul3A_9, %add3A : i32
      "tpu.region"() ({
        %run_scoped3A = tpu.sem_alloc : memref<!tpu.dma_semaphore, #tpu.memory_space<semaphore_mem>>
        %dma_start3A_19 = tpu.memref_slice %arg2[%add3A_10] : memref<320000xi32, #tpu.memory_space<hbm>> -> memref<80xi32, #tpu.memory_space<hbm>>
        %dma_start3A_20 = tpu.memref_slice %arg2[%add3A_10] : memref<320000xi32, #tpu.memory_space<hbm>> -> memref<80xi32, #tpu.memory_space<hbm>>
        tpu.enqueue_dma source(%dma_start3A_20 : memref<80xi32, #tpu.memory_space<hbm>>) target(%arg11 : memref<80xi32, #tpu.memory_space<vmem>>) target_semaphore(%run_scoped3A : memref<!tpu.dma_semaphore, #tpu.memory_space<semaphore_mem>>)
        %dma_wait3A = tpu.memref_slice %arg2[%add3A_10] : memref<320000xi32, #tpu.memory_space<hbm>> -> memref<80xi32, #tpu.memory_space<hbm>>
        %dma_wait3A_21 = tpu.memref_slice %arg2[%add3A_10] : memref<320000xi32, #tpu.memory_space<hbm>> -> memref<80xi32, #tpu.memory_space<hbm>>
        tpu.wait_dma2 semaphore(%run_scoped3A : memref<!tpu.dma_semaphore, #tpu.memory_space<semaphore_mem>>) src(%dma_wait3A_21 : memref<80xi32, #tpu.memory_space<hbm>>) dst(%arg11 : memref<80xi32, #tpu.memory_space<vmem>>)
        tpu.yield
      }) : () -> ()
      "tpu.region"() ({
        %run_scoped3A = tpu.sem_alloc : memref<!tpu.dma_semaphore, #tpu.memory_space<semaphore_mem>>
        %dma_start3A_19 = tpu.memref_slice %arg3[%add3A_10] : memref<320000xi32, #tpu.memory_space<hbm>> -> memref<80xi32, #tpu.memory_space<hbm>>
        %dma_start3A_20 = tpu.memref_slice %arg3[%add3A_10] : memref<320000xi32, #tpu.memory_space<hbm>> -> memref<80xi32, #tpu.memory_space<hbm>>
        tpu.enqueue_dma source(%dma_start3A_20 : memref<80xi32, #tpu.memory_space<hbm>>) target(%arg12 : memref<80xi32, #tpu.memory_space<vmem>>) target_semaphore(%run_scoped3A : memref<!tpu.dma_semaphore, #tpu.memory_space<semaphore_mem>>)
        %dma_wait3A = tpu.memref_slice %arg3[%add3A_10] : memref<320000xi32, #tpu.memory_space<hbm>> -> memref<80xi32, #tpu.memory_space<hbm>>
        %dma_wait3A_21 = tpu.memref_slice %arg3[%add3A_10] : memref<320000xi32, #tpu.memory_space<hbm>> -> memref<80xi32, #tpu.memory_space<hbm>>
        tpu.wait_dma2 semaphore(%run_scoped3A : memref<!tpu.dma_semaphore, #tpu.memory_space<semaphore_mem>>) src(%dma_wait3A_21 : memref<80xi32, #tpu.memory_space<hbm>>) dst(%arg12 : memref<80xi32, #tpu.memory_space<vmem>>)
        tpu.yield
      }) : () -> ()
      %dma_start3A = arith.constant 0 : i32
      %dma_start3A_11 = arith.constant 0 : i32
      %dma_start3A_12 = tpu.memref_slice %arg6[%dma_start3A, %dma_start3A_11] : memref<10000x128xf32, #tpu.memory_space<hbm>> -> memref<10000x128xf32, #tpu.memory_space<hbm>>
      tpu.enqueue_indirect_dma source(%dma_start3A_12 : memref<10000x128xf32, #tpu.memory_space<hbm>>) target(%arg15 : memref<80x128xf32, #tpu.memory_space<vmem>>) offsets(%arg11 : memref<80xi32, #tpu.memory_space<vmem>>) semaphore(%arg18 : memref<!tpu.dma_semaphore, #tpu.memory_space<semaphore_mem>>)
      %scan3A = arith.constant 0 : i32
      %scan3A_13 = arith.constant 0 : i32
      %scan3A_14 = arith.constant 125 : i32
      %scan3A_15 = arith.addi %scan3A_13, %scan3A_14 : i32
      %scan3A_16 = arith.constant 1 : i32
      scf.for %scan3A_19 = %scan3A_13 to %scan3A_15 step %scan3A_16  : i32 {
        %mul3A_20 = arith.constant 2 : i32
        %mul3A_21 = arith.muli %mul3A_20, %scan3A_19 : i32
        %add3A_22 = arith.constant 1 : i32
        %add3A_23 = arith.addi %mul3A_21, %add3A_22 : i32
        %mul3A_24 = arith.constant 80 : i32
        %mul3A_25 = arith.muli %add3A_23, %mul3A_24 : i32
        %add3A_26 = arith.addi %mul3A_9, %mul3A_25 : i32
        "tpu.region"() ({
          %run_scoped3A = tpu.sem_alloc : memref<!tpu.dma_semaphore, #tpu.memory_space<semaphore_mem>>
          %dma_start3A_39 = tpu.memref_slice %arg2[%add3A_26] : memref<320000xi32, #tpu.memory_space<hbm>> -> memref<80xi32, #tpu.memory_space<hbm>>
          %dma_start3A_40 = tpu.memref_slice %arg2[%add3A_26] : memref<320000xi32, #tpu.memory_space<hbm>> -> memref<80xi32, #tpu.memory_space<hbm>>
          tpu.enqueue_dma source(%dma_start3A_40 : memref<80xi32, #tpu.memory_space<hbm>>) target(%arg13 : memref<80xi32, #tpu.memory_space<vmem>>) target_semaphore(%run_scoped3A : memref<!tpu.dma_semaphore, #tpu.memory_space<semaphore_mem>>)
          %dma_wait3A_41 = tpu.memref_slice %arg2[%add3A_26] : memref<320000xi32, #tpu.memory_space<hbm>> -> memref<80xi32, #tpu.memory_space<hbm>>
          %dma_wait3A_42 = tpu.memref_slice %arg2[%add3A_26] : memref<320000xi32, #tpu.memory_space<hbm>> -> memref<80xi32, #tpu.memory_space<hbm>>
          tpu.wait_dma2 semaphore(%run_scoped3A : memref<!tpu.dma_semaphore, #tpu.memory_space<semaphore_mem>>) src(%dma_wait3A_42 : memref<80xi32, #tpu.memory_space<hbm>>) dst(%arg13 : memref<80xi32, #tpu.memory_space<vmem>>)
          tpu.yield
        }) : () -> ()
        "tpu.region"() ({
          %run_scoped3A = tpu.sem_alloc : memref<!tpu.dma_semaphore, #tpu.memory_space<semaphore_mem>>
          %dma_start3A_39 = tpu.memref_slice %arg3[%add3A_26] : memref<320000xi32, #tpu.memory_space<hbm>> -> memref<80xi32, #tpu.memory_space<hbm>>
          %dma_start3A_40 = tpu.memref_slice %arg3[%add3A_26] : memref<320000xi32, #tpu.memory_space<hbm>> -> memref<80xi32, #tpu.memory_space<hbm>>
          tpu.enqueue_dma source(%dma_start3A_40 : memref<80xi32, #tpu.memory_space<hbm>>) target(%arg14 : memref<80xi32, #tpu.memory_space<vmem>>) target_semaphore(%run_scoped3A : memref<!tpu.dma_semaphore, #tpu.memory_space<semaphore_mem>>)
          %dma_wait3A_41 = tpu.memref_slice %arg3[%add3A_26] : memref<320000xi32, #tpu.memory_space<hbm>> -> memref<80xi32, #tpu.memory_space<hbm>>
          %dma_wait3A_42 = tpu.memref_slice %arg3[%add3A_26] : memref<320000xi32, #tpu.memory_space<hbm>> -> memref<80xi32, #tpu.memory_space<hbm>>
          tpu.wait_dma2 semaphore(%run_scoped3A : memref<!tpu.dma_semaphore, #tpu.memory_space<semaphore_mem>>) src(%dma_wait3A_42 : memref<80xi32, #tpu.memory_space<hbm>>) dst(%arg14 : memref<80xi32, #tpu.memory_space<vmem>>)
          tpu.yield
        }) : () -> ()
        %dma_start3A_27 = arith.constant 0 : i32
        %dma_start3A_28 = arith.constant 0 : i32
        %dma_start3A_29 = tpu.memref_slice %arg6[%dma_start3A_27, %dma_start3A_28] : memref<10000x128xf32, #tpu.memory_space<hbm>> -> memref<10000x128xf32, #tpu.memory_space<hbm>>
        tpu.enqueue_indirect_dma source(%dma_start3A_29 : memref<10000x128xf32, #tpu.memory_space<hbm>>) target(%arg16 : memref<80x128xf32, #tpu.memory_space<vmem>>) offsets(%arg13 : memref<80xi32, #tpu.memory_space<vmem>>) semaphore(%arg19 : memref<!tpu.dma_semaphore, #tpu.memory_space<semaphore_mem>>)
        %dma_wait3A = arith.constant 0 : i32
        %dma_wait3A_30 = arith.constant 0 : i32
        %dma_wait3A_31 = tpu.memref_slice %arg6[%dma_wait3A, %dma_wait3A_30] : memref<10000x128xf32, #tpu.memory_space<hbm>> -> memref<10000x128xf32, #tpu.memory_space<hbm>>
        tpu.wait_indirect_dma semaphore(%arg18 : memref<!tpu.dma_semaphore, #tpu.memory_space<semaphore_mem>>) src(%dma_wait3A_31 : memref<10000x128xf32, #tpu.memory_space<hbm>>) dst(%arg15 : memref<80x128xf32, #tpu.memory_space<vmem>>)
        "tpu.region"() ({
          %run_scoped3A = tpu.sem_alloc : memref<!tpu.dma_semaphore, #tpu.memory_space<semaphore_mem>>
          %dma_start3A_39 = arith.constant 0 : i32
          %dma_start3A_40 = arith.constant 0 : i32
          %dma_start3A_41 = tpu.memref_slice %arg17[%dma_start3A_39, %dma_start3A_40] : memref<10240x128xf32, #tpu.memory_space<vmem_shared>> -> memref<10240x128xf32, #tpu.memory_space<vmem_shared>>
          tpu.enqueue_indirect_dma source(%arg15 : memref<80x128xf32, #tpu.memory_space<vmem>>) target(%dma_start3A_41 : memref<10240x128xf32, #tpu.memory_space<vmem_shared>>) offsets(%arg12 : memref<80xi32, #tpu.memory_space<vmem>>) semaphore(%run_scoped3A : memref<!tpu.dma_semaphore, #tpu.memory_space<semaphore_mem>>) {add = true}
          %dma_wait3A_42 = arith.constant 0 : i32
          %dma_wait3A_43 = arith.constant 0 : i32
          %dma_wait3A_44 = tpu.memref_slice %arg17[%dma_wait3A_42, %dma_wait3A_43] : memref<10240x128xf32, #tpu.memory_space<vmem_shared>> -> memref<10240x128xf32, #tpu.memory_space<vmem_shared>>
          tpu.wait_indirect_dma semaphore(%run_scoped3A : memref<!tpu.dma_semaphore, #tpu.memory_space<semaphore_mem>>) src(%arg15 : memref<80x128xf32, #tpu.memory_space<vmem>>) dst(%dma_wait3A_44 : memref<10240x128xf32, #tpu.memory_space<vmem_shared>>)
          tpu.yield
        }) : () -> ()
        %lt3A = arith.constant 124 : i32
        %lt3A_32 = arith.cmpi slt, %scan3A_19, %lt3A : i32
        %convert_element_type3A_33 = arith.extui %lt3A_32 : i1 to i32
        %cond3A_34 = arith.constant 0 : i32
        %cond3A_35 = arith.cmpi ne, %convert_element_type3A_33, %cond3A_34 : i32
        scf.if %cond3A_35 {
          %mul3A_39 = arith.constant 2 : i32
          %mul3A_40 = arith.muli %mul3A_39, %scan3A_19 : i32
          %add3A_41 = arith.constant 2 : i32
          %add3A_42 = arith.addi %mul3A_40, %add3A_41 : i32
          %mul3A_43 = arith.constant 80 : i32
          %mul3A_44 = arith.muli %add3A_42, %mul3A_43 : i32
          %add3A_45 = arith.addi %mul3A_9, %mul3A_44 : i32
          "tpu.region"() ({
            %run_scoped3A = tpu.sem_alloc : memref<!tpu.dma_semaphore, #tpu.memory_space<semaphore_mem>>
            %dma_start3A_49 = tpu.memref_slice %arg2[%add3A_45] : memref<320000xi32, #tpu.memory_space<hbm>> -> memref<80xi32, #tpu.memory_space<hbm>>
            %dma_start3A_50 = tpu.memref_slice %arg2[%add3A_45] : memref<320000xi32, #tpu.memory_space<hbm>> -> memref<80xi32, #tpu.memory_space<hbm>>
            tpu.enqueue_dma source(%dma_start3A_50 : memref<80xi32, #tpu.memory_space<hbm>>) target(%arg11 : memref<80xi32, #tpu.memory_space<vmem>>) target_semaphore(%run_scoped3A : memref<!tpu.dma_semaphore, #tpu.memory_space<semaphore_mem>>)
            %dma_wait3A_51 = tpu.memref_slice %arg2[%add3A_45] : memref<320000xi32, #tpu.memory_space<hbm>> -> memref<80xi32, #tpu.memory_space<hbm>>
            %dma_wait3A_52 = tpu.memref_slice %arg2[%add3A_45] : memref<320000xi32, #tpu.memory_space<hbm>> -> memref<80xi32, #tpu.memory_space<hbm>>
            tpu.wait_dma2 semaphore(%run_scoped3A : memref<!tpu.dma_semaphore, #tpu.memory_space<semaphore_mem>>) src(%dma_wait3A_52 : memref<80xi32, #tpu.memory_space<hbm>>) dst(%arg11 : memref<80xi32, #tpu.memory_space<vmem>>)
            tpu.yield
          }) : () -> ()
          "tpu.region"() ({
            %run_scoped3A = tpu.sem_alloc : memref<!tpu.dma_semaphore, #tpu.memory_space<semaphore_mem>>
            %dma_start3A_49 = tpu.memref_slice %arg3[%add3A_45] : memref<320000xi32, #tpu.memory_space<hbm>> -> memref<80xi32, #tpu.memory_space<hbm>>
            %dma_start3A_50 = tpu.memref_slice %arg3[%add3A_45] : memref<320000xi32, #tpu.memory_space<hbm>> -> memref<80xi32, #tpu.memory_space<hbm>>
            tpu.enqueue_dma source(%dma_start3A_50 : memref<80xi32, #tpu.memory_space<hbm>>) target(%arg12 : memref<80xi32, #tpu.memory_space<vmem>>) target_semaphore(%run_scoped3A : memref<!tpu.dma_semaphore, #tpu.memory_space<semaphore_mem>>)
            %dma_wait3A_51 = tpu.memref_slice %arg3[%add3A_45] : memref<320000xi32, #tpu.memory_space<hbm>> -> memref<80xi32, #tpu.memory_space<hbm>>
            %dma_wait3A_52 = tpu.memref_slice %arg3[%add3A_45] : memref<320000xi32, #tpu.memory_space<hbm>> -> memref<80xi32, #tpu.memory_space<hbm>>
            tpu.wait_dma2 semaphore(%run_scoped3A : memref<!tpu.dma_semaphore, #tpu.memory_space<semaphore_mem>>) src(%dma_wait3A_52 : memref<80xi32, #tpu.memory_space<hbm>>) dst(%arg12 : memref<80xi32, #tpu.memory_space<vmem>>)
            tpu.yield
          }) : () -> ()
          %dma_start3A_46 = arith.constant 0 : i32
          %dma_start3A_47 = arith.constant 0 : i32
          %dma_start3A_48 = tpu.memref_slice %arg6[%dma_start3A_46, %dma_start3A_47] : memref<10000x128xf32, #tpu.memory_space<hbm>> -> memref<10000x128xf32, #tpu.memory_space<hbm>>
          tpu.enqueue_indirect_dma source(%dma_start3A_48 : memref<10000x128xf32, #tpu.memory_space<hbm>>) target(%arg15 : memref<80x128xf32, #tpu.memory_space<vmem>>) offsets(%arg11 : memref<80xi32, #tpu.memory_space<vmem>>) semaphore(%arg18 : memref<!tpu.dma_semaphore, #tpu.memory_space<semaphore_mem>>)
        } else {
        }
        %dma_wait3A_36 = arith.constant 0 : i32
        %dma_wait3A_37 = arith.constant 0 : i32
        %dma_wait3A_38 = tpu.memref_slice %arg6[%dma_wait3A_36, %dma_wait3A_37] : memref<10000x128xf32, #tpu.memory_space<hbm>> -> memref<10000x128xf32, #tpu.memory_space<hbm>>
        tpu.wait_indirect_dma semaphore(%arg19 : memref<!tpu.dma_semaphore, #tpu.memory_space<semaphore_mem>>) src(%dma_wait3A_38 : memref<10000x128xf32, #tpu.memory_space<hbm>>) dst(%arg16 : memref<80x128xf32, #tpu.memory_space<vmem>>)
        "tpu.region"() ({
          %run_scoped3A = tpu.sem_alloc : memref<!tpu.dma_semaphore, #tpu.memory_space<semaphore_mem>>
          %dma_start3A_39 = arith.constant 0 : i32
          %dma_start3A_40 = arith.constant 0 : i32
          %dma_start3A_41 = tpu.memref_slice %arg17[%dma_start3A_39, %dma_start3A_40] : memref<10240x128xf32, #tpu.memory_space<vmem_shared>> -> memref<10240x128xf32, #tpu.memory_space<vmem_shared>>
          tpu.enqueue_indirect_dma source(%arg16 : memref<80x128xf32, #tpu.memory_space<vmem>>) target(%dma_start3A_41 : memref<10240x128xf32, #tpu.memory_space<vmem_shared>>) offsets(%arg14 : memref<80xi32, #tpu.memory_space<vmem>>) semaphore(%run_scoped3A : memref<!tpu.dma_semaphore, #tpu.memory_space<semaphore_mem>>) {add = true}
          %dma_wait3A_42 = arith.constant 0 : i32
          %dma_wait3A_43 = arith.constant 0 : i32
          %dma_wait3A_44 = tpu.memref_slice %arg17[%dma_wait3A_42, %dma_wait3A_43] : memref<10240x128xf32, #tpu.memory_space<vmem_shared>> -> memref<10240x128xf32, #tpu.memory_space<vmem_shared>>
          tpu.wait_indirect_dma semaphore(%run_scoped3A : memref<!tpu.dma_semaphore, #tpu.memory_space<semaphore_mem>>) src(%arg16 : memref<80x128xf32, #tpu.memory_space<vmem>>) dst(%dma_wait3A_44 : memref<10240x128xf32, #tpu.memory_space<vmem_shared>>)
          tpu.yield
        }) : () -> ()
      }
      %scan3A_17 = arith.constant 125 : i32
      %barrier3A_18 = arith.constant 0 : index
      tpu.barrier barrier_id(%barrier3A_18)
      "tpu.region"() ({
        %run_scoped3A = tpu.sem_alloc : memref<!tpu.dma_semaphore, #tpu.memory_space<semaphore_mem>>
        %dma_start3A_19 = arith.constant 0 : i32
        %dma_start3A_20 = tpu.memref_slice %arg9[%mul3A_7, %dma_start3A_19] : memref<10240x128xf32, #tpu.memory_space<hbm>> -> memref<640x128xf32, #tpu.memory_space<hbm>>
        %dma_start3A_21 = arith.constant 0 : i32
        %dma_start3A_22 = tpu.memref_slice %arg17[%mul3A_7, %dma_start3A_21] : memref<10240x128xf32, #tpu.memory_space<vmem_shared>> -> memref<640x128xf32, #tpu.memory_space<vmem_shared>>
        tpu.enqueue_dma source(%dma_start3A_22 : memref<640x128xf32, #tpu.memory_space<vmem_shared>>) target(%dma_start3A_20 : memref<640x128xf32, #tpu.memory_space<hbm>>) target_semaphore(%run_scoped3A : memref<!tpu.dma_semaphore, #tpu.memory_space<semaphore_mem>>)
        %dma_wait3A = arith.constant 0 : i32
        %dma_wait3A_23 = tpu.memref_slice %arg9[%mul3A_7, %dma_wait3A] : memref<10240x128xf32, #tpu.memory_space<hbm>> -> memref<640x128xf32, #tpu.memory_space<hbm>>
        %dma_wait3A_24 = arith.constant 0 : i32
        %dma_wait3A_25 = tpu.memref_slice %arg17[%mul3A_7, %dma_wait3A_24] : memref<10240x128xf32, #tpu.memory_space<vmem_shared>> -> memref<640x128xf32, #tpu.memory_space<vmem_shared>>
        tpu.wait_dma2 semaphore(%run_scoped3A : memref<!tpu.dma_semaphore, #tpu.memory_space<semaphore_mem>>) src(%dma_wait3A_25 : memref<640x128xf32, #tpu.memory_space<vmem_shared>>) dst(%dma_wait3A_23 : memref<640x128xf32, #tpu.memory_space<hbm>>)
        tpu.yield
      }) : () -> ()
    } else {
    }
    %eq3A_2 = arith.constant 1 : i32
    %eq3A_3 = arith.cmpi eq, %arg0, %eq3A_2 : i32
    %convert_element_type3A_4 = arith.extui %eq3A_3 : i1 to i32
    %cond3A_5 = arith.constant 0 : i32
    %cond3A_6 = arith.cmpi ne, %convert_element_type3A_4, %cond3A_5 : i32
    scf.if %cond3A_6 {
      %mul3A = arith.constant 640 : i32
      %mul3A_7 = arith.muli %arg1, %mul3A : i32
      "tpu.region"() ({
        %run_scoped3A = tpu.sem_alloc : memref<!tpu.dma_semaphore, #tpu.memory_space<semaphore_mem>>
        %dma_start3A_19 = arith.constant 0 : i32
        %dma_start3A_20 = tpu.memref_slice %arg17[%mul3A_7, %dma_start3A_19] : memref<10240x128xf32, #tpu.memory_space<vmem_shared>> -> memref<640x128xf32, #tpu.memory_space<vmem_shared>>
        tpu.enqueue_dma source(%arg8 : memref<640x128xf32, #tpu.memory_space<hbm>>) target(%dma_start3A_20 : memref<640x128xf32, #tpu.memory_space<vmem_shared>>) target_semaphore(%run_scoped3A : memref<!tpu.dma_semaphore, #tpu.memory_space<semaphore_mem>>)
        %dma_wait3A = arith.constant 0 : i32
        %dma_wait3A_21 = tpu.memref_slice %arg17[%mul3A_7, %dma_wait3A] : memref<10240x128xf32, #tpu.memory_space<vmem_shared>> -> memref<640x128xf32, #tpu.memory_space<vmem_shared>>
        tpu.wait_dma2 semaphore(%run_scoped3A : memref<!tpu.dma_semaphore, #tpu.memory_space<semaphore_mem>>) src(%arg8 : memref<640x128xf32, #tpu.memory_space<hbm>>) dst(%dma_wait3A_21 : memref<640x128xf32, #tpu.memory_space<vmem_shared>>)
        tpu.yield
      }) : () -> ()
      %barrier3A = arith.constant 0 : index
      tpu.barrier barrier_id(%barrier3A)
      %mul3A_8 = arith.constant 20000 : i32
      %mul3A_9 = arith.muli %arg1, %mul3A_8 : i32
      %add3A = arith.constant 0 : i32
      %add3A_10 = arith.addi %mul3A_9, %add3A : i32
      "tpu.region"() ({
        %run_scoped3A = tpu.sem_alloc : memref<!tpu.dma_semaphore, #tpu.memory_space<semaphore_mem>>
        %dma_start3A_19 = tpu.memref_slice %arg4[%add3A_10] : memref<320000xi32, #tpu.memory_space<hbm>> -> memref<80xi32, #tpu.memory_space<hbm>>
        %dma_start3A_20 = tpu.memref_slice %arg4[%add3A_10] : memref<320000xi32, #tpu.memory_space<hbm>> -> memref<80xi32, #tpu.memory_space<hbm>>
        tpu.enqueue_dma source(%dma_start3A_20 : memref<80xi32, #tpu.memory_space<hbm>>) target(%arg11 : memref<80xi32, #tpu.memory_space<vmem>>) target_semaphore(%run_scoped3A : memref<!tpu.dma_semaphore, #tpu.memory_space<semaphore_mem>>)
        %dma_wait3A = tpu.memref_slice %arg4[%add3A_10] : memref<320000xi32, #tpu.memory_space<hbm>> -> memref<80xi32, #tpu.memory_space<hbm>>
        %dma_wait3A_21 = tpu.memref_slice %arg4[%add3A_10] : memref<320000xi32, #tpu.memory_space<hbm>> -> memref<80xi32, #tpu.memory_space<hbm>>
        tpu.wait_dma2 semaphore(%run_scoped3A : memref<!tpu.dma_semaphore, #tpu.memory_space<semaphore_mem>>) src(%dma_wait3A_21 : memref<80xi32, #tpu.memory_space<hbm>>) dst(%arg11 : memref<80xi32, #tpu.memory_space<vmem>>)
        tpu.yield
      }) : () -> ()
      "tpu.region"() ({
        %run_scoped3A = tpu.sem_alloc : memref<!tpu.dma_semaphore, #tpu.memory_space<semaphore_mem>>
        %dma_start3A_19 = tpu.memref_slice %arg5[%add3A_10] : memref<320000xi32, #tpu.memory_space<hbm>> -> memref<80xi32, #tpu.memory_space<hbm>>
        %dma_start3A_20 = tpu.memref_slice %arg5[%add3A_10] : memref<320000xi32, #tpu.memory_space<hbm>> -> memref<80xi32, #tpu.memory_space<hbm>>
        tpu.enqueue_dma source(%dma_start3A_20 : memref<80xi32, #tpu.memory_space<hbm>>) target(%arg12 : memref<80xi32, #tpu.memory_space<vmem>>) target_semaphore(%run_scoped3A : memref<!tpu.dma_semaphore, #tpu.memory_space<semaphore_mem>>)
        %dma_wait3A = tpu.memref_slice %arg5[%add3A_10] : memref<320000xi32, #tpu.memory_space<hbm>> -> memref<80xi32, #tpu.memory_space<hbm>>
        %dma_wait3A_21 = tpu.memref_slice %arg5[%add3A_10] : memref<320000xi32, #tpu.memory_space<hbm>> -> memref<80xi32, #tpu.memory_space<hbm>>
        tpu.wait_dma2 semaphore(%run_scoped3A : memref<!tpu.dma_semaphore, #tpu.memory_space<semaphore_mem>>) src(%dma_wait3A_21 : memref<80xi32, #tpu.memory_space<hbm>>) dst(%arg12 : memref<80xi32, #tpu.memory_space<vmem>>)
        tpu.yield
      }) : () -> ()
      %dma_start3A = arith.constant 0 : i32
      %dma_start3A_11 = arith.constant 0 : i32
      %dma_start3A_12 = tpu.memref_slice %arg7[%dma_start3A, %dma_start3A_11] : memref<10000x128xf32, #tpu.memory_space<hbm>> -> memref<10000x128xf32, #tpu.memory_space<hbm>>
      tpu.enqueue_indirect_dma source(%dma_start3A_12 : memref<10000x128xf32, #tpu.memory_space<hbm>>) target(%arg15 : memref<80x128xf32, #tpu.memory_space<vmem>>) offsets(%arg11 : memref<80xi32, #tpu.memory_space<vmem>>) semaphore(%arg18 : memref<!tpu.dma_semaphore, #tpu.memory_space<semaphore_mem>>)
      %scan3A = arith.constant 0 : i32
      %scan3A_13 = arith.constant 0 : i32
      %scan3A_14 = arith.constant 125 : i32
      %scan3A_15 = arith.addi %scan3A_13, %scan3A_14 : i32
      %scan3A_16 = arith.constant 1 : i32
      scf.for %scan3A_19 = %scan3A_13 to %scan3A_15 step %scan3A_16  : i32 {
        %mul3A_20 = arith.constant 2 : i32
        %mul3A_21 = arith.muli %mul3A_20, %scan3A_19 : i32
        %add3A_22 = arith.constant 1 : i32
        %add3A_23 = arith.addi %mul3A_21, %add3A_22 : i32
        %mul3A_24 = arith.constant 80 : i32
        %mul3A_25 = arith.muli %add3A_23, %mul3A_24 : i32
        %add3A_26 = arith.addi %mul3A_9, %mul3A_25 : i32
        "tpu.region"() ({
          %run_scoped3A = tpu.sem_alloc : memref<!tpu.dma_semaphore, #tpu.memory_space<semaphore_mem>>
          %dma_start3A_39 = tpu.memref_slice %arg4[%add3A_26] : memref<320000xi32, #tpu.memory_space<hbm>> -> memref<80xi32, #tpu.memory_space<hbm>>
          %dma_start3A_40 = tpu.memref_slice %arg4[%add3A_26] : memref<320000xi32, #tpu.memory_space<hbm>> -> memref<80xi32, #tpu.memory_space<hbm>>
          tpu.enqueue_dma source(%dma_start3A_40 : memref<80xi32, #tpu.memory_space<hbm>>) target(%arg13 : memref<80xi32, #tpu.memory_space<vmem>>) target_semaphore(%run_scoped3A : memref<!tpu.dma_semaphore, #tpu.memory_space<semaphore_mem>>)
          %dma_wait3A_41 = tpu.memref_slice %arg4[%add3A_26] : memref<320000xi32, #tpu.memory_space<hbm>> -> memref<80xi32, #tpu.memory_space<hbm>>
          %dma_wait3A_42 = tpu.memref_slice %arg4[%add3A_26] : memref<320000xi32, #tpu.memory_space<hbm>> -> memref<80xi32, #tpu.memory_space<hbm>>
          tpu.wait_dma2 semaphore(%run_scoped3A : memref<!tpu.dma_semaphore, #tpu.memory_space<semaphore_mem>>) src(%dma_wait3A_42 : memref<80xi32, #tpu.memory_space<hbm>>) dst(%arg13 : memref<80xi32, #tpu.memory_space<vmem>>)
          tpu.yield
        }) : () -> ()
        "tpu.region"() ({
          %run_scoped3A = tpu.sem_alloc : memref<!tpu.dma_semaphore, #tpu.memory_space<semaphore_mem>>
          %dma_start3A_39 = tpu.memref_slice %arg5[%add3A_26] : memref<320000xi32, #tpu.memory_space<hbm>> -> memref<80xi32, #tpu.memory_space<hbm>>
          %dma_start3A_40 = tpu.memref_slice %arg5[%add3A_26] : memref<320000xi32, #tpu.memory_space<hbm>> -> memref<80xi32, #tpu.memory_space<hbm>>
          tpu.enqueue_dma source(%dma_start3A_40 : memref<80xi32, #tpu.memory_space<hbm>>) target(%arg14 : memref<80xi32, #tpu.memory_space<vmem>>) target_semaphore(%run_scoped3A : memref<!tpu.dma_semaphore, #tpu.memory_space<semaphore_mem>>)
          %dma_wait3A_41 = tpu.memref_slice %arg5[%add3A_26] : memref<320000xi32, #tpu.memory_space<hbm>> -> memref<80xi32, #tpu.memory_space<hbm>>
          %dma_wait3A_42 = tpu.memref_slice %arg5[%add3A_26] : memref<320000xi32, #tpu.memory_space<hbm>> -> memref<80xi32, #tpu.memory_space<hbm>>
          tpu.wait_dma2 semaphore(%run_scoped3A : memref<!tpu.dma_semaphore, #tpu.memory_space<semaphore_mem>>) src(%dma_wait3A_42 : memref<80xi32, #tpu.memory_space<hbm>>) dst(%arg14 : memref<80xi32, #tpu.memory_space<vmem>>)
          tpu.yield
        }) : () -> ()
        %dma_start3A_27 = arith.constant 0 : i32
        %dma_start3A_28 = arith.constant 0 : i32
        %dma_start3A_29 = tpu.memref_slice %arg7[%dma_start3A_27, %dma_start3A_28] : memref<10000x128xf32, #tpu.memory_space<hbm>> -> memref<10000x128xf32, #tpu.memory_space<hbm>>
        tpu.enqueue_indirect_dma source(%dma_start3A_29 : memref<10000x128xf32, #tpu.memory_space<hbm>>) target(%arg16 : memref<80x128xf32, #tpu.memory_space<vmem>>) offsets(%arg13 : memref<80xi32, #tpu.memory_space<vmem>>) semaphore(%arg19 : memref<!tpu.dma_semaphore, #tpu.memory_space<semaphore_mem>>)
        %dma_wait3A = arith.constant 0 : i32
        %dma_wait3A_30 = arith.constant 0 : i32
        %dma_wait3A_31 = tpu.memref_slice %arg7[%dma_wait3A, %dma_wait3A_30] : memref<10000x128xf32, #tpu.memory_space<hbm>> -> memref<10000x128xf32, #tpu.memory_space<hbm>>
        tpu.wait_indirect_dma semaphore(%arg18 : memref<!tpu.dma_semaphore, #tpu.memory_space<semaphore_mem>>) src(%dma_wait3A_31 : memref<10000x128xf32, #tpu.memory_space<hbm>>) dst(%arg15 : memref<80x128xf32, #tpu.memory_space<vmem>>)
        "tpu.region"() ({
          %run_scoped3A = tpu.sem_alloc : memref<!tpu.dma_semaphore, #tpu.memory_space<semaphore_mem>>
          %dma_start3A_39 = arith.constant 0 : i32
          %dma_start3A_40 = arith.constant 0 : i32
          %dma_start3A_41 = tpu.memref_slice %arg17[%dma_start3A_39, %dma_start3A_40] : memref<10240x128xf32, #tpu.memory_space<vmem_shared>> -> memref<10240x128xf32, #tpu.memory_space<vmem_shared>>
          tpu.enqueue_indirect_dma source(%arg15 : memref<80x128xf32, #tpu.memory_space<vmem>>) target(%dma_start3A_41 : memref<10240x128xf32, #tpu.memory_space<vmem_shared>>) offsets(%arg12 : memref<80xi32, #tpu.memory_space<vmem>>) semaphore(%run_scoped3A : memref<!tpu.dma_semaphore, #tpu.memory_space<semaphore_mem>>) {add = true}
          %dma_wait3A_42 = arith.constant 0 : i32
          %dma_wait3A_43 = arith.constant 0 : i32
          %dma_wait3A_44 = tpu.memref_slice %arg17[%dma_wait3A_42, %dma_wait3A_43] : memref<10240x128xf32, #tpu.memory_space<vmem_shared>> -> memref<10240x128xf32, #tpu.memory_space<vmem_shared>>
          tpu.wait_indirect_dma semaphore(%run_scoped3A : memref<!tpu.dma_semaphore, #tpu.memory_space<semaphore_mem>>) src(%arg15 : memref<80x128xf32, #tpu.memory_space<vmem>>) dst(%dma_wait3A_44 : memref<10240x128xf32, #tpu.memory_space<vmem_shared>>)
          tpu.yield
        }) : () -> ()
        %lt3A = arith.constant 124 : i32
        %lt3A_32 = arith.cmpi slt, %scan3A_19, %lt3A : i32
        %convert_element_type3A_33 = arith.extui %lt3A_32 : i1 to i32
        %cond3A_34 = arith.constant 0 : i32
        %cond3A_35 = arith.cmpi ne, %convert_element_type3A_33, %cond3A_34 : i32
        scf.if %cond3A_35 {
          %mul3A_39 = arith.constant 2 : i32
          %mul3A_40 = arith.muli %mul3A_39, %scan3A_19 : i32
          %add3A_41 = arith.constant 2 : i32
          %add3A_42 = arith.addi %mul3A_40, %add3A_41 : i32
          %mul3A_43 = arith.constant 80 : i32
          %mul3A_44 = arith.muli %add3A_42, %mul3A_43 : i32
          %add3A_45 = arith.addi %mul3A_9, %mul3A_44 : i32
          "tpu.region"() ({
            %run_scoped3A = tpu.sem_alloc : memref<!tpu.dma_semaphore, #tpu.memory_space<semaphore_mem>>
            %dma_start3A_49 = tpu.memref_slice %arg4[%add3A_45] : memref<320000xi32, #tpu.memory_space<hbm>> -> memref<80xi32, #tpu.memory_space<hbm>>
            %dma_start3A_50 = tpu.memref_slice %arg4[%add3A_45] : memref<320000xi32, #tpu.memory_space<hbm>> -> memref<80xi32, #tpu.memory_space<hbm>>
            tpu.enqueue_dma source(%dma_start3A_50 : memref<80xi32, #tpu.memory_space<hbm>>) target(%arg11 : memref<80xi32, #tpu.memory_space<vmem>>) target_semaphore(%run_scoped3A : memref<!tpu.dma_semaphore, #tpu.memory_space<semaphore_mem>>)
            %dma_wait3A_51 = tpu.memref_slice %arg4[%add3A_45] : memref<320000xi32, #tpu.memory_space<hbm>> -> memref<80xi32, #tpu.memory_space<hbm>>
            %dma_wait3A_52 = tpu.memref_slice %arg4[%add3A_45] : memref<320000xi32, #tpu.memory_space<hbm>> -> memref<80xi32, #tpu.memory_space<hbm>>
            tpu.wait_dma2 semaphore(%run_scoped3A : memref<!tpu.dma_semaphore, #tpu.memory_space<semaphore_mem>>) src(%dma_wait3A_52 : memref<80xi32, #tpu.memory_space<hbm>>) dst(%arg11 : memref<80xi32, #tpu.memory_space<vmem>>)
            tpu.yield
          }) : () -> ()
          "tpu.region"() ({
            %run_scoped3A = tpu.sem_alloc : memref<!tpu.dma_semaphore, #tpu.memory_space<semaphore_mem>>
            %dma_start3A_49 = tpu.memref_slice %arg5[%add3A_45] : memref<320000xi32, #tpu.memory_space<hbm>> -> memref<80xi32, #tpu.memory_space<hbm>>
            %dma_start3A_50 = tpu.memref_slice %arg5[%add3A_45] : memref<320000xi32, #tpu.memory_space<hbm>> -> memref<80xi32, #tpu.memory_space<hbm>>
            tpu.enqueue_dma source(%dma_start3A_50 : memref<80xi32, #tpu.memory_space<hbm>>) target(%arg12 : memref<80xi32, #tpu.memory_space<vmem>>) target_semaphore(%run_scoped3A : memref<!tpu.dma_semaphore, #tpu.memory_space<semaphore_mem>>)
            %dma_wait3A_51 = tpu.memref_slice %arg5[%add3A_45] : memref<320000xi32, #tpu.memory_space<hbm>> -> memref<80xi32, #tpu.memory_space<hbm>>
            %dma_wait3A_52 = tpu.memref_slice %arg5[%add3A_45] : memref<320000xi32, #tpu.memory_space<hbm>> -> memref<80xi32, #tpu.memory_space<hbm>>
            tpu.wait_dma2 semaphore(%run_scoped3A : memref<!tpu.dma_semaphore, #tpu.memory_space<semaphore_mem>>) src(%dma_wait3A_52 : memref<80xi32, #tpu.memory_space<hbm>>) dst(%arg12 : memref<80xi32, #tpu.memory_space<vmem>>)
            tpu.yield
          }) : () -> ()
          %dma_start3A_46 = arith.constant 0 : i32
          %dma_start3A_47 = arith.constant 0 : i32
          %dma_start3A_48 = tpu.memref_slice %arg7[%dma_start3A_46, %dma_start3A_47] : memref<10000x128xf32, #tpu.memory_space<hbm>> -> memref<10000x128xf32, #tpu.memory_space<hbm>>
          tpu.enqueue_indirect_dma source(%dma_start3A_48 : memref<10000x128xf32, #tpu.memory_space<hbm>>) target(%arg15 : memref<80x128xf32, #tpu.memory_space<vmem>>) offsets(%arg11 : memref<80xi32, #tpu.memory_space<vmem>>) semaphore(%arg18 : memref<!tpu.dma_semaphore, #tpu.memory_space<semaphore_mem>>)
        } else {
        }
        %dma_wait3A_36 = arith.constant 0 : i32
        %dma_wait3A_37 = arith.constant 0 : i32
        %dma_wait3A_38 = tpu.memref_slice %arg7[%dma_wait3A_36, %dma_wait3A_37] : memref<10000x128xf32, #tpu.memory_space<hbm>> -> memref<10000x128xf32, #tpu.memory_space<hbm>>
        tpu.wait_indirect_dma semaphore(%arg19 : memref<!tpu.dma_semaphore, #tpu.memory_space<semaphore_mem>>) src(%dma_wait3A_38 : memref<10000x128xf32, #tpu.memory_space<hbm>>) dst(%arg16 : memref<80x128xf32, #tpu.memory_space<vmem>>)
        "tpu.region"() ({
          %run_scoped3A = tpu.sem_alloc : memref<!tpu.dma_semaphore, #tpu.memory_space<semaphore_mem>>
          %dma_start3A_39 = arith.constant 0 : i32
          %dma_start3A_40 = arith.constant 0 : i32
          %dma_start3A_41 = tpu.memref_slice %arg17[%dma_start3A_39, %dma_start3A_40] : memref<10240x128xf32, #tpu.memory_space<vmem_shared>> -> memref<10240x128xf32, #tpu.memory_space<vmem_shared>>
          tpu.enqueue_indirect_dma source(%arg16 : memref<80x128xf32, #tpu.memory_space<vmem>>) target(%dma_start3A_41 : memref<10240x128xf32, #tpu.memory_space<vmem_shared>>) offsets(%arg14 : memref<80xi32, #tpu.memory_space<vmem>>) semaphore(%run_scoped3A : memref<!tpu.dma_semaphore, #tpu.memory_space<semaphore_mem>>) {add = true}
          %dma_wait3A_42 = arith.constant 0 : i32
          %dma_wait3A_43 = arith.constant 0 : i32
          %dma_wait3A_44 = tpu.memref_slice %arg17[%dma_wait3A_42, %dma_wait3A_43] : memref<10240x128xf32, #tpu.memory_space<vmem_shared>> -> memref<10240x128xf32, #tpu.memory_space<vmem_shared>>
          tpu.wait_indirect_dma semaphore(%run_scoped3A : memref<!tpu.dma_semaphore, #tpu.memory_space<semaphore_mem>>) src(%arg16 : memref<80x128xf32, #tpu.memory_space<vmem>>) dst(%dma_wait3A_44 : memref<10240x128xf32, #tpu.memory_space<vmem_shared>>)
          tpu.yield
        }) : () -> ()
      }
      %scan3A_17 = arith.constant 125 : i32
      %barrier3A_18 = arith.constant 0 : index
      tpu.barrier barrier_id(%barrier3A_18)
      "tpu.region"() ({
        %run_scoped3A = tpu.sem_alloc : memref<!tpu.dma_semaphore, #tpu.memory_space<semaphore_mem>>
        %dma_start3A_19 = arith.constant 0 : i32
        %dma_start3A_20 = tpu.memref_slice %arg10[%mul3A_7, %dma_start3A_19] : memref<10240x128xf32, #tpu.memory_space<hbm>> -> memref<640x128xf32, #tpu.memory_space<hbm>>
        %dma_start3A_21 = arith.constant 0 : i32
        %dma_start3A_22 = tpu.memref_slice %arg17[%mul3A_7, %dma_start3A_21] : memref<10240x128xf32, #tpu.memory_space<vmem_shared>> -> memref<640x128xf32, #tpu.memory_space<vmem_shared>>
        tpu.enqueue_dma source(%dma_start3A_22 : memref<640x128xf32, #tpu.memory_space<vmem_shared>>) target(%dma_start3A_20 : memref<640x128xf32, #tpu.memory_space<hbm>>) target_semaphore(%run_scoped3A : memref<!tpu.dma_semaphore, #tpu.memory_space<semaphore_mem>>)
        %dma_wait3A = arith.constant 0 : i32
        %dma_wait3A_23 = tpu.memref_slice %arg10[%mul3A_7, %dma_wait3A] : memref<10240x128xf32, #tpu.memory_space<hbm>> -> memref<640x128xf32, #tpu.memory_space<hbm>>
        %dma_wait3A_24 = arith.constant 0 : i32
        %dma_wait3A_25 = tpu.memref_slice %arg17[%mul3A_7, %dma_wait3A_24] : memref<10240x128xf32, #tpu.memory_space<vmem_shared>> -> memref<640x128xf32, #tpu.memory_space<vmem_shared>>
        tpu.wait_dma2 semaphore(%run_scoped3A : memref<!tpu.dma_semaphore, #tpu.memory_space<semaphore_mem>>) src(%dma_wait3A_25 : memref<640x128xf32, #tpu.memory_space<vmem_shared>>) dst(%dma_wait3A_23 : memref<640x128xf32, #tpu.memory_space<hbm>>)
        tpu.yield
      }) : () -> ()
    } else {
    }
    return
  }
}

#map = affine_map<(d0, d1) -> (0)>
#map1 = affine_map<(d0, d1) -> (0, 0)>
module attributes {stable_mosaic.version = 14 : i64} {
  func.func @_hist_kernel(%arg0: i32, %arg1: i32, %arg2: memref<320000xi32, #tpu.memory_space<hbm>>, %arg3: memref<320000xi32, #tpu.memory_space<hbm>>, %arg4: memref<80x128xf32, #tpu.memory_space<hbm>>, %arg5: memref<640x128xf32, #tpu.memory_space<hbm>>, %arg6: memref<10240x128xf32, #tpu.memory_space<hbm>>, %arg7: memref<10240x128xf32, #tpu.memory_space<hbm>>, %arg8: memref<80xi32, #tpu.memory_space<vmem>>, %arg9: memref<80xi32, #tpu.memory_space<vmem>>, %arg10: memref<80x128xf32, #tpu.memory_space<vmem>>, %arg11: memref<10240x128xf32, #tpu.memory_space<vmem_shared>>, %arg12: memref<!tpu.dma_semaphore, #tpu.memory_space<semaphore_mem>>, %arg13: memref<!tpu.dma_semaphore, #tpu.memory_space<semaphore_mem>>) attributes {dimension_semantics = [#tpu.dimension_semantics<core_parallel>, #tpu.dimension_semantics<subcore_parallel>], iteration_bounds = array<i64: 2, 16>, scalar_prefetch = 0 : i64, scratch_operands = 6 : i64, tpu.core_type = #tpu.core_type<sc_vector_subcore>, window_params = [{transform_indices = #map}, {transform_indices = #map}, {transform_indices = #map1}, {transform_indices = #map1}, {transform_indices = #map1}, {transform_indices = #map1}]} {
    %eq3A = arith.constant 0 : i32
    %eq3A_0 = arith.cmpi eq, %arg0, %eq3A : i32
    %convert_element_type3A = arith.extui %eq3A_0 : i1 to i32
    %cond3A = arith.constant 0 : i32
    %cond3A_1 = arith.cmpi ne, %convert_element_type3A, %cond3A : i32
    scf.if %cond3A_1 {
      %mul3A = arith.constant 640 : i32
      %mul3A_7 = arith.muli %arg1, %mul3A : i32
      "tpu.region"() ({
        %run_scoped3A = tpu.sem_alloc : memref<!tpu.dma_semaphore, #tpu.memory_space<semaphore_mem>>
        %dma_start3A_18 = arith.constant 0 : i32
        %dma_start3A_19 = tpu.memref_slice %arg11[%mul3A_7, %dma_start3A_18] : memref<10240x128xf32, #tpu.memory_space<vmem_shared>> -> memref<640x128xf32, #tpu.memory_space<vmem_shared>>
        tpu.enqueue_dma source(%arg5 : memref<640x128xf32, #tpu.memory_space<hbm>>) target(%dma_start3A_19 : memref<640x128xf32, #tpu.memory_space<vmem_shared>>) target_semaphore(%run_scoped3A : memref<!tpu.dma_semaphore, #tpu.memory_space<semaphore_mem>>)
        %dma_wait3A = arith.constant 0 : i32
        %dma_wait3A_20 = tpu.memref_slice %arg11[%mul3A_7, %dma_wait3A] : memref<10240x128xf32, #tpu.memory_space<vmem_shared>> -> memref<640x128xf32, #tpu.memory_space<vmem_shared>>
        tpu.wait_dma2 semaphore(%run_scoped3A : memref<!tpu.dma_semaphore, #tpu.memory_space<semaphore_mem>>) src(%arg5 : memref<640x128xf32, #tpu.memory_space<hbm>>) dst(%dma_wait3A_20 : memref<640x128xf32, #tpu.memory_space<vmem_shared>>)
        tpu.yield
      }) : () -> ()
      "tpu.region"() ({
        %run_scoped3A = tpu.sem_alloc : memref<!tpu.dma_semaphore, #tpu.memory_space<semaphore_mem>>
        tpu.enqueue_dma source(%arg4 : memref<80x128xf32, #tpu.memory_space<hbm>>) target(%arg10 : memref<80x128xf32, #tpu.memory_space<vmem>>) target_semaphore(%run_scoped3A : memref<!tpu.dma_semaphore, #tpu.memory_space<semaphore_mem>>)
        tpu.wait_dma2 semaphore(%run_scoped3A : memref<!tpu.dma_semaphore, #tpu.memory_space<semaphore_mem>>) src(%arg4 : memref<80x128xf32, #tpu.memory_space<hbm>>) dst(%arg10 : memref<80x128xf32, #tpu.memory_space<vmem>>)
        tpu.yield
      }) : () -> ()
      %barrier3A = arith.constant 0 : index
      tpu.barrier barrier_id(%barrier3A)
      %mul3A_8 = arith.constant 20000 : i32
      %mul3A_9 = arith.muli %arg1, %mul3A_8 : i32
      %add3A = arith.constant 0 : i32
      %add3A_10 = arith.addi %mul3A_9, %add3A : i32
      %dma_start3A = tpu.memref_slice %arg2[%add3A_10] : memref<320000xi32, #tpu.memory_space<hbm>> -> memref<80xi32, #tpu.memory_space<hbm>>
      %dma_start3A_11 = tpu.memref_slice %arg2[%add3A_10] : memref<320000xi32, #tpu.memory_space<hbm>> -> memref<80xi32, #tpu.memory_space<hbm>>
      tpu.enqueue_dma source(%dma_start3A_11 : memref<80xi32, #tpu.memory_space<hbm>>) target(%arg8 : memref<80xi32, #tpu.memory_space<vmem>>) target_semaphore(%arg12 : memref<!tpu.dma_semaphore, #tpu.memory_space<semaphore_mem>>)
      %scan3A = arith.constant 0 : i32
      %scan3A_12 = arith.constant 0 : i32
      %scan3A_13 = arith.constant 125 : i32
      %scan3A_14 = arith.addi %scan3A_12, %scan3A_13 : i32
      %scan3A_15 = arith.constant 1 : i32
      scf.for %scan3A_18 = %scan3A_12 to %scan3A_14 step %scan3A_15  : i32 {
        %mul3A_19 = arith.constant 2 : i32
        %mul3A_20 = arith.muli %mul3A_19, %scan3A_18 : i32
        %add3A_21 = arith.constant 1 : i32
        %add3A_22 = arith.addi %mul3A_20, %add3A_21 : i32
        %mul3A_23 = arith.constant 80 : i32
        %mul3A_24 = arith.muli %add3A_22, %mul3A_23 : i32
        %add3A_25 = arith.addi %mul3A_9, %mul3A_24 : i32
        %dma_start3A_26 = tpu.memref_slice %arg2[%add3A_25] : memref<320000xi32, #tpu.memory_space<hbm>> -> memref<80xi32, #tpu.memory_space<hbm>>
        %dma_start3A_27 = tpu.memref_slice %arg2[%add3A_25] : memref<320000xi32, #tpu.memory_space<hbm>> -> memref<80xi32, #tpu.memory_space<hbm>>
        tpu.enqueue_dma source(%dma_start3A_27 : memref<80xi32, #tpu.memory_space<hbm>>) target(%arg9 : memref<80xi32, #tpu.memory_space<vmem>>) target_semaphore(%arg13 : memref<!tpu.dma_semaphore, #tpu.memory_space<semaphore_mem>>)
        %dma_wait3A = arith.constant 0 : i32
        %dma_wait3A_28 = tpu.memref_slice %arg2[%dma_wait3A] : memref<320000xi32, #tpu.memory_space<hbm>> -> memref<80xi32, #tpu.memory_space<hbm>>
        %dma_wait3A_29 = arith.constant 0 : i32
        %dma_wait3A_30 = tpu.memref_slice %arg2[%dma_wait3A_29] : memref<320000xi32, #tpu.memory_space<hbm>> -> memref<80xi32, #tpu.memory_space<hbm>>
        tpu.wait_dma2 semaphore(%arg12 : memref<!tpu.dma_semaphore, #tpu.memory_space<semaphore_mem>>) src(%dma_wait3A_30 : memref<80xi32, #tpu.memory_space<hbm>>) dst(%arg8 : memref<80xi32, #tpu.memory_space<vmem>>)
        "tpu.region"() ({
          %run_scoped3A = tpu.sem_alloc : memref<!tpu.dma_semaphore, #tpu.memory_space<semaphore_mem>>
          %dma_start3A_39 = arith.constant 0 : i32
          %dma_start3A_40 = arith.constant 0 : i32
          %dma_start3A_41 = tpu.memref_slice %arg11[%dma_start3A_39, %dma_start3A_40] : memref<10240x128xf32, #tpu.memory_space<vmem_shared>> -> memref<10240x128xf32, #tpu.memory_space<vmem_shared>>
          tpu.enqueue_indirect_dma source(%arg10 : memref<80x128xf32, #tpu.memory_space<vmem>>) target(%dma_start3A_41 : memref<10240x128xf32, #tpu.memory_space<vmem_shared>>) offsets(%arg8 : memref<80xi32, #tpu.memory_space<vmem>>) semaphore(%run_scoped3A : memref<!tpu.dma_semaphore, #tpu.memory_space<semaphore_mem>>) {add = true}
          %dma_wait3A_42 = arith.constant 0 : i32
          %dma_wait3A_43 = arith.constant 0 : i32
          %dma_wait3A_44 = tpu.memref_slice %arg11[%dma_wait3A_42, %dma_wait3A_43] : memref<10240x128xf32, #tpu.memory_space<vmem_shared>> -> memref<10240x128xf32, #tpu.memory_space<vmem_shared>>
          tpu.wait_indirect_dma semaphore(%run_scoped3A : memref<!tpu.dma_semaphore, #tpu.memory_space<semaphore_mem>>) src(%arg10 : memref<80x128xf32, #tpu.memory_space<vmem>>) dst(%dma_wait3A_44 : memref<10240x128xf32, #tpu.memory_space<vmem_shared>>)
          tpu.yield
        }) : () -> ()
        %lt3A = arith.constant 124 : i32
        %lt3A_31 = arith.cmpi slt, %scan3A_18, %lt3A : i32
        %convert_element_type3A_32 = arith.extui %lt3A_31 : i1 to i32
        %cond3A_33 = arith.constant 0 : i32
        %cond3A_34 = arith.cmpi ne, %convert_element_type3A_32, %cond3A_33 : i32
        scf.if %cond3A_34 {
          %mul3A_39 = arith.constant 2 : i32
          %mul3A_40 = arith.muli %mul3A_39, %scan3A_18 : i32
          %add3A_41 = arith.constant 2 : i32
          %add3A_42 = arith.addi %mul3A_40, %add3A_41 : i32
          %mul3A_43 = arith.constant 80 : i32
          %mul3A_44 = arith.muli %add3A_42, %mul3A_43 : i32
          %add3A_45 = arith.addi %mul3A_9, %mul3A_44 : i32
          %dma_start3A_46 = tpu.memref_slice %arg2[%add3A_45] : memref<320000xi32, #tpu.memory_space<hbm>> -> memref<80xi32, #tpu.memory_space<hbm>>
          %dma_start3A_47 = tpu.memref_slice %arg2[%add3A_45] : memref<320000xi32, #tpu.memory_space<hbm>> -> memref<80xi32, #tpu.memory_space<hbm>>
          tpu.enqueue_dma source(%dma_start3A_47 : memref<80xi32, #tpu.memory_space<hbm>>) target(%arg8 : memref<80xi32, #tpu.memory_space<vmem>>) target_semaphore(%arg12 : memref<!tpu.dma_semaphore, #tpu.memory_space<semaphore_mem>>)
        } else {
        }
        %dma_wait3A_35 = arith.constant 0 : i32
        %dma_wait3A_36 = tpu.memref_slice %arg2[%dma_wait3A_35] : memref<320000xi32, #tpu.memory_space<hbm>> -> memref<80xi32, #tpu.memory_space<hbm>>
        %dma_wait3A_37 = arith.constant 0 : i32
        %dma_wait3A_38 = tpu.memref_slice %arg2[%dma_wait3A_37] : memref<320000xi32, #tpu.memory_space<hbm>> -> memref<80xi32, #tpu.memory_space<hbm>>
        tpu.wait_dma2 semaphore(%arg13 : memref<!tpu.dma_semaphore, #tpu.memory_space<semaphore_mem>>) src(%dma_wait3A_38 : memref<80xi32, #tpu.memory_space<hbm>>) dst(%arg9 : memref<80xi32, #tpu.memory_space<vmem>>)
        "tpu.region"() ({
          %run_scoped3A = tpu.sem_alloc : memref<!tpu.dma_semaphore, #tpu.memory_space<semaphore_mem>>
          %dma_start3A_39 = arith.constant 0 : i32
          %dma_start3A_40 = arith.constant 0 : i32
          %dma_start3A_41 = tpu.memref_slice %arg11[%dma_start3A_39, %dma_start3A_40] : memref<10240x128xf32, #tpu.memory_space<vmem_shared>> -> memref<10240x128xf32, #tpu.memory_space<vmem_shared>>
          tpu.enqueue_indirect_dma source(%arg10 : memref<80x128xf32, #tpu.memory_space<vmem>>) target(%dma_start3A_41 : memref<10240x128xf32, #tpu.memory_space<vmem_shared>>) offsets(%arg9 : memref<80xi32, #tpu.memory_space<vmem>>) semaphore(%run_scoped3A : memref<!tpu.dma_semaphore, #tpu.memory_space<semaphore_mem>>) {add = true}
          %dma_wait3A_42 = arith.constant 0 : i32
          %dma_wait3A_43 = arith.constant 0 : i32
          %dma_wait3A_44 = tpu.memref_slice %arg11[%dma_wait3A_42, %dma_wait3A_43] : memref<10240x128xf32, #tpu.memory_space<vmem_shared>> -> memref<10240x128xf32, #tpu.memory_space<vmem_shared>>
          tpu.wait_indirect_dma semaphore(%run_scoped3A : memref<!tpu.dma_semaphore, #tpu.memory_space<semaphore_mem>>) src(%arg10 : memref<80x128xf32, #tpu.memory_space<vmem>>) dst(%dma_wait3A_44 : memref<10240x128xf32, #tpu.memory_space<vmem_shared>>)
          tpu.yield
        }) : () -> ()
      }
      %scan3A_16 = arith.constant 125 : i32
      %barrier3A_17 = arith.constant 0 : index
      tpu.barrier barrier_id(%barrier3A_17)
      "tpu.region"() ({
        %run_scoped3A = tpu.sem_alloc : memref<!tpu.dma_semaphore, #tpu.memory_space<semaphore_mem>>
        %dma_start3A_18 = arith.constant 0 : i32
        %dma_start3A_19 = tpu.memref_slice %arg6[%mul3A_7, %dma_start3A_18] : memref<10240x128xf32, #tpu.memory_space<hbm>> -> memref<640x128xf32, #tpu.memory_space<hbm>>
        %dma_start3A_20 = arith.constant 0 : i32
        %dma_start3A_21 = tpu.memref_slice %arg11[%mul3A_7, %dma_start3A_20] : memref<10240x128xf32, #tpu.memory_space<vmem_shared>> -> memref<640x128xf32, #tpu.memory_space<vmem_shared>>
        tpu.enqueue_dma source(%dma_start3A_21 : memref<640x128xf32, #tpu.memory_space<vmem_shared>>) target(%dma_start3A_19 : memref<640x128xf32, #tpu.memory_space<hbm>>) target_semaphore(%run_scoped3A : memref<!tpu.dma_semaphore, #tpu.memory_space<semaphore_mem>>)
        %dma_wait3A = arith.constant 0 : i32
        %dma_wait3A_22 = tpu.memref_slice %arg6[%mul3A_7, %dma_wait3A] : memref<10240x128xf32, #tpu.memory_space<hbm>> -> memref<640x128xf32, #tpu.memory_space<hbm>>
        %dma_wait3A_23 = arith.constant 0 : i32
        %dma_wait3A_24 = tpu.memref_slice %arg11[%mul3A_7, %dma_wait3A_23] : memref<10240x128xf32, #tpu.memory_space<vmem_shared>> -> memref<640x128xf32, #tpu.memory_space<vmem_shared>>
        tpu.wait_dma2 semaphore(%run_scoped3A : memref<!tpu.dma_semaphore, #tpu.memory_space<semaphore_mem>>) src(%dma_wait3A_24 : memref<640x128xf32, #tpu.memory_space<vmem_shared>>) dst(%dma_wait3A_22 : memref<640x128xf32, #tpu.memory_space<hbm>>)
        tpu.yield
      }) : () -> ()
    } else {
    }
    %eq3A_2 = arith.constant 1 : i32
    %eq3A_3 = arith.cmpi eq, %arg0, %eq3A_2 : i32
    %convert_element_type3A_4 = arith.extui %eq3A_3 : i1 to i32
    %cond3A_5 = arith.constant 0 : i32
    %cond3A_6 = arith.cmpi ne, %convert_element_type3A_4, %cond3A_5 : i32
    scf.if %cond3A_6 {
      %mul3A = arith.constant 640 : i32
      %mul3A_7 = arith.muli %arg1, %mul3A : i32
      "tpu.region"() ({
        %run_scoped3A = tpu.sem_alloc : memref<!tpu.dma_semaphore, #tpu.memory_space<semaphore_mem>>
        %dma_start3A_18 = arith.constant 0 : i32
        %dma_start3A_19 = tpu.memref_slice %arg11[%mul3A_7, %dma_start3A_18] : memref<10240x128xf32, #tpu.memory_space<vmem_shared>> -> memref<640x128xf32, #tpu.memory_space<vmem_shared>>
        tpu.enqueue_dma source(%arg5 : memref<640x128xf32, #tpu.memory_space<hbm>>) target(%dma_start3A_19 : memref<640x128xf32, #tpu.memory_space<vmem_shared>>) target_semaphore(%run_scoped3A : memref<!tpu.dma_semaphore, #tpu.memory_space<semaphore_mem>>)
        %dma_wait3A = arith.constant 0 : i32
        %dma_wait3A_20 = tpu.memref_slice %arg11[%mul3A_7, %dma_wait3A] : memref<10240x128xf32, #tpu.memory_space<vmem_shared>> -> memref<640x128xf32, #tpu.memory_space<vmem_shared>>
        tpu.wait_dma2 semaphore(%run_scoped3A : memref<!tpu.dma_semaphore, #tpu.memory_space<semaphore_mem>>) src(%arg5 : memref<640x128xf32, #tpu.memory_space<hbm>>) dst(%dma_wait3A_20 : memref<640x128xf32, #tpu.memory_space<vmem_shared>>)
        tpu.yield
      }) : () -> ()
      "tpu.region"() ({
        %run_scoped3A = tpu.sem_alloc : memref<!tpu.dma_semaphore, #tpu.memory_space<semaphore_mem>>
        tpu.enqueue_dma source(%arg4 : memref<80x128xf32, #tpu.memory_space<hbm>>) target(%arg10 : memref<80x128xf32, #tpu.memory_space<vmem>>) target_semaphore(%run_scoped3A : memref<!tpu.dma_semaphore, #tpu.memory_space<semaphore_mem>>)
        tpu.wait_dma2 semaphore(%run_scoped3A : memref<!tpu.dma_semaphore, #tpu.memory_space<semaphore_mem>>) src(%arg4 : memref<80x128xf32, #tpu.memory_space<hbm>>) dst(%arg10 : memref<80x128xf32, #tpu.memory_space<vmem>>)
        tpu.yield
      }) : () -> ()
      %barrier3A = arith.constant 0 : index
      tpu.barrier barrier_id(%barrier3A)
      %mul3A_8 = arith.constant 20000 : i32
      %mul3A_9 = arith.muli %arg1, %mul3A_8 : i32
      %add3A = arith.constant 0 : i32
      %add3A_10 = arith.addi %mul3A_9, %add3A : i32
      %dma_start3A = tpu.memref_slice %arg3[%add3A_10] : memref<320000xi32, #tpu.memory_space<hbm>> -> memref<80xi32, #tpu.memory_space<hbm>>
      %dma_start3A_11 = tpu.memref_slice %arg3[%add3A_10] : memref<320000xi32, #tpu.memory_space<hbm>> -> memref<80xi32, #tpu.memory_space<hbm>>
      tpu.enqueue_dma source(%dma_start3A_11 : memref<80xi32, #tpu.memory_space<hbm>>) target(%arg8 : memref<80xi32, #tpu.memory_space<vmem>>) target_semaphore(%arg12 : memref<!tpu.dma_semaphore, #tpu.memory_space<semaphore_mem>>)
      %scan3A = arith.constant 0 : i32
      %scan3A_12 = arith.constant 0 : i32
      %scan3A_13 = arith.constant 125 : i32
      %scan3A_14 = arith.addi %scan3A_12, %scan3A_13 : i32
      %scan3A_15 = arith.constant 1 : i32
      scf.for %scan3A_18 = %scan3A_12 to %scan3A_14 step %scan3A_15  : i32 {
        %mul3A_19 = arith.constant 2 : i32
        %mul3A_20 = arith.muli %mul3A_19, %scan3A_18 : i32
        %add3A_21 = arith.constant 1 : i32
        %add3A_22 = arith.addi %mul3A_20, %add3A_21 : i32
        %mul3A_23 = arith.constant 80 : i32
        %mul3A_24 = arith.muli %add3A_22, %mul3A_23 : i32
        %add3A_25 = arith.addi %mul3A_9, %mul3A_24 : i32
        %dma_start3A_26 = tpu.memref_slice %arg3[%add3A_25] : memref<320000xi32, #tpu.memory_space<hbm>> -> memref<80xi32, #tpu.memory_space<hbm>>
        %dma_start3A_27 = tpu.memref_slice %arg3[%add3A_25] : memref<320000xi32, #tpu.memory_space<hbm>> -> memref<80xi32, #tpu.memory_space<hbm>>
        tpu.enqueue_dma source(%dma_start3A_27 : memref<80xi32, #tpu.memory_space<hbm>>) target(%arg9 : memref<80xi32, #tpu.memory_space<vmem>>) target_semaphore(%arg13 : memref<!tpu.dma_semaphore, #tpu.memory_space<semaphore_mem>>)
        %dma_wait3A = arith.constant 0 : i32
        %dma_wait3A_28 = tpu.memref_slice %arg3[%dma_wait3A] : memref<320000xi32, #tpu.memory_space<hbm>> -> memref<80xi32, #tpu.memory_space<hbm>>
        %dma_wait3A_29 = arith.constant 0 : i32
        %dma_wait3A_30 = tpu.memref_slice %arg3[%dma_wait3A_29] : memref<320000xi32, #tpu.memory_space<hbm>> -> memref<80xi32, #tpu.memory_space<hbm>>
        tpu.wait_dma2 semaphore(%arg12 : memref<!tpu.dma_semaphore, #tpu.memory_space<semaphore_mem>>) src(%dma_wait3A_30 : memref<80xi32, #tpu.memory_space<hbm>>) dst(%arg8 : memref<80xi32, #tpu.memory_space<vmem>>)
        "tpu.region"() ({
          %run_scoped3A = tpu.sem_alloc : memref<!tpu.dma_semaphore, #tpu.memory_space<semaphore_mem>>
          %dma_start3A_39 = arith.constant 0 : i32
          %dma_start3A_40 = arith.constant 0 : i32
          %dma_start3A_41 = tpu.memref_slice %arg11[%dma_start3A_39, %dma_start3A_40] : memref<10240x128xf32, #tpu.memory_space<vmem_shared>> -> memref<10240x128xf32, #tpu.memory_space<vmem_shared>>
          tpu.enqueue_indirect_dma source(%arg10 : memref<80x128xf32, #tpu.memory_space<vmem>>) target(%dma_start3A_41 : memref<10240x128xf32, #tpu.memory_space<vmem_shared>>) offsets(%arg8 : memref<80xi32, #tpu.memory_space<vmem>>) semaphore(%run_scoped3A : memref<!tpu.dma_semaphore, #tpu.memory_space<semaphore_mem>>) {add = true}
          %dma_wait3A_42 = arith.constant 0 : i32
          %dma_wait3A_43 = arith.constant 0 : i32
          %dma_wait3A_44 = tpu.memref_slice %arg11[%dma_wait3A_42, %dma_wait3A_43] : memref<10240x128xf32, #tpu.memory_space<vmem_shared>> -> memref<10240x128xf32, #tpu.memory_space<vmem_shared>>
          tpu.wait_indirect_dma semaphore(%run_scoped3A : memref<!tpu.dma_semaphore, #tpu.memory_space<semaphore_mem>>) src(%arg10 : memref<80x128xf32, #tpu.memory_space<vmem>>) dst(%dma_wait3A_44 : memref<10240x128xf32, #tpu.memory_space<vmem_shared>>)
          tpu.yield
        }) : () -> ()
        %lt3A = arith.constant 124 : i32
        %lt3A_31 = arith.cmpi slt, %scan3A_18, %lt3A : i32
        %convert_element_type3A_32 = arith.extui %lt3A_31 : i1 to i32
        %cond3A_33 = arith.constant 0 : i32
        %cond3A_34 = arith.cmpi ne, %convert_element_type3A_32, %cond3A_33 : i32
        scf.if %cond3A_34 {
          %mul3A_39 = arith.constant 2 : i32
          %mul3A_40 = arith.muli %mul3A_39, %scan3A_18 : i32
          %add3A_41 = arith.constant 2 : i32
          %add3A_42 = arith.addi %mul3A_40, %add3A_41 : i32
          %mul3A_43 = arith.constant 80 : i32
          %mul3A_44 = arith.muli %add3A_42, %mul3A_43 : i32
          %add3A_45 = arith.addi %mul3A_9, %mul3A_44 : i32
          %dma_start3A_46 = tpu.memref_slice %arg3[%add3A_45] : memref<320000xi32, #tpu.memory_space<hbm>> -> memref<80xi32, #tpu.memory_space<hbm>>
          %dma_start3A_47 = tpu.memref_slice %arg3[%add3A_45] : memref<320000xi32, #tpu.memory_space<hbm>> -> memref<80xi32, #tpu.memory_space<hbm>>
          tpu.enqueue_dma source(%dma_start3A_47 : memref<80xi32, #tpu.memory_space<hbm>>) target(%arg8 : memref<80xi32, #tpu.memory_space<vmem>>) target_semaphore(%arg12 : memref<!tpu.dma_semaphore, #tpu.memory_space<semaphore_mem>>)
        } else {
        }
        %dma_wait3A_35 = arith.constant 0 : i32
        %dma_wait3A_36 = tpu.memref_slice %arg3[%dma_wait3A_35] : memref<320000xi32, #tpu.memory_space<hbm>> -> memref<80xi32, #tpu.memory_space<hbm>>
        %dma_wait3A_37 = arith.constant 0 : i32
        %dma_wait3A_38 = tpu.memref_slice %arg3[%dma_wait3A_37] : memref<320000xi32, #tpu.memory_space<hbm>> -> memref<80xi32, #tpu.memory_space<hbm>>
        tpu.wait_dma2 semaphore(%arg13 : memref<!tpu.dma_semaphore, #tpu.memory_space<semaphore_mem>>) src(%dma_wait3A_38 : memref<80xi32, #tpu.memory_space<hbm>>) dst(%arg9 : memref<80xi32, #tpu.memory_space<vmem>>)
        "tpu.region"() ({
          %run_scoped3A = tpu.sem_alloc : memref<!tpu.dma_semaphore, #tpu.memory_space<semaphore_mem>>
          %dma_start3A_39 = arith.constant 0 : i32
          %dma_start3A_40 = arith.constant 0 : i32
          %dma_start3A_41 = tpu.memref_slice %arg11[%dma_start3A_39, %dma_start3A_40] : memref<10240x128xf32, #tpu.memory_space<vmem_shared>> -> memref<10240x128xf32, #tpu.memory_space<vmem_shared>>
          tpu.enqueue_indirect_dma source(%arg10 : memref<80x128xf32, #tpu.memory_space<vmem>>) target(%dma_start3A_41 : memref<10240x128xf32, #tpu.memory_space<vmem_shared>>) offsets(%arg9 : memref<80xi32, #tpu.memory_space<vmem>>) semaphore(%run_scoped3A : memref<!tpu.dma_semaphore, #tpu.memory_space<semaphore_mem>>) {add = true}
          %dma_wait3A_42 = arith.constant 0 : i32
          %dma_wait3A_43 = arith.constant 0 : i32
          %dma_wait3A_44 = tpu.memref_slice %arg11[%dma_wait3A_42, %dma_wait3A_43] : memref<10240x128xf32, #tpu.memory_space<vmem_shared>> -> memref<10240x128xf32, #tpu.memory_space<vmem_shared>>
          tpu.wait_indirect_dma semaphore(%run_scoped3A : memref<!tpu.dma_semaphore, #tpu.memory_space<semaphore_mem>>) src(%arg10 : memref<80x128xf32, #tpu.memory_space<vmem>>) dst(%dma_wait3A_44 : memref<10240x128xf32, #tpu.memory_space<vmem_shared>>)
          tpu.yield
        }) : () -> ()
      }
      %scan3A_16 = arith.constant 125 : i32
      %barrier3A_17 = arith.constant 0 : index
      tpu.barrier barrier_id(%barrier3A_17)
      "tpu.region"() ({
        %run_scoped3A = tpu.sem_alloc : memref<!tpu.dma_semaphore, #tpu.memory_space<semaphore_mem>>
        %dma_start3A_18 = arith.constant 0 : i32
        %dma_start3A_19 = tpu.memref_slice %arg7[%mul3A_7, %dma_start3A_18] : memref<10240x128xf32, #tpu.memory_space<hbm>> -> memref<640x128xf32, #tpu.memory_space<hbm>>
        %dma_start3A_20 = arith.constant 0 : i32
        %dma_start3A_21 = tpu.memref_slice %arg11[%mul3A_7, %dma_start3A_20] : memref<10240x128xf32, #tpu.memory_space<vmem_shared>> -> memref<640x128xf32, #tpu.memory_space<vmem_shared>>
        tpu.enqueue_dma source(%dma_start3A_21 : memref<640x128xf32, #tpu.memory_space<vmem_shared>>) target(%dma_start3A_19 : memref<640x128xf32, #tpu.memory_space<hbm>>) target_semaphore(%run_scoped3A : memref<!tpu.dma_semaphore, #tpu.memory_space<semaphore_mem>>)
        %dma_wait3A = arith.constant 0 : i32
        %dma_wait3A_22 = tpu.memref_slice %arg7[%mul3A_7, %dma_wait3A] : memref<10240x128xf32, #tpu.memory_space<hbm>> -> memref<640x128xf32, #tpu.memory_space<hbm>>
        %dma_wait3A_23 = arith.constant 0 : i32
        %dma_wait3A_24 = tpu.memref_slice %arg11[%mul3A_7, %dma_wait3A_23] : memref<10240x128xf32, #tpu.memory_space<vmem_shared>> -> memref<640x128xf32, #tpu.memory_space<vmem_shared>>
        tpu.wait_dma2 semaphore(%run_scoped3A : memref<!tpu.dma_semaphore, #tpu.memory_space<semaphore_mem>>) src(%dma_wait3A_24 : memref<640x128xf32, #tpu.memory_space<vmem_shared>>) dst(%dma_wait3A_22 : memref<640x128xf32, #tpu.memory_space<hbm>>)
        tpu.yield
      }) : () -> ()
    } else {
    }
    return
  }
}

module attributes {stable_mosaic.version = 14 : i64} {
  func.func @_prescale_body(%arg0: i32, %arg1: memref<1000x128xf32, #tpu.memory_space<vmem>>, %arg2: memref<1000x128xf32, #tpu.memory_space<vmem>>, %arg3: memref<1000x128xf32, #tpu.memory_space<vmem>>, %arg4: memref<1000x128xf32, #tpu.memory_space<vmem>>, %arg5: memref<1000x128xf32, #tpu.memory_space<vmem>>, %arg6: memref<1000x128xf32, #tpu.memory_space<vmem>>) attributes {dimension_semantics = [#tpu.dimension_semantics<arbitrary>], iteration_bounds = array<i64: 10>, scalar_prefetch = 0 : i64, scratch_operands = 0 : i64, tpu.core_type = #tpu.core_type<tc>, window_params = [{transform_indices = @transform_0, window_bounds = array<i64: 1000, 128>}, {transform_indices = @transform_1, window_bounds = array<i64: 1000, 128>}, {transform_indices = @transform_2, window_bounds = array<i64: 1000, 128>}, {transform_indices = @transform_3, window_bounds = array<i64: 1000, 128>}, {transform_indices = @transform_4, window_bounds = array<i64: 1000, 128>}, {transform_indices = @transform_5, window_bounds = array<i64: 1000, 128>}]} {
    %get3A = arith.constant 0 : index
    %get3A_0 = arith.constant 0 : index
    %get3A_1 = vector.load %arg1[%get3A, %get3A_0] : memref<1000x128xf32, #tpu.memory_space<vmem>>, vector<1000x128xf32>
    %get3A_2 = arith.constant 0 : index
    %get3A_3 = arith.constant 0 : index
    %get3A_4 = vector.load %arg2[%get3A_2, %get3A_3] : memref<1000x128xf32, #tpu.memory_space<vmem>>, vector<1000x1xf32>
    %max3A = arith.constant 1.000000e+00 : f32
    %max3A_5 = vector.broadcast %max3A : f32 to vector<1000x1xf32>
    %max3A_6 = arith.maximumf %get3A_4, %max3A_5 : vector<1000x1xf32>
    %rsqrt3A = math.rsqrt %max3A_6 : vector<1000x1xf32>
    %mul3A = vector.broadcast %rsqrt3A : vector<1000x1xf32> to vector<1000x128xf32>
    %mul3A_7 = arith.mulf %get3A_1, %mul3A : vector<1000x128xf32>
    %swap3A = arith.constant 0 : index
    %swap3A_8 = arith.constant 0 : index
    %swap3A_9 = vector.load %arg5[%swap3A, %swap3A_8] : memref<1000x128xf32, #tpu.memory_space<vmem>>, vector<1000x128xf32>
    tpu.vector_store %arg5[%swap3A, %swap3A_8], %mul3A_7 {strides = array<i32>} : memref<1000x128xf32, #tpu.memory_space<vmem>>, vector<1000x128xf32>,
    %get3A_10 = arith.constant 0 : index
    %get3A_11 = arith.constant 0 : index
    %get3A_12 = vector.load %arg3[%get3A_10, %get3A_11] : memref<1000x128xf32, #tpu.memory_space<vmem>>, vector<1000x128xf32>
    %get3A_13 = arith.constant 0 : index
    %get3A_14 = arith.constant 0 : index
    %get3A_15 = vector.load %arg4[%get3A_13, %get3A_14] : memref<1000x128xf32, #tpu.memory_space<vmem>>, vector<1000x1xf32>
    %max3A_16 = arith.constant 1.000000e+00 : f32
    %max3A_17 = vector.broadcast %max3A_16 : f32 to vector<1000x1xf32>
    %max3A_18 = arith.maximumf %get3A_15, %max3A_17 : vector<1000x1xf32>
    %rsqrt3A_19 = math.rsqrt %max3A_18 : vector<1000x1xf32>
    %mul3A_20 = vector.broadcast %rsqrt3A_19 : vector<1000x1xf32> to vector<1000x128xf32>
    %mul3A_21 = arith.mulf %get3A_12, %mul3A_20 : vector<1000x128xf32>
    %swap3A_22 = arith.constant 0 : index
    %swap3A_23 = arith.constant 0 : index
    %swap3A_24 = vector.load %arg6[%swap3A_22, %swap3A_23] : memref<1000x128xf32, #tpu.memory_space<vmem>>, vector<1000x128xf32>
    tpu.vector_store %arg6[%swap3A_22, %swap3A_23], %mul3A_21 {strides = array<i32>} : memref<1000x128xf32, #tpu.memory_space<vmem>>, vector<1000x128xf32>,
    return
  }
  func.func @transform_0(%arg0: i32) -> (i32, i32) {
    %c0_i32 = arith.constant 0 : i32
    %c0_i32_0 = arith.constant 0 : i32
    return %arg0, %c0_i32 : i32, i32
  }
  func.func @transform_1(%arg0: i32) -> (i32, i32) {
    %c0_i32 = arith.constant 0 : i32
    %c0_i32_0 = arith.constant 0 : i32
    return %arg0, %c0_i32 : i32, i32
  }
  func.func @transform_2(%arg0: i32) -> (i32, i32) {
    %c0_i32 = arith.constant 0 : i32
    %c0_i32_0 = arith.constant 0 : i32
    return %arg0, %c0_i32 : i32, i32
  }
  func.func @transform_3(%arg0: i32) -> (i32, i32) {
    %c0_i32 = arith.constant 0 : i32
    %c0_i32_0 = arith.constant 0 : i32
    return %arg0, %c0_i32 : i32, i32
  }
  func.func @transform_4(%arg0: i32) -> (i32, i32) {
    %c0_i32 = arith.constant 0 : i32
    %c0_i32_0 = arith.constant 0 : i32
    return %arg0, %c0_i32 : i32, i32
  }
  func.func @transform_5(%arg0: i32) -> (i32, i32) {
    %c0_i32 = arith.constant 0 : i32
    %c0_i32_0 = arith.constant 0 : i32
    return %arg0, %c0_i32 : i32, i32
  }
}

module attributes {stable_mosaic.version = 14 : i64} {
  func.func @_layer1_body(%arg0: i32, %arg1: memref<1000x128xf32, #tpu.memory_space<vmem>>, %arg2: memref<1000x128xf32, #tpu.memory_space<vmem>>, %arg3: memref<1000x128xf32, #tpu.memory_space<vmem>>, %arg4: memref<128x128xf32, #tpu.memory_space<vmem>>, %arg5: memref<1x128xf32, #tpu.memory_space<vmem>>, %arg6: memref<1000x128xf32, #tpu.memory_space<vmem>>, %arg7: memref<1000x128xf32, #tpu.memory_space<vmem>>, %arg8: memref<1000x128xf32, #tpu.memory_space<vmem>>, %arg9: memref<128x128xf32, #tpu.memory_space<vmem>>, %arg10: memref<1x128xf32, #tpu.memory_space<vmem>>, %arg11: memref<1000x128xf32, #tpu.memory_space<vmem>>, %arg12: memref<1000x128xf32, #tpu.memory_space<vmem>>) attributes {dimension_semantics = [#tpu.dimension_semantics<arbitrary>], iteration_bounds = array<i64: 10>, scalar_prefetch = 0 : i64, scratch_operands = 0 : i64, tpu.core_type = #tpu.core_type<tc>, window_params = [{transform_indices = @transform_0, window_bounds = array<i64: 1000, 128>}, {transform_indices = @transform_1, window_bounds = array<i64: 1000, 128>}, {transform_indices = @transform_2, window_bounds = array<i64: 1000, 128>}, {pipeline_mode = #tpu.pipeline_mode<synchronous>, transform_indices = @transform_3, window_bounds = array<i64: 128, 128>}, {pipeline_mode = #tpu.pipeline_mode<synchronous>, transform_indices = @transform_4, window_bounds = array<i64: 1, 128>}, {transform_indices = @transform_5, window_bounds = array<i64: 1000, 128>}, {transform_indices = @transform_6, window_bounds = array<i64: 1000, 128>}, {transform_indices = @transform_7, window_bounds = array<i64: 1000, 128>}, {pipeline_mode = #tpu.pipeline_mode<synchronous>, transform_indices = @transform_8, window_bounds = array<i64: 128, 128>}, {pipeline_mode = #tpu.pipeline_mode<synchronous>, transform_indices = @transform_9, window_bounds = array<i64: 1, 128>}, {transform_indices = @transform_10, window_bounds = array<i64: 1000, 128>}, {transform_indices = @transform_11, window_bounds = array<i64: 1000, 128>}]} {
    %get3A = arith.constant 0 : index
    %get3A_0 = arith.constant 0 : index
    %get3A_1 = vector.load %arg1[%get3A, %get3A_0] : memref<1000x128xf32, #tpu.memory_space<vmem>>, vector<1000x128xf32>
    %get3A_2 = arith.constant 0 : index
    %get3A_3 = arith.constant 0 : index
    %get3A_4 = vector.load %arg2[%get3A_2, %get3A_3] : memref<1000x128xf32, #tpu.memory_space<vmem>>, vector<1000x1xf32>
    %max3A = arith.constant 1.000000e+00 : f32
    %max3A_5 = vector.broadcast %max3A : f32 to vector<1000x1xf32>
    %max3A_6 = arith.maximumf %get3A_4, %max3A_5 : vector<1000x1xf32>
    %rsqrt3A = math.rsqrt %max3A_6 : vector<1000x1xf32>
    %mul3A = vector.broadcast %rsqrt3A : vector<1000x1xf32> to vector<1000x128xf32>
    %mul3A_7 = arith.mulf %get3A_1, %mul3A : vector<1000x128xf32>
    %get3A_8 = arith.constant 0 : index
    %get3A_9 = arith.constant 0 : index
    %get3A_10 = vector.load %arg4[%get3A_8, %get3A_9] : memref<128x128xf32, #tpu.memory_space<vmem>>, vector<128x128xf32>
    %dot_general3A = arith.constant dense<0.000000e+00> : vector<1000x128xf32>
    %dot_general3A_11 = tpu.matmul %mul3A_7, %get3A_10, %dot_general3A {dimension_numbers = #tpu.dot_dimension_numbers<[1], [0], [0], [1], [0, 0, 1, 1], [], []>, transpose_lhs_hint = false} : vector<1000x128xf32>, vector<128x128xf32>, vector<1000x128xf32> -> vector<1000x128xf32>
    %get3A_12 = arith.constant 0 : index
    %get3A_13 = arith.constant 0 : index
    %get3A_14 = vector.load %arg5[%get3A_12, %get3A_13] : memref<1x128xf32, #tpu.memory_space<vmem>>, vector<1x128xf32>
    %add3A = vector.broadcast %get3A_14 : vector<1x128xf32> to vector<1000x128xf32>
    %add3A_15 = arith.addf %dot_general3A_11, %add3A : vector<1000x128xf32>
    %max3A_16 = arith.constant 0.000000e+00 : f32
    %max3A_17 = vector.broadcast %max3A_16 : f32 to vector<1000x128xf32>
    %max3A_18 = arith.maximumf %add3A_15, %max3A_17 : vector<1000x128xf32>
    %get3A_19 = arith.constant 0 : index
    %get3A_20 = arith.constant 0 : index
    %get3A_21 = vector.load %arg3[%get3A_19, %get3A_20] : memref<1000x128xf32, #tpu.memory_space<vmem>>, vector<1000x1xf32>
    %max3A_22 = arith.constant 1.000000e+00 : f32
    %max3A_23 = vector.broadcast %max3A_22 : f32 to vector<1000x1xf32>
    %max3A_24 = arith.maximumf %get3A_21, %max3A_23 : vector<1000x1xf32>
    %rsqrt3A_25 = math.rsqrt %max3A_24 : vector<1000x1xf32>
    %mul3A_26 = vector.broadcast %rsqrt3A_25 : vector<1000x1xf32> to vector<1000x128xf32>
    %mul3A_27 = arith.mulf %max3A_18, %mul3A_26 : vector<1000x128xf32>
    %swap3A = arith.constant 0 : index
    %swap3A_28 = arith.constant 0 : index
    %swap3A_29 = vector.load %arg11[%swap3A, %swap3A_28] : memref<1000x128xf32, #tpu.memory_space<vmem>>, vector<1000x128xf32>
    tpu.vector_store %arg11[%swap3A, %swap3A_28], %mul3A_27 {strides = array<i32>} : memref<1000x128xf32, #tpu.memory_space<vmem>>, vector<1000x128xf32>,
    %get3A_30 = arith.constant 0 : index
    %get3A_31 = arith.constant 0 : index
    %get3A_32 = vector.load %arg6[%get3A_30, %get3A_31] : memref<1000x128xf32, #tpu.memory_space<vmem>>, vector<1000x128xf32>
    %get3A_33 = arith.constant 0 : index
    %get3A_34 = arith.constant 0 : index
    %get3A_35 = vector.load %arg7[%get3A_33, %get3A_34] : memref<1000x128xf32, #tpu.memory_space<vmem>>, vector<1000x1xf32>
    %max3A_36 = arith.constant 1.000000e+00 : f32
    %max3A_37 = vector.broadcast %max3A_36 : f32 to vector<1000x1xf32>
    %max3A_38 = arith.maximumf %get3A_35, %max3A_37 : vector<1000x1xf32>
    %rsqrt3A_39 = math.rsqrt %max3A_38 : vector<1000x1xf32>
    %mul3A_40 = vector.broadcast %rsqrt3A_39 : vector<1000x1xf32> to vector<1000x128xf32>
    %mul3A_41 = arith.mulf %get3A_32, %mul3A_40 : vector<1000x128xf32>
    %get3A_42 = arith.constant 0 : index
    %get3A_43 = arith.constant 0 : index
    %get3A_44 = vector.load %arg9[%get3A_42, %get3A_43] : memref<128x128xf32, #tpu.memory_space<vmem>>, vector<128x128xf32>
    %dot_general3A_45 = arith.constant dense<0.000000e+00> : vector<1000x128xf32>
    %dot_general3A_46 = tpu.matmul %mul3A_41, %get3A_44, %dot_general3A_45 {dimension_numbers = #tpu.dot_dimension_numbers<[1], [0], [0], [1], [0, 0, 1, 1], [], []>, transpose_lhs_hint = false} : vector<1000x128xf32>, vector<128x128xf32>, vector<1000x128xf32> -> vector<1000x128xf32>
    %get3A_47 = arith.constant 0 : index
    %get3A_48 = arith.constant 0 : index
    %get3A_49 = vector.load %arg10[%get3A_47, %get3A_48] : memref<1x128xf32, #tpu.memory_space<vmem>>, vector<1x128xf32>
    %add3A_50 = vector.broadcast %get3A_49 : vector<1x128xf32> to vector<1000x128xf32>
    %add3A_51 = arith.addf %dot_general3A_46, %add3A_50 : vector<1000x128xf32>
    %max3A_52 = arith.constant 0.000000e+00 : f32
    %max3A_53 = vector.broadcast %max3A_52 : f32 to vector<1000x128xf32>
    %max3A_54 = arith.maximumf %add3A_51, %max3A_53 : vector<1000x128xf32>
    %get3A_55 = arith.constant 0 : index
    %get3A_56 = arith.constant 0 : index
    %get3A_57 = vector.load %arg8[%get3A_55, %get3A_56] : memref<1000x128xf32, #tpu.memory_space<vmem>>, vector<1000x1xf32>
    %max3A_58 = arith.constant 1.000000e+00 : f32
    %max3A_59 = vector.broadcast %max3A_58 : f32 to vector<1000x1xf32>
    %max3A_60 = arith.maximumf %get3A_57, %max3A_59 : vector<1000x1xf32>
    %rsqrt3A_61 = math.rsqrt %max3A_60 : vector<1000x1xf32>
    %mul3A_62 = vector.broadcast %rsqrt3A_61 : vector<1000x1xf32> to vector<1000x128xf32>
    %mul3A_63 = arith.mulf %max3A_54, %mul3A_62 : vector<1000x128xf32>
    %swap3A_64 = arith.constant 0 : index
    %swap3A_65 = arith.constant 0 : index
    %swap3A_66 = vector.load %arg12[%swap3A_64, %swap3A_65] : memref<1000x128xf32, #tpu.memory_space<vmem>>, vector<1000x128xf32>
    tpu.vector_store %arg12[%swap3A_64, %swap3A_65], %mul3A_63 {strides = array<i32>} : memref<1000x128xf32, #tpu.memory_space<vmem>>, vector<1000x128xf32>,
    return
  }
  func.func @transform_0(%arg0: i32) -> (i32, i32) {
    %c0_i32 = arith.constant 0 : i32
    %c0_i32_0 = arith.constant 0 : i32
    return %arg0, %c0_i32 : i32, i32
  }
  func.func @transform_1(%arg0: i32) -> (i32, i32) {
    %c0_i32 = arith.constant 0 : i32
    %c0_i32_0 = arith.constant 0 : i32
    return %arg0, %c0_i32 : i32, i32
  }
  func.func @transform_2(%arg0: i32) -> (i32, i32) {
    %c0_i32 = arith.constant 0 : i32
    %c0_i32_0 = arith.constant 0 : i32
    return %arg0, %c0_i32 : i32, i32
  }
  func.func @transform_3(%arg0: i32) -> (i32, i32) {
    %c0_i32 = arith.constant 0 : i32
    %c0_i32_0 = arith.constant 0 : i32
    %c0_i32_1 = arith.constant 0 : i32
    return %c0_i32, %c0_i32_0 : i32, i32
  }
  func.func @transform_4(%arg0: i32) -> (i32, i32) {
    %c0_i32 = arith.constant 0 : i32
    %c0_i32_0 = arith.constant 0 : i32
    %c0_i32_1 = arith.constant 0 : i32
    return %c0_i32, %c0_i32_0 : i32, i32
  }
  func.func @transform_5(%arg0: i32) -> (i32, i32) {
    %c0_i32 = arith.constant 0 : i32
    %c0_i32_0 = arith.constant 0 : i32
    return %arg0, %c0_i32 : i32, i32
  }
  func.func @transform_6(%arg0: i32) -> (i32, i32) {
    %c0_i32 = arith.constant 0 : i32
    %c0_i32_0 = arith.constant 0 : i32
    return %arg0, %c0_i32 : i32, i32
  }
  func.func @transform_7(%arg0: i32) -> (i32, i32) {
    %c0_i32 = arith.constant 0 : i32
    %c0_i32_0 = arith.constant 0 : i32
    return %arg0, %c0_i32 : i32, i32
  }
  func.func @transform_8(%arg0: i32) -> (i32, i32) {
    %c0_i32 = arith.constant 0 : i32
    %c0_i32_0 = arith.constant 0 : i32
    %c0_i32_1 = arith.constant 0 : i32
    return %c0_i32, %c0_i32_0 : i32, i32
  }
  func.func @transform_9(%arg0: i32) -> (i32, i32) {
    %c0_i32 = arith.constant 0 : i32
    %c0_i32_0 = arith.constant 0 : i32
    %c0_i32_1 = arith.constant 0 : i32
    return %c0_i32, %c0_i32_0 : i32, i32
  }
  func.func @transform_10(%arg0: i32) -> (i32, i32) {
    %c0_i32 = arith.constant 0 : i32
    %c0_i32_0 = arith.constant 0 : i32
    return %arg0, %c0_i32 : i32, i32
  }
  func.func @transform_11(%arg0: i32) -> (i32, i32) {
    %c0_i32 = arith.constant 0 : i32
    %c0_i32_0 = arith.constant 0 : i32
    return %arg0, %c0_i32 : i32, i32
  }
}

module attributes {stable_mosaic.version = 14 : i64} {
  func.func @_layer2_body(%arg0: i32, %arg1: memref<1000x128xf32, #tpu.memory_space<vmem>>, %arg2: memref<1000x128xf32, #tpu.memory_space<vmem>>, %arg3: memref<128x128xf32, #tpu.memory_space<vmem>>, %arg4: memref<1x128xf32, #tpu.memory_space<vmem>>, %arg5: memref<1000x128xf32, #tpu.memory_space<vmem>>, %arg6: memref<1000x128xf32, #tpu.memory_space<vmem>>, %arg7: memref<128x128xf32, #tpu.memory_space<vmem>>, %arg8: memref<1x128xf32, #tpu.memory_space<vmem>>, %arg9: memref<1000x128xf32, #tpu.memory_space<vmem>>, %arg10: memref<1000x128xf32, #tpu.memory_space<vmem>>) attributes {dimension_semantics = [#tpu.dimension_semantics<arbitrary>], iteration_bounds = array<i64: 10>, scalar_prefetch = 0 : i64, scratch_operands = 0 : i64, tpu.core_type = #tpu.core_type<tc>, window_params = [{transform_indices = @transform_0, window_bounds = array<i64: 1000, 128>}, {transform_indices = @transform_1, window_bounds = array<i64: 1000, 128>}, {pipeline_mode = #tpu.pipeline_mode<synchronous>, transform_indices = @transform_2, window_bounds = array<i64: 128, 128>}, {pipeline_mode = #tpu.pipeline_mode<synchronous>, transform_indices = @transform_3, window_bounds = array<i64: 1, 128>}, {transform_indices = @transform_4, window_bounds = array<i64: 1000, 128>}, {transform_indices = @transform_5, window_bounds = array<i64: 1000, 128>}, {pipeline_mode = #tpu.pipeline_mode<synchronous>, transform_indices = @transform_6, window_bounds = array<i64: 128, 128>}, {pipeline_mode = #tpu.pipeline_mode<synchronous>, transform_indices = @transform_7, window_bounds = array<i64: 1, 128>}, {transform_indices = @transform_8, window_bounds = array<i64: 1000, 128>}, {transform_indices = @transform_9, window_bounds = array<i64: 1000, 128>}]} {
    %get3A = arith.constant 0 : index
    %get3A_0 = arith.constant 0 : index
    %get3A_1 = vector.load %arg1[%get3A, %get3A_0] : memref<1000x128xf32, #tpu.memory_space<vmem>>, vector<1000x128xf32>
    %get3A_2 = arith.constant 0 : index
    %get3A_3 = arith.constant 0 : index
    %get3A_4 = vector.load %arg2[%get3A_2, %get3A_3] : memref<1000x128xf32, #tpu.memory_space<vmem>>, vector<1000x1xf32>
    %max3A = arith.constant 1.000000e+00 : f32
    %max3A_5 = vector.broadcast %max3A : f32 to vector<1000x1xf32>
    %max3A_6 = arith.maximumf %get3A_4, %max3A_5 : vector<1000x1xf32>
    %rsqrt3A = math.rsqrt %max3A_6 : vector<1000x1xf32>
    %mul3A = vector.broadcast %rsqrt3A : vector<1000x1xf32> to vector<1000x128xf32>
    %mul3A_7 = arith.mulf %get3A_1, %mul3A : vector<1000x128xf32>
    %get3A_8 = arith.constant 0 : index
    %get3A_9 = arith.constant 0 : index
    %get3A_10 = vector.load %arg3[%get3A_8, %get3A_9] : memref<128x128xf32, #tpu.memory_space<vmem>>, vector<128x128xf32>
    %dot_general3A = arith.constant dense<0.000000e+00> : vector<1000x128xf32>
    %dot_general3A_11 = tpu.matmul %mul3A_7, %get3A_10, %dot_general3A {dimension_numbers = #tpu.dot_dimension_numbers<[1], [0], [0], [1], [0, 0, 1, 1], [], []>, transpose_lhs_hint = false} : vector<1000x128xf32>, vector<128x128xf32>, vector<1000x128xf32> -> vector<1000x128xf32>
    %get3A_12 = arith.constant 0 : index
    %get3A_13 = arith.constant 0 : index
    %get3A_14 = vector.load %arg4[%get3A_12, %get3A_13] : memref<1x128xf32, #tpu.memory_space<vmem>>, vector<1x128xf32>
    %add3A = vector.broadcast %get3A_14 : vector<1x128xf32> to vector<1000x128xf32>
    %add3A_15 = arith.addf %dot_general3A_11, %add3A : vector<1000x128xf32>
    %swap3A = arith.constant 0 : index
    %swap3A_16 = arith.constant 0 : index
    %swap3A_17 = vector.load %arg9[%swap3A, %swap3A_16] : memref<1000x128xf32, #tpu.memory_space<vmem>>, vector<1000x128xf32>
    tpu.vector_store %arg9[%swap3A, %swap3A_16], %add3A_15 {strides = array<i32>} : memref<1000x128xf32, #tpu.memory_space<vmem>>, vector<1000x128xf32>,
    %get3A_18 = arith.constant 0 : index
    %get3A_19 = arith.constant 0 : index
    %get3A_20 = vector.load %arg5[%get3A_18, %get3A_19] : memref<1000x128xf32, #tpu.memory_space<vmem>>, vector<1000x128xf32>
    %get3A_21 = arith.constant 0 : index
    %get3A_22 = arith.constant 0 : index
    %get3A_23 = vector.load %arg6[%get3A_21, %get3A_22] : memref<1000x128xf32, #tpu.memory_space<vmem>>, vector<1000x1xf32>
    %max3A_24 = arith.constant 1.000000e+00 : f32
    %max3A_25 = vector.broadcast %max3A_24 : f32 to vector<1000x1xf32>
    %max3A_26 = arith.maximumf %get3A_23, %max3A_25 : vector<1000x1xf32>
    %rsqrt3A_27 = math.rsqrt %max3A_26 : vector<1000x1xf32>
    %mul3A_28 = vector.broadcast %rsqrt3A_27 : vector<1000x1xf32> to vector<1000x128xf32>
    %mul3A_29 = arith.mulf %get3A_20, %mul3A_28 : vector<1000x128xf32>
    %get3A_30 = arith.constant 0 : index
    %get3A_31 = arith.constant 0 : index
    %get3A_32 = vector.load %arg7[%get3A_30, %get3A_31] : memref<128x128xf32, #tpu.memory_space<vmem>>, vector<128x128xf32>
    %dot_general3A_33 = arith.constant dense<0.000000e+00> : vector<1000x128xf32>
    %dot_general3A_34 = tpu.matmul %mul3A_29, %get3A_32, %dot_general3A_33 {dimension_numbers = #tpu.dot_dimension_numbers<[1], [0], [0], [1], [0, 0, 1, 1], [], []>, transpose_lhs_hint = false} : vector<1000x128xf32>, vector<128x128xf32>, vector<1000x128xf32> -> vector<1000x128xf32>
    %get3A_35 = arith.constant 0 : index
    %get3A_36 = arith.constant 0 : index
    %get3A_37 = vector.load %arg8[%get3A_35, %get3A_36] : memref<1x128xf32, #tpu.memory_space<vmem>>, vector<1x128xf32>
    %add3A_38 = vector.broadcast %get3A_37 : vector<1x128xf32> to vector<1000x128xf32>
    %add3A_39 = arith.addf %dot_general3A_34, %add3A_38 : vector<1000x128xf32>
    %swap3A_40 = arith.constant 0 : index
    %swap3A_41 = arith.constant 0 : index
    %swap3A_42 = vector.load %arg10[%swap3A_40, %swap3A_41] : memref<1000x128xf32, #tpu.memory_space<vmem>>, vector<1000x128xf32>
    tpu.vector_store %arg10[%swap3A_40, %swap3A_41], %add3A_39 {strides = array<i32>} : memref<1000x128xf32, #tpu.memory_space<vmem>>, vector<1000x128xf32>,
    return
  }
  func.func @transform_0(%arg0: i32) -> (i32, i32) {
    %c0_i32 = arith.constant 0 : i32
    %c0_i32_0 = arith.constant 0 : i32
    return %arg0, %c0_i32 : i32, i32
  }
  func.func @transform_1(%arg0: i32) -> (i32, i32) {
    %c0_i32 = arith.constant 0 : i32
    %c0_i32_0 = arith.constant 0 : i32
    return %arg0, %c0_i32 : i32, i32
  }
  func.func @transform_2(%arg0: i32) -> (i32, i32) {
    %c0_i32 = arith.constant 0 : i32
    %c0_i32_0 = arith.constant 0 : i32
    %c0_i32_1 = arith.constant 0 : i32
    return %c0_i32, %c0_i32_0 : i32, i32
  }
  func.func @transform_3(%arg0: i32) -> (i32, i32) {
    %c0_i32 = arith.constant 0 : i32
    %c0_i32_0 = arith.constant 0 : i32
    %c0_i32_1 = arith.constant 0 : i32
    return %c0_i32, %c0_i32_0 : i32, i32
  }
  func.func @transform_4(%arg0: i32) -> (i32, i32) {
    %c0_i32 = arith.constant 0 : i32
    %c0_i32_0 = arith.constant 0 : i32
    return %arg0, %c0_i32 : i32, i32
  }
  func.func @transform_5(%arg0: i32) -> (i32, i32) {
    %c0_i32 = arith.constant 0 : i32
    %c0_i32_0 = arith.constant 0 : i32
    return %arg0, %c0_i32 : i32, i32
  }
  func.func @transform_6(%arg0: i32) -> (i32, i32) {
    %c0_i32 = arith.constant 0 : i32
    %c0_i32_0 = arith.constant 0 : i32
    %c0_i32_1 = arith.constant 0 : i32
    return %c0_i32, %c0_i32_0 : i32, i32
  }
  func.func @transform_7(%arg0: i32) -> (i32, i32) {
    %c0_i32 = arith.constant 0 : i32
    %c0_i32_0 = arith.constant 0 : i32
    %c0_i32_1 = arith.constant 0 : i32
    return %c0_i32, %c0_i32_0 : i32, i32
  }
  func.func @transform_8(%arg0: i32) -> (i32, i32) {
    %c0_i32 = arith.constant 0 : i32
    %c0_i32_0 = arith.constant 0 : i32
    return %arg0, %c0_i32 : i32, i32
  }
  func.func @transform_9(%arg0: i32) -> (i32, i32) {
    %c0_i32 = arith.constant 0 : i32
    %c0_i32_0 = arith.constant 0 : i32
    return %arg0, %c0_i32 : i32, i32
  }
}

</mosaic_0001>

<sc_bundles>
// kernel: kernel.12.cloned.1.call-start
scs
__scs_entry_jumppad:
0x0: {  	(pc) =	sbr.rel $0x88, $3  }
0x1: {  	(tag) =	ssettag $0x0;
	lr =	simm.s32 $0x1  }
0x2: {  	[smem:$0x3F95] =	sst lr;
	_ =	strace $0xD0000000  }
0x3: {  	_ = 	snop  }
0x4: {  	_ = 	snop  }
0x5: {  	_ = 	snop  }
0x6: {  	_ = 	snop  }
0x7: {  	_ = 	snop  }
__scs_overlays_trampoline_lowered:
0x8: {  	[smem:$0x3FA4] =	sst s0  }
0x9: {  	[smem:$0x3FA5] =	sst s1  }
0xa: {  	[smem:$0x3FA6] =	sst s2  }
0xb: {  	[smem:$0x3FA7] =	sst s3  }
0xc: {  	[smem:$0x3FA8] =	sst s4  }
0xd: {  	[smem:$0x3FA9] =	sst s5  }
0xe: {  	[smem:$0x3FAA] =	sst s6  }
0xf: {  	[smem:$0x3FAB] =	sst s7  }
0x10: {  	[smem:$0x3FAC] =	sst s8  }
0x11: {  	[smem:$0x3FAD] =	sst s9;
	s0 =	simm.s32 @!p0 $0x0  }
0x12: {  	s1 =	sld [smem:$0x3F93];
	s0 =	simm.s32 @p0 $0x1  }
0x13: {  	[smem:$0x3FAE] =	sst s0;
	s0 =	simm.s32 @!p1 $0x0  }
0x14: {  	s2 =	sld [smem:$0x3F92];
	s0 =	simm.s32 @p1 $0x1  }
0x15: {  	[smem:$0x3FAF] =	sst s0;
	s0 =	simm.s32 @!p2 $0x0  }
0x16: {  	s3 =	sld [smem:$0x3FDB];
	s0 =	simm.s32 @p2 $0x1  }
0x17: {  	s4 =	simm.s32 $0x1BF5;
	[smem:$0x3FB1] =	sst s0  }
0x18: {  	s0 =	sld [smem:$0x3F94];
	_ =	swait.ge [sflag:s4], $0x0  }
0x19: {  	s7 =	sld [smem:$0x3F95]  }
0x1a: {  	s8 =	sadd.s32 $0xFFFFE003, lr  }
0x1b: {  	s9 =	sadd.s32 $0xFFFFFEF7, lr;
	s5 =	simm.s32 $0xFFFFFFFF;
	p2 =	slt.u32 s8, $0xFFFFF086  }
0x1c: {  	p1 =	slt.u32 s9, $0xF7A;
	s5 =	simm.s32 @!p2 $0x0  }
0x1d: {  	s5 =	simm.s32 @p1 $0x1;
	p0 =	seq.s32 s7, s2  }
0x1e: {  	s7 =	smul.u32 @!p0 $0xF7A, s2;
	p2 =	seq.s32 @!p0 s5, $0x0  }
0x1f: {  	s9 =	smul.u32 $0xF7A, s1;
	s8 =	simm.s32 @!p0 $0x1BF5;
	p2 =	por !p2, p0  }
0x20: {  	[sflag:s8] =	ssyncset.s32 @!p0 $0xFFFFF086;
	s6 =	sadd.s32 @!p0 s3, s7;
	s7 =	simm.s32 @!p0 $0x108  }
0x21: {  	s3 =	sadd.s32 s3, s9;
	s6 =	sadd.s32 @!p0 $0x88, s6;
	s7 =	simm.s32 @p2 $0x1082  }
0x22: {  	[simem:s7], [sflag:s8] =	dma.local @!p0 [hbm:s6], $0xF7A  }
0x23: {  	s9 =	sor.u32 $0xD0000000, s2;
	s6 =	simm.s32 $0x108;
	_ =	swait.ge @!p0 [sflag:s8], $0x0  }
0x24: {  	s3 =	sadd.s32 $0x88, s3;
	s6 =	simm.s32 @!p1 $0x1082;
	[sflag:s4] =	ssyncset.s32 $0xFFFFF086  }
0x25: {  	[simem:s6], [sflag:s4] =	dma.local [hbm:s3], $0xF7A  }
0x26: {  	[smem:$0x3F95] =	sst s1;
	(tag) =	ssettag s2;
	_ =	strace s9  }
0x27: {  	s1 =	sld [smem:$0x3FA5]  }
0x28: {  	s2 =	sld [smem:$0x3FA6]  }
0x29: {  	s4 =	sld [smem:$0x3FA8]  }
0x2a: {  	p0 =	seq.s32 s5, $0x0;
	s5 =	sld [smem:$0x3FA9]  }
0x2b: {  	s6 =	sld [smem:$0x3FAA]  }
0x2c: {  	s7 =	sld [smem:$0x3FAB]  }
0x2d: {  	s3 =	simm.s32 $0x108;
	s8 =	sld [smem:$0x3FAC]  }
0x2e: {  	s3 =	simm.s32 @!p0 $0x1082;
	s9 =	sld [smem:$0x3FAD]  }
0x2f: {  	lr =	sadd.s32 s0, s3;
	s0 =	sld [smem:$0x3FA4]  }
0x30: {  	s3 =	sld [smem:$0x3FA7]  }
0x31: {  	[smem:$0x3FB0] =	sst s10  }
0x32: {  	s10 =	sld [smem:$0x3FAE];
	_ =	sdelay $0x3  }
0x33: {  	p0 =	seq.s32 s10, $0x1;
	s10 =	sld [smem:$0x3FB0];
	_ =	sdelay $0x3  }
0x34: {  	[smem:$0x3FB0] =	sst s10  }
0x35: {  	s10 =	sld [smem:$0x3FAF];
	_ =	sdelay $0x3  }
0x36: {  	p1 =	seq.s32 s10, $0x1;
	s10 =	sld [smem:$0x3FB0];
	_ =	sdelay $0x3  }
0x37: {  	[smem:$0x3FB0] =	sst s10  }
0x38: {  	s10 =	sld [smem:$0x3FB1]  }
0x39: {  	_ = 	snop;
	(pc) =	sbr.ind lr, $3  }
0x3a: {  	_ = 	snop  }
0x3b: {  	_ = 	snop  }
0x3c: {  	p2 =	seq.s32 s10, $0x1;
	s10 =	sld [smem:$0x3FB0]  }
0x3d: {  	_ =	shalt  }
0x3e: {  	_ =	shalt  }
0x3f: {  	_ =	shalt  }
0x40: {  	_ =	shalt  }
0x41: {  	_ =	shalt  }
0x42: {  	_ =	shalt  }
0x43: {  	_ =	shalt  }
0x44: {  	_ =	shalt  }
0x45: {  	_ =	shalt  }
0x46: {  	_ =	shalt  }
0x47: {  	_ =	shalt  }
0x48: {  	_ =	shalt  }
0x49: {  	_ =	shalt  }
0x4a: {  	_ =	shalt  }
0x4b: {  	_ =	shalt  }
0x4c: {  	_ =	shalt  }
0x4d: {  	_ =	shalt  }
0x4e: {  	_ =	shalt  }
0x4f: {  	_ =	shalt  }
0x50: {  	_ =	shalt  }
0x51: {  	_ =	shalt  }
0x52: {  	_ =	shalt  }
0x53: {  	_ =	shalt  }
0x54: {  	_ =	shalt  }
0x55: {  	_ =	shalt  }
0x56: {  	_ =	shalt  }
0x57: {  	_ =	shalt  }
0x58: {  	_ =	shalt  }
0x59: {  	_ =	shalt  }
0x5a: {  	_ =	shalt  }
0x5b: {  	_ =	shalt  }
0x5c: {  	_ =	shalt  }
0x5d: {  	_ =	shalt  }
0x5e: {  	_ =	shalt  }
0x5f: {  	_ =	shalt  }
0x60: {  	_ =	shalt  }
0x61: {  	_ =	shalt  }
0x62: {  	_ =	shalt  }
0x63: {  	_ =	shalt  }
0x64: {  	_ =	shalt  }
0x65: {  	_ =	shalt  }
0x66: {  	_ =	shalt  }
0x67: {  	_ =	shalt  }
0x68: {  	_ =	shalt  }
0x69: {  	_ =	shalt  }
0x6a: {  	_ =	shalt  }
0x6b: {  	_ =	shalt  }
0x6c: {  	_ =	shalt  }
0x6d: {  	_ =	shalt  }
0x6e: {  	_ =	shalt  }
0x6f: {  	_ =	shalt  }
0x70: {  	_ =	shalt  }
0x71: {  	_ =	shalt  }
0x72: {  	_ =	shalt  }
0x73: {  	_ =	shalt  }
0x74: {  	_ =	shalt  }
0x75: {  	_ =	shalt  }
0x76: {  	_ =	shalt  }
0x77: {  	_ =	shalt  }
0x78: {  	_ =	shalt  }
0x79: {  	_ =	shalt  }
0x7a: {  	_ =	shalt  }
0x7b: {  	_ =	shalt  }
0x7c: {  	_ =	shalt  }
0x7d: {  	_ =	shalt  }
0x7e: {  	_ =	shalt  }
0x7f: {  	_ =	shalt  }
0x80: {  	_ =	shalt  }
0x81: {  	_ =	shalt  }
0x82: {  	_ =	shalt  }
0x83: {  	_ =	shalt  }
0x84: {  	_ =	shalt  }
0x85: {  	_ =	shalt  }
0x86: {  	_ =	shalt  }
0x87: {  	_ =	shalt  }
.Lfunc_end0:
.L_simem_size_0:
called_computation.1_lowered:
.L_overlay_start_0:
0x88: {  	s2 =	sld [smem:$0x3FD9]  }
0x89: {  	s3 =	sld [smem:$0x3FFE];
	_ =	sdelay $0x1  }
0x8a: {  	s1 =	srdreg.scid  }
0x8b: {  	s0 =	sand.u32 $0x1, s1  }
0x8c: {  	s17 =	sshll.u32 s0, $0xA;
	s2 =	sadd.s32 s3, s2  }
0x8d: {  	s2 =	sadd.s32 s2, s17  }
0x8e: {  	[smem:$0x3FBC] =	sst s2  }
0x8f: {  	_ = 	snop  }
0x90: {  	(tm) =	ssettm $0x1  }
0x91: {  	s18 =	sld [smem:$0x3FFB];
	_ =	sdelay $0x3  }
0x92: {  	_ =	strace s18  }
0x93: {  	s2 =	sld [smem:$0x3FFC];
	_ =	sdelay $0x3  }
0x94: {  	_ =	strace s2  }
0x95: {  	s2 =	sld [smem:$0x3FFD];
	_ =	sdelay $0x3  }
0x96: {  	_ =	strace s2  }
0x97: {  	_ =	strace $0x8FFFFFFF  }
0x98: {  	s19 =	sld [smem:$0x3FDB];
	_ =	sdelay $0x1  }
0x99: {  	s20 =	simm.s32 $_scs_section_size  }
0x9a: {  	s4 =	simm.s32 $_size__tile_overlayer_lowered;
	s5 =	simm.s32 $_tile_overlayer_lowered  }
0x9b: {  	s6 =	simm.s32 $0x1BFF;
	s21 =	sshll.u32 s5, $0x1;
	s3 =	sadd.s32 s20, s19  }
0x9c: {  	s22 =	simm.s32 $0x0;
	s4 =	sshll.u32 s4, $0x1;
	s5 =	sadd.s32 s21, s3  }
0x9d: {  	[timem:s22], [sflag:s6] =	dma.local [hbm:s5], s4  }
0x9e: {  	_ =	swait.ge [sflag:s6], s4  }
0x9f: {  	s4 =	ssub.s32 $0x0, s4;
	[sflag:s6] =	ssyncset.done $0x0  }
0xa0: {  	[sflag:s6] =	ssyncadd.s32 s4;
	_ =	sdelay $0x1  }
0xa1: {  	s23 =	simm.s32 $0x1B8B  }
0xa2: {  	_ =	swait.ge [sflag:s23], $0x1  }
0xa3: {  	[sflag:s23] =	ssyncset.done $0x0  }
0xa4: {  	[sflag:s23] =	ssyncadd.s32 $0xFFFFFFFF  }
0xa5: {  	s4 =	sld [smem:$0x0]  }
0xa6: {  	s5 =	sand.u32 $0xFFFFFFFE, s1  }
0xa7: {  	p0 =	sne.s32 s1, s5  }
0xa8: {  	s5 =	sshll.u32 @p0 s5, $0xE  }
0xa9: {  	s5 =	sadd.s32 @p0 $0x11B8D, s5;
	s6 =	sshll.u32 @p0 s4, $0x11  }
0xaa: {  	s5 =	sor.u32 @p0 s6, s5  }
0xab: {  	[sflag:s5] =	ssyncadd.remote.s32 @p0 $0x1;
	_ =	sdelay $0x1  }
0xac: {  	s5 =	simm.s32 @p0 $0x1B8D  }
0xad: {  	_ =	swait.eq @p0 [sflag:s5], $0x1  }
0xae: {  	[sflag:s5] =	ssyncadd.s32 @p0 $0xFFFFFFFF  }
0xaf: {  	s6 =	sshll.u32 @!p0 s1, $0xE  }
0xb0: {  	s6 =	sor.u32 @!p0 $0x4000, s6;
	s5 =	simm.s32 @!p0 $0x1B8D  }
0xb1: {  	s4 =	sshll.u32 @!p0 s4, $0x11;
	s6 =	sadd.s32 @!p0 $0x11B8D, s6;
	_ =	swait.eq @!p0 [sflag:s5], $0x1  }
0xb2: {  	s4 =	sor.u32 @!p0 s4, s6;
	[sflag:s5] =	ssyncadd.s32 @!p0 $0xFFFFFFFF  }
0xb3: {  	s25 =	simm.s32 $0x1B8E;
	s24 =	sld [smem:$0x3FFE];
	[sflag:s4] =	ssyncadd.remote.s32 @!p0 $0x1  }
0xb4: {  	s26 =	simm.s32 $execute0_lowered;
	[smem:$0x3FD2] =	sst s25  }
0xb5: {  	s5 =	sshll.u32 s26, $0x1;
	_ =	strace $0x80000049;
	[dreg:$0x1] =	wrdreg $0xFFFFFFFF  }
0xb6: {  	s28 =	simm.s32 $_size_execute0_lowered;
	s3 =	sadd.s32 s3, s5;
	[dreg:$0x0] =	wrdreg $0x0  }
0xb7: {  	s5 =	sshll.u32 s28, $0x1;
	[dreg:$0x2] =	wrdreg s3  }
0xb8: {  	[dreg:$0x3] =	wrdreg s5  }
0xb9: {  	[dreg:$0x4] =	wrdreg $0xC0  }
0xba: {  	_ =	task [dreg:s22], $0x5FFFF  }
0xbb: {  	[dreg:$0x1] =	wrdreg $0xFFFFFFFF  }
0xbc: {  	[dreg:$0x0] =	wrdreg $0x60  }
0xbd: {  	[dreg:$0x2] =	wrdreg s24  }
0xbe: {  	[dreg:$0x3] =	wrdreg $0x29000  }
0xbf: {  	[dreg:$0x4] =	wrdreg $0x9  }
0xc0: {  	_ =	task.clear_ibuf [dreg:s22], $0x5FFFF;
	_ =	strace $0x90000049  }
0xc1: {  	s29 =	simm.s32 $0x9;
	_ =	strace $0x8000004B  }
0xc2: {  	_ =	swait.ge [sflag:s29], $0x1  }
0xc3: {  	[sflag:s29] =	ssyncadd.s32 $0xFFFFFFFF  }
0xc4: {  	_ =	strace $0x9000004B  }
0xc5: {  	_ =	sfence  }
0xc6: {  	s30 =	sld [smem:$0x0];
	_ =	sdelay $0x2  }
0xc7: {  	s31 =	sshll.u32 s1, $0xD;
	s1 =	sshrl.u32 s1, $0x2  }
0xc8: {  	s4 =	sand.u32 $0x4000, s31;
	s1 =	sadd.s32 s1, s30  }
0xc9: {  	s0 =	sor.u32 s4, s0;
	s1 =	sshll.u32 s1, $0x11  }
0xca: {  	s0 =	sor.u32 s1, s0  }
0xcb: {  	s0 =	sadd.s32 $0x8F2B, s0  }
0xcc: {  	[sflag:s0] =	ssyncadd.remote.s32 $0x1  }
0xcd: {  	_ =	sfence.sel $0xFFFF  }
0xce: {  	[dreg:$0x0] =	wrdreg $0xFFFFFFFF;
	(pc) =	sbr.abs _section_cstart, $3  }
0xcf: {  	[dreg:$0x1] =	wrdreg $0xFFFFFFFF  }
0xd0: {  	_ =	task.clear_ibuf [dreg:s22], $0x2FFFF;
	_ =	strace $0x9FFFFFFF  }
0xd1: {  	(tm) =	ssettm $0x7FFFFFFF  }
tec
execute0_lowered:
.L_overlay_start_1:
0x0: {  	(tag) =	ssettag $0x1  }
0x1: {  	s9 =	rddreg [dreg:$0x0]  }
0x2: {  	s1 =	rddreg [dreg:$0x1]  }
0x3: {  	s0 =	rddreg [dreg:$0x2];
	s2 =	simm.s32 $0x0  }
0x4: {  	s7 =	srdreg.scid;
	s3 =	stileid.u32;
	s19 =	simm.s32 $0x3  }
0x5: {  	s20 =	simm.s32 $0x100;
	s21 =	simm.s32 $0x80;
	s22 =	simm.s32 $0x1  }
0x6: {  	s23 =	simm.s32 $0x50;
	s24 =	simm.s32 $0x2;
	s25 =	simm.s32 $0x0  }
0x7: {  	[smem:$0x7FF] =	sst s2;
	s4 =	sadd.s32 $0x21E00, s9;
	s5 =	sadd.s32 $0x4400, s9  }
0x8: {  	s6 =	sadd.s32 $0x2E400, s9;
	s10 =	sand.u32 $0x1, s7;
	s12 =	smul.u32 $0x50000, s3  }
0x9: {  	s7 =	sadd.s32 $0x2BC00, s9;
	s8 =	sadd.s32 $0x7EA00, s9;
	s14 =	smul.u32 $0x4E20, s3  }
0xa: {  	s9 =	sadd.s32 $0xA6A00, s9;
	s17 =	smul.u32 $0x9C4, s3;
	s15 =	sshll.u32 s3, $0x6  }
0xb: {  	s11 =	ssub.s32 $0x2, s10;
	p0 =	seq.s32 s10, $0x1;
	s10 =	smul.u32 $0x2800, s3  }
.Ltmp0:
0xc: {  	_ =	strace $0x8000004A;
	s15 =	sor.u32 $0x1C03, s15;
	(pc) =	sbr.rel .LBB2_1-.Ltmp0, $4  }
0xd: {  	s13 =	sshrl.u32 s11, $0x1;
	s31 =	sshrl.u32 s12, $0x2;
	s14 =	sshrl.u32 s14, $0x3  }
0xe: {  	s16 =	sadd.s32 s17, s4;
	s17 =	sadd.s32 s17, s5;
	s13 =	ssub.s32 s11, s13  }
0xf: {  	s18 =	sadd.s32 s31, s1;
	s11 =	sadd.s32 s4, s14;
	s12 =	sadd.s32 s5, s14  }
0x10: {  	s14 =	sadd.s32 $0x9BA, s14;
	s13 =	smax.u32 s13, $0x1;
	s18 =	sshrl.u32 s18, $0x3  }
.LBB2_7:
0x11: {  	s28 =	sadd.s32 $0x9BA, s26;
	[sflag:s19] =	ssyncadd.s32 $0xFFFFD800  }
0x12: {  	[tilespmem:s21], [sflag:$0x2] =	stream.linear.gather [hbm4b:s28+s2], $0x50, $0x38;
	[tilespmem:$0x16900] =	vst v63  }
0x13: {  	_ =	swait.ge [sflag:s22], $0x50  }
0x14: {  	[sflag:s22] =	ssyncset.done $0x0  }
0x15: {  	[sflag:s22] =	ssyncadd.s32 $0xFFFFFFB0  }
0x16: {  	[spmem:s1] =	stream.indirect.scatter.add.f32 [tilespmem:s20], [sflag:$0x3], $0x80, s2, s23, $0xb8;
	[tilespmem:$0x16900] =	vst v63  }
0x17: {  	_ =	swait.ge [sflag:s19], $0x2800  }
0x18: {  	[sflag:s19] =	ssyncset.done $0x0  }
0x19: {  	s31 =	sadd.s32 $0x9C4, s26;
	[sflag:s19] =	ssyncadd.s32 $0xFFFFD800  }
0x1a: {  	[tilespmem:s2], [sflag:$0x1] =	stream.linear.gather [hbm4b:s31+s2], $0x50, $0x38;
	[tilespmem:$0x16900] =	vst v63  }
0x1b: {  	_ =	swait.ge [sflag:s24], $0x50  }
0x1c: {  	[sflag:s24] =	ssyncset.done $0x0  }
0x1d: {  	[sflag:s24] =	ssyncadd.s32 $0xFFFFFFB0  }
0x1e: {  	[spmem:s1] =	stream.indirect.scatter.add.f32 [tilespmem:s20], [sflag:$0x3], $0x80, s21, s23, $0xb8;
	[tilespmem:$0x16900] =	vst v63  }
0x1f: {  	_ =	swait.ge [sflag:s19], $0x2800  }
0x20: {  	[sflag:s19] =	ssyncset.done $0x0  }
0x21: {  	s26 =	smov.u32 s9;
	s28 =	smov.u32 s5;
	[sflag:s19] =	ssyncadd.s32 $0xFFFFD800  }
.LBB2_8:
0x22: {  	s28 =	sadd.s32 s28, s14  }
0x23: {  	[tilespmem:s21], [sflag:$0x2] =	stream.linear.gather [hbm4b:s28+s2], $0x50, $0x38;
	[tilespmem:$0x16900] =	vst v63  }
0x24: {  	_ =	swait.ge [sflag:s22], $0x50  }
0x25: {  	[sflag:s22] =	ssyncset.done $0x0  }
0x26: {  	[sflag:s22] =	ssyncadd.s32 $0xFFFFFFB0  }
0x27: {  	[spmem:s1] =	stream.indirect.scatter.add.f32 [tilespmem:s20], [sflag:$0x3], $0x80, s2, s23, $0xb8;
	[tilespmem:$0x16900] =	vst v63  }
0x28: {  	_ =	swait.ge [sflag:s19], $0x2800  }
0x29: {  	[sflag:s19] =	ssyncset.done $0x0  }
0x2a: {  	[sflag:s19] =	ssyncadd.s32 $0xFFFFD800  }
0x2b: {  	_ =	swait.ge [sflag:s24], $0x50  }
0x2c: {  	[sflag:s24] =	ssyncset.done $0x0  }
0x2d: {  	[sflag:s24] =	ssyncadd.s32 $0xFFFFFFB0  }
0x2e: {  	[spmem:s1] =	stream.indirect.scatter.add.f32 [tilespmem:s20], [sflag:$0x3], $0x80, s21, s23, $0xb8;
	[tilespmem:$0x16900] =	vst v63  }
0x2f: {  	_ =	swait.ge [sflag:s19], $0x2800  }
0x30: {  	s25 =	sadd.s32 $0x1, s25;
	[sflag:s19] =	ssyncset.done $0x0  }
0x31: {  	p1 =	sne.s32 s25, s13;
	[sflag:s19] =	ssyncadd.s32 $0xFFFFD800  }
.Ltmp1:
0x32: {  	s26 =	sadd.s32 s26, s10;
	[bflag:$0x0] =	sbarrier.arrive $0xFFFF;
	(pc) =	sbr.rel @!p1 .LBB2_9-.Ltmp1, $4  }
0x33: {  	[hbm:s26], [sflag:s15] =	dma.local [spmem:s18], $0x2800  }
0x34: {  	_ =	swait.ge [sflag:s19], $0x2800  }
0x35: {  	[sflag:s19] =	ssyncset.done $0x0  }
0x36: {  	[sflag:s19] =	ssyncadd.s32 $0xFFFFD800  }
.LBB2_1:
0x37: {  	[spmem:s18], [sflag:s15] =	dma.local [hbm:s7], $0x2800  }
0x38: {  	_ =	swait.ge [sflag:s19], $0x2800  }
0x39: {  	[sflag:s19] =	ssyncset.done $0x0  }
0x3a: {  	[sflag:s19] =	ssyncadd.s32 $0xFFFFD800  }
0x3b: {  	[tilespmem:s20], [sflag:$0x3] =	stream.linear.gather [hbm4b:s6+s2], $0x2800, $0x38;
	[tilespmem:$0x16900] =	vst v63  }
.Ltmp2:
0x3c: {  	_ =	swait.ge [sflag:s19], $0x2800;
	(pc) =	sbr.rel @!p0 .LBB2_2-.Ltmp2, $3  }
0x3d: {  	[sflag:s19] =	ssyncset.done $0x0  }
0x3e: {  	[sflag:s19] =	ssyncadd.s32 $0xFFFFD800  }
0x3f: {  	[bflag:$0x0] =	sbarrier.arrive $0xFFFF;
	_ =	sdelay $0x1  }
0x40: {  	[tilespmem:s2], [sflag:$0x1] =	stream.linear.gather [hbm4b:s12+s2], $0x50, $0x38;
	[tilespmem:$0x16900] =	vst v63  }
0x41: {  	s26 =	sadd.s32 $0xFFFFF650, s17  }
0x42: {  	s28 =	sadd.s32 $0x9BA, s26  }
0x43: {  	[tilespmem:s21], [sflag:$0x2] =	stream.linear.gather [hbm4b:s28+s2], $0x50, $0x38;
	[tilespmem:$0x16900] =	vst v63  }
0x44: {  	_ =	swait.ge [sflag:s22], $0x50  }
0x45: {  	[sflag:s22] =	ssyncset.done $0x0  }
0x46: {  	[sflag:s22] =	ssyncadd.s32 $0xFFFFFFB0  }
0x47: {  	[spmem:s1] =	stream.indirect.scatter.add.f32 [tilespmem:s20], [sflag:$0x3], $0x80, s2, s23, $0xb8;
	[tilespmem:$0x16900] =	vst v63  }
0x48: {  	_ =	swait.ge [sflag:s19], $0x2800  }
0x49: {  	[sflag:s19] =	ssyncset.done $0x0  }
0x4a: {  	s26 =	sadd.s32 $0x9C4, s26;
	[sflag:s19] =	ssyncadd.s32 $0xFFFFD800  }
0x4b: {  	[tilespmem:s2], [sflag:$0x1] =	stream.linear.gather [hbm4b:s26+s2], $0x50, $0x38;
	[tilespmem:$0x16900] =	vst v63  }
0x4c: {  	_ =	swait.ge [sflag:s24], $0x50  }
0x4d: {  	[sflag:s24] =	ssyncset.done $0x0  }
0x4e: {  	[sflag:s24] =	ssyncadd.s32 $0xFFFFFFB0  }
0x4f: {  	[spmem:s1] =	stream.indirect.scatter.add.f32 [tilespmem:s20], [sflag:$0x3], $0x80, s21, s23, $0xb8;
	[tilespmem:$0x16900] =	vst v63  }
0x50: {  	_ =	swait.ge [sflag:s19], $0x2800  }
0x51: {  	s28 =	simm.s32 $0xFFFFF678;
	s26 =	sadd.s32 $0xFFFFF664, s17;
	[sflag:s19] =	ssyncset.done $0x0  }
.LBB2_6:
0x52: {  	s29 =	sadd.s32 $0x9BA, s26  }
0x53: {  	[sflag:s19] =	ssyncadd.s32 $0xFFFFD800;
	s30 =	smov.u32 s28;
	s31 =	sadd.s32 $0x14, s28  }
0x54: {  	[tilespmem:s21], [sflag:$0x2] =	stream.linear.gather [hbm4b:s29+s2], $0x50, $0x38;
	[tilespmem:$0x16900] =	vst v63  }
0x55: {  	p1 =	sne.s32 s28, $0xFFFFFFEC;
	_ =	swait.ge [sflag:s22], $0x50  }
0x56: {  	[sflag:s22] =	ssyncset.done $0x0  }
0x57: {  	[sflag:s22] =	ssyncadd.s32 $0xFFFFFFB0  }
0x58: {  	[spmem:s1] =	stream.indirect.scatter.add.f32 [tilespmem:s20], [sflag:$0x3], $0x80, s2, s23, $0xb8;
	[tilespmem:$0x16900] =	vst v63  }
0x59: {  	_ =	swait.ge [sflag:s19], $0x2800  }
0x5a: {  	[sflag:s19] =	ssyncset.done $0x0  }
0x5b: {  	s26 =	sadd.s32 $0x9C4, s26;
	[sflag:s19] =	ssyncadd.s32 $0xFFFFD800  }
0x5c: {  	[tilespmem:s2], [sflag:$0x1] =	stream.linear.gather [hbm4b:s26+s2], $0x50, $0x38;
	[tilespmem:$0x16900] =	vst v63  }
0x5d: {  	_ =	swait.ge [sflag:s24], $0x50  }
.Ltmp3:
0x5e: {  	[sflag:s24] =	ssyncset.done $0x0;
	(pc) =	sbr.rel @p1 .LBB2_6-.Ltmp3, $4  }
0x5f: {  	[sflag:s24] =	ssyncadd.s32 $0xFFFFFFB0  }
0x60: {  	[spmem:s1] =	stream.indirect.scatter.add.f32 [tilespmem:s20], [sflag:$0x3], $0x80, s21, s23, $0xb8;
	[tilespmem:$0x16900] =	vst v63  }
0x61: {  	_ =	swait.ge [sflag:s19], $0x2800  }
0x62: {  	s28 =	smov.u32 s31;
	s26 =	sadd.s32 s30, s17;
	[sflag:s19] =	ssyncset.done $0x0  }
.Ltmp4:
0x63: {  	_ = 	snop;
	(pc) =	sbr.rel .LBB2_7-.Ltmp4, $1  }
0x64: {  	_ =	sdelay $0x3  }
.LBB2_2:
0x65: {  	[tilespmem:s2], [sflag:$0x1] =	stream.linear.gather [hbm4b:s11+s2], $0x50, $0x38;
	[tilespmem:$0x16900] =	vst v63  }
0x66: {  	s26 =	sadd.s32 $0xFFFFF650, s16  }
0x67: {  	s28 =	sadd.s32 $0x9BA, s26  }
0x68: {  	[tilespmem:s21], [sflag:$0x2] =	stream.linear.gather [hbm4b:s28+s2], $0x50, $0x38;
	[tilespmem:$0x16900] =	vst v63  }
0x69: {  	_ =	swait.ge [sflag:s22], $0x50  }
0x6a: {  	[sflag:s22] =	ssyncset.done $0x0  }
0x6b: {  	[sflag:s22] =	ssyncadd.s32 $0xFFFFFFB0  }
0x6c: {  	[spmem:s1] =	stream.indirect.scatter.add.f32 [tilespmem:s20], [sflag:$0x3], $0x80, s2, s23, $0xb8;
	[tilespmem:$0x16900] =	vst v63  }
0x6d: {  	_ =	swait.ge [sflag:s19], $0x2800  }
0x6e: {  	[sflag:s19] =	ssyncset.done $0x0  }
0x6f: {  	s26 =	sadd.s32 $0x9C4, s26;
	[sflag:s19] =	ssyncadd.s32 $0xFFFFD800  }
0x70: {  	[tilespmem:s2], [sflag:$0x1] =	stream.linear.gather [hbm4b:s26+s2], $0x50, $0x38;
	[tilespmem:$0x16900] =	vst v63  }
0x71: {  	_ =	swait.ge [sflag:s24], $0x50  }
0x72: {  	[sflag:s24] =	ssyncset.done $0x0  }
0x73: {  	[sflag:s24] =	ssyncadd.s32 $0xFFFFFFB0  }
0x74: {  	[spmem:s1] =	stream.indirect.scatter.add.f32 [tilespmem:s20], [sflag:$0x3], $0x80, s21, s23, $0xb8;
	[tilespmem:$0x16900] =	vst v63  }
0x75: {  	_ =	swait.ge [sflag:s19], $0x2800  }
0x76: {  	s28 =	simm.s32 $0xFFFFF678;
	s26 =	sadd.s32 $0xFFFFF664, s16;
	[sflag:s19] =	ssyncset.done $0x0  }
.LBB2_3:
0x77: {  	s29 =	sadd.s32 $0x9BA, s26  }
0x78: {  	[sflag:s19] =	ssyncadd.s32 $0xFFFFD800;
	s30 =	smov.u32 s28;
	s31 =	sadd.s32 $0x14, s28  }
0x79: {  	[tilespmem:s21], [sflag:$0x2] =	stream.linear.gather [hbm4b:s29+s2], $0x50, $0x38;
	[tilespmem:$0x16900] =	vst v63  }
0x7a: {  	p1 =	seq.s32 s28, $0xFFFFFFEC;
	_ =	swait.ge [sflag:s22], $0x50  }
0x7b: {  	[sflag:s22] =	ssyncset.done $0x0  }
0x7c: {  	[sflag:s22] =	ssyncadd.s32 $0xFFFFFFB0  }
0x7d: {  	[spmem:s1] =	stream.indirect.scatter.add.f32 [tilespmem:s20], [sflag:$0x3], $0x80, s2, s23, $0xb8;
	[tilespmem:$0x16900] =	vst v63  }
0x7e: {  	_ =	swait.ge [sflag:s19], $0x2800  }
0x7f: {  	[sflag:s19] =	ssyncset.done $0x0  }
0x80: {  	s26 =	sadd.s32 $0x9C4, s26;
	[sflag:s19] =	ssyncadd.s32 $0xFFFFD800  }
0x81: {  	[tilespmem:s2], [sflag:$0x1] =	stream.linear.gather [hbm4b:s26+s2], $0x50, $0x38;
	[tilespmem:$0x16900] =	vst v63  }
0x82: {  	_ =	swait.ge [sflag:s24], $0x50  }
.Ltmp5:
0x83: {  	[sflag:s24] =	ssyncset.done $0x0;
	(pc) =	sbr.rel @!p1 .LBB2_3-.Ltmp5, $4  }
0x84: {  	[sflag:s24] =	ssyncadd.s32 $0xFFFFFFB0  }
0x85: {  	[spmem:s1] =	stream.indirect.scatter.add.f32 [tilespmem:s20], [sflag:$0x3], $0x80, s21, s23, $0xb8;
	[tilespmem:$0x16900] =	vst v63  }
0x86: {  	_ =	swait.ge [sflag:s19], $0x2800  }
0x87: {  	s28 =	smov.u32 s31;
	s26 =	sadd.s32 s30, s16;
	[sflag:s19] =	ssyncset.done $0x0  }
0x88: {  	s28 =	sadd.s32 $0x9BA, s26;
	[sflag:s19] =	ssyncadd.s32 $0xFFFFD800  }
0x89: {  	[tilespmem:s21], [sflag:$0x2] =	stream.linear.gather [hbm4b:s28+s2], $0x50, $0x38;
	[tilespmem:$0x16900] =	vst v63  }
0x8a: {  	_ =	swait.ge [sflag:s22], $0x50  }
0x8b: {  	[sflag:s22] =	ssyncset.done $0x0  }
0x8c: {  	[sflag:s22] =	ssyncadd.s32 $0xFFFFFFB0  }
0x8d: {  	[spmem:s1] =	stream.indirect.scatter.add.f32 [tilespmem:s20], [sflag:$0x3], $0x80, s2, s23, $0xb8;
	[tilespmem:$0x16900] =	vst v63  }
0x8e: {  	_ =	swait.ge [sflag:s19], $0x2800  }
0x8f: {  	[sflag:s19] =	ssyncset.done $0x0  }
0x90: {  	s31 =	sadd.s32 $0x9C4, s26;
	[sflag:s19] =	ssyncadd.s32 $0xFFFFD800  }
0x91: {  	[tilespmem:s2], [sflag:$0x1] =	stream.linear.gather [hbm4b:s31+s2], $0x50, $0x38;
	[tilespmem:$0x16900] =	vst v63  }
0x92: {  	_ =	swait.ge [sflag:s24], $0x50  }
0x93: {  	[sflag:s24] =	ssyncset.done $0x0  }
.Ltmp6:
0x94: {  	[sflag:s24] =	ssyncadd.s32 $0xFFFFFFB0;
	(pc) =	sbr.rel .LBB2_8-.Ltmp6, $4  }
0x95: {  	[spmem:s1] =	stream.indirect.scatter.add.f32 [tilespmem:s20], [sflag:$0x3], $0x80, s21, s23, $0xb8;
	[tilespmem:$0x16900] =	vst v63  }
0x96: {  	_ =	swait.ge [sflag:s19], $0x2800  }
0x97: {  	[sflag:s19] =	ssyncset.done $0x0  }
0x98: {  	s26 =	smov.u32 s8;
	s28 =	smov.u32 s4;
	[sflag:s19] =	ssyncadd.s32 $0xFFFFD800  }
.LBB2_9:
0x99: {  	_ =	sfence.sel $0x180000  }
0x9a: {  	[bflag:$0x0] =	sbarrier.arrive $0xFFFF  }
0x9b: {  	p0 =	sne.s32 s3, $0x0;
	_ =	strace $0x9000004A  }
0x9c: {  	s0 =	sadd.s32 @!p0 $0x100000, s0;
	[bflag:$0x2] =	sbarrier.arrive $0xFFFF  }
0x9d: {  	[sflag:s0] =	ssyncadd.tile.s32 @!p0 $0x1;
	_ =	shalt  }
.Lfunc_end2:
_tile_overlayer_lowered:
.L_overlay_start_2:
0x9e: {  	(tag) =	ssettag $0x2  }
0x9f: {  	s0 =	rddreg [dreg:$0x0];
	s2 =	stileid.u32  }
0xa0: {  	s1 =	rddreg [dreg:$0x1];
	p0 =	sne.s32 s2, $0x0  }
0xa1: {  	s3 =	rddreg [dreg:$0x2];
	[bflag:$0x3] =	sbarrier.arrive $0xFFFF;
	s2 =	simm.s32 @!p0 $0x1C03  }
0xa2: {  	[timem:s3], [sflag:s2] =	dma.local @!p0 [hbm:s0], s1  }
0xa3: {  	s0 =	simm.s32 @!p0 $0x3  }
0xa4: {  	_ =	swait.ge @!p0 [sflag:s0], s1  }
0xa5: {  	s1 =	ssub.s32 @!p0 $0x0, s1;
	[sflag:s0] =	ssyncset.done @!p0 $0x0  }
0xa6: {  	[sflag:s0] =	ssyncadd.s32 @!p0 s1  }
0xa7: {  	[bflag:$0x3] =	sbarrier.arrive $0xFFFF  }
0xa8: {  	_ =	shalt  }

// kernel: kernel.15.cloned.1.call-start
scs
__scs_entry_jumppad:
0x0: {  	(pc) =	sbr.rel $0x88, $3  }
0x1: {  	(tag) =	ssettag $0x0;
	lr =	simm.s32 $0x1  }
0x2: {  	[smem:$0x3F95] =	sst lr;
	_ =	strace $0xD0000000  }
0x3: {  	_ = 	snop  }
0x4: {  	_ = 	snop  }
0x5: {  	_ = 	snop  }
0x6: {  	_ = 	snop  }
0x7: {  	_ = 	snop  }
__scs_overlays_trampoline_lowered:
0x8: {  	[smem:$0x3FA4] =	sst s0  }
0x9: {  	[smem:$0x3FA5] =	sst s1  }
0xa: {  	[smem:$0x3FA6] =	sst s2  }
0xb: {  	[smem:$0x3FA7] =	sst s3  }
0xc: {  	[smem:$0x3FA8] =	sst s4  }
0xd: {  	[smem:$0x3FA9] =	sst s5  }
0xe: {  	[smem:$0x3FAA] =	sst s6  }
0xf: {  	[smem:$0x3FAB] =	sst s7  }
0x10: {  	[smem:$0x3FAC] =	sst s8  }
0x11: {  	[smem:$0x3FAD] =	sst s9;
	s0 =	simm.s32 @!p0 $0x0  }
0x12: {  	s1 =	sld [smem:$0x3F93];
	s0 =	simm.s32 @p0 $0x1  }
0x13: {  	[smem:$0x3FAE] =	sst s0;
	s0 =	simm.s32 @!p1 $0x0  }
0x14: {  	s2 =	sld [smem:$0x3F92];
	s0 =	simm.s32 @p1 $0x1  }
0x15: {  	[smem:$0x3FAF] =	sst s0;
	s0 =	simm.s32 @!p2 $0x0  }
0x16: {  	s3 =	sld [smem:$0x3FDB];
	s0 =	simm.s32 @p2 $0x1  }
0x17: {  	s4 =	simm.s32 $0x1BF5;
	[smem:$0x3FB1] =	sst s0  }
0x18: {  	s0 =	sld [smem:$0x3F94];
	_ =	swait.ge [sflag:s4], $0x0  }
0x19: {  	s7 =	sld [smem:$0x3F95]  }
0x1a: {  	s8 =	sadd.s32 $0xFFFFE003, lr  }
0x1b: {  	s9 =	sadd.s32 $0xFFFFFEF7, lr;
	s5 =	simm.s32 $0xFFFFFFFF;
	p2 =	slt.u32 s8, $0xFFFFF086  }
0x1c: {  	p1 =	slt.u32 s9, $0xF7A;
	s5 =	simm.s32 @!p2 $0x0  }
0x1d: {  	s5 =	simm.s32 @p1 $0x1;
	p0 =	seq.s32 s7, s2  }
0x1e: {  	s7 =	smul.u32 @!p0 $0xF7A, s2;
	p2 =	seq.s32 @!p0 s5, $0x0  }
0x1f: {  	s9 =	smul.u32 $0xF7A, s1;
	s8 =	simm.s32 @!p0 $0x1BF5;
	p2 =	por !p2, p0  }
0x20: {  	[sflag:s8] =	ssyncset.s32 @!p0 $0xFFFFF086;
	s6 =	sadd.s32 @!p0 s3, s7;
	s7 =	simm.s32 @!p0 $0x108  }
0x21: {  	s3 =	sadd.s32 s3, s9;
	s6 =	sadd.s32 @!p0 $0x88, s6;
	s7 =	simm.s32 @p2 $0x1082  }
0x22: {  	[simem:s7], [sflag:s8] =	dma.local @!p0 [hbm:s6], $0xF7A  }
0x23: {  	s9 =	sor.u32 $0xD0000000, s2;
	s6 =	simm.s32 $0x108;
	_ =	swait.ge @!p0 [sflag:s8], $0x0  }
0x24: {  	s3 =	sadd.s32 $0x88, s3;
	s6 =	simm.s32 @!p1 $0x1082;
	[sflag:s4] =	ssyncset.s32 $0xFFFFF086  }
0x25: {  	[simem:s6], [sflag:s4] =	dma.local [hbm:s3], $0xF7A  }
0x26: {  	[smem:$0x3F95] =	sst s1;
	(tag) =	ssettag s2;
	_ =	strace s9  }
0x27: {  	s1 =	sld [smem:$0x3FA5]  }
0x28: {  	s2 =	sld [smem:$0x3FA6]  }
0x29: {  	s4 =	sld [smem:$0x3FA8]  }
0x2a: {  	p0 =	seq.s32 s5, $0x0;
	s5 =	sld [smem:$0x3FA9]  }
0x2b: {  	s6 =	sld [smem:$0x3FAA]  }
0x2c: {  	s7 =	sld [smem:$0x3FAB]  }
0x2d: {  	s3 =	simm.s32 $0x108;
	s8 =	sld [smem:$0x3FAC]  }
0x2e: {  	s3 =	simm.s32 @!p0 $0x1082;
	s9 =	sld [smem:$0x3FAD]  }
0x2f: {  	lr =	sadd.s32 s0, s3;
	s0 =	sld [smem:$0x3FA4]  }
0x30: {  	s3 =	sld [smem:$0x3FA7]  }
0x31: {  	[smem:$0x3FB0] =	sst s10  }
0x32: {  	s10 =	sld [smem:$0x3FAE];
	_ =	sdelay $0x3  }
0x33: {  	p0 =	seq.s32 s10, $0x1;
	s10 =	sld [smem:$0x3FB0];
	_ =	sdelay $0x3  }
0x34: {  	[smem:$0x3FB0] =	sst s10  }
0x35: {  	s10 =	sld [smem:$0x3FAF];
	_ =	sdelay $0x3  }
0x36: {  	p1 =	seq.s32 s10, $0x1;
	s10 =	sld [smem:$0x3FB0];
	_ =	sdelay $0x3  }
0x37: {  	[smem:$0x3FB0] =	sst s10  }
0x38: {  	s10 =	sld [smem:$0x3FB1]  }
0x39: {  	_ = 	snop;
	(pc) =	sbr.ind lr, $3  }
0x3a: {  	_ = 	snop  }
0x3b: {  	_ = 	snop  }
0x3c: {  	p2 =	seq.s32 s10, $0x1;
	s10 =	sld [smem:$0x3FB0]  }
0x3d: {  	_ =	shalt  }
0x3e: {  	_ =	shalt  }
0x3f: {  	_ =	shalt  }
0x40: {  	_ =	shalt  }
0x41: {  	_ =	shalt  }
0x42: {  	_ =	shalt  }
0x43: {  	_ =	shalt  }
0x44: {  	_ =	shalt  }
0x45: {  	_ =	shalt  }
0x46: {  	_ =	shalt  }
0x47: {  	_ =	shalt  }
0x48: {  	_ =	shalt  }
0x49: {  	_ =	shalt  }
0x4a: {  	_ =	shalt  }
0x4b: {  	_ =	shalt  }
0x4c: {  	_ =	shalt  }
0x4d: {  	_ =	shalt  }
0x4e: {  	_ =	shalt  }
0x4f: {  	_ =	shalt  }
0x50: {  	_ =	shalt  }
0x51: {  	_ =	shalt  }
0x52: {  	_ =	shalt  }
0x53: {  	_ =	shalt  }
0x54: {  	_ =	shalt  }
0x55: {  	_ =	shalt  }
0x56: {  	_ =	shalt  }
0x57: {  	_ =	shalt  }
0x58: {  	_ =	shalt  }
0x59: {  	_ =	shalt  }
0x5a: {  	_ =	shalt  }
0x5b: {  	_ =	shalt  }
0x5c: {  	_ =	shalt  }
0x5d: {  	_ =	shalt  }
0x5e: {  	_ =	shalt  }
0x5f: {  	_ =	shalt  }
0x60: {  	_ =	shalt  }
0x61: {  	_ =	shalt  }
0x62: {  	_ =	shalt  }
0x63: {  	_ =	shalt  }
0x64: {  	_ =	shalt  }
0x65: {  	_ =	shalt  }
0x66: {  	_ =	shalt  }
0x67: {  	_ =	shalt  }
0x68: {  	_ =	shalt  }
0x69: {  	_ =	shalt  }
0x6a: {  	_ =	shalt  }
0x6b: {  	_ =	shalt  }
0x6c: {  	_ =	shalt  }
0x6d: {  	_ =	shalt  }
0x6e: {  	_ =	shalt  }
0x6f: {  	_ =	shalt  }
0x70: {  	_ =	shalt  }
0x71: {  	_ =	shalt  }
0x72: {  	_ =	shalt  }
0x73: {  	_ =	shalt  }
0x74: {  	_ =	shalt  }
0x75: {  	_ =	shalt  }
0x76: {  	_ =	shalt  }
0x77: {  	_ =	shalt  }
0x78: {  	_ =	shalt  }
0x79: {  	_ =	shalt  }
0x7a: {  	_ =	shalt  }
0x7b: {  	_ =	shalt  }
0x7c: {  	_ =	shalt  }
0x7d: {  	_ =	shalt  }
0x7e: {  	_ =	shalt  }
0x7f: {  	_ =	shalt  }
0x80: {  	_ =	shalt  }
0x81: {  	_ =	shalt  }
0x82: {  	_ =	shalt  }
0x83: {  	_ =	shalt  }
0x84: {  	_ =	shalt  }
0x85: {  	_ =	shalt  }
0x86: {  	_ =	shalt  }
0x87: {  	_ =	shalt  }
.Lfunc_end0:
.L_simem_size_0:
called_computation.2_lowered:
.L_overlay_start_0:
0x88: {  	s2 =	sld [smem:$0x3FD9]  }
0x89: {  	s3 =	sld [smem:$0x3FFE];
	_ =	sdelay $0x1  }
0x8a: {  	s1 =	srdreg.scid  }
0x8b: {  	s0 =	sand.u32 $0x1, s1  }
0x8c: {  	s15 =	sshll.u32 s0, $0xA;
	s2 =	sadd.s32 s3, s2  }
0x8d: {  	s2 =	sadd.s32 s2, s15  }
0x8e: {  	[smem:$0x3FBC] =	sst s2  }
0x8f: {  	_ = 	snop  }
0x90: {  	s2 =	sld [smem:$0x3FD0];
	_ =	sdelay $0x2  }
0x91: {  	s16 =	simm.s32 $0xB;
	s4 =	simm.s32 $0x10  }
0x92: {  	[smem:s4], [sflag:s16] =	dma.local [hbm:s2], $0x1  }
0x93: {  	_ =	swait.eq [sflag:s16], $0x1  }
0x94: {  	[sflag:s16] =	ssyncset.done $0x0  }
0x95: {  	[sflag:s16] =	ssyncadd.s32 $0xFFFFFFFF  }
0x96: {  	s17 =	sld [smem:$0x11];
	(tm) =	ssettm $0x1  }
0x97: {  	s18 =	sld [smem:$0x3FFB];
	_ =	sdelay $0x3  }
0x98: {  	_ =	strace s18  }
0x99: {  	s2 =	sld [smem:$0x3FFC];
	_ =	sdelay $0x3  }
0x9a: {  	_ =	strace s2  }
0x9b: {  	s2 =	sld [smem:$0x3FFD];
	_ =	sdelay $0x3  }
0x9c: {  	_ =	strace s2  }
0x9d: {  	_ =	strace $0x8FFFFFFF  }
0x9e: {  	s19 =	sld [smem:$0x3FDB];
	_ =	sdelay $0x1  }
0x9f: {  	s20 =	simm.s32 $_scs_section_size  }
0xa0: {  	s5 =	simm.s32 $_size__tile_overlayer_lowered;
	s6 =	simm.s32 $_tile_overlayer_lowered  }
0xa1: {  	s7 =	simm.s32 $0x1BFF;
	s21 =	sshll.u32 s6, $0x1;
	s4 =	sadd.s32 s20, s19  }
0xa2: {  	s22 =	simm.s32 $0x0;
	s5 =	sshll.u32 s5, $0x1;
	s6 =	sadd.s32 s21, s4  }
0xa3: {  	[timem:s22], [sflag:s7] =	dma.local [hbm:s6], s5  }
0xa4: {  	_ =	swait.ge [sflag:s7], s5  }
0xa5: {  	s5 =	ssub.s32 $0x0, s5;
	[sflag:s7] =	ssyncset.done $0x0  }
0xa6: {  	[sflag:s7] =	ssyncadd.s32 s5;
	_ =	sdelay $0x1  }
0xa7: {  	s23 =	simm.s32 $0x1B8B  }
0xa8: {  	_ =	swait.ge [sflag:s23], $0x1  }
0xa9: {  	[sflag:s23] =	ssyncset.done $0x0  }
0xaa: {  	[sflag:s23] =	ssyncadd.s32 $0xFFFFFFFF  }
0xab: {  	s5 =	sld [smem:$0x0]  }
0xac: {  	s6 =	sand.u32 $0xFFFFFFFE, s1  }
0xad: {  	p0 =	sne.s32 s1, s6  }
0xae: {  	s6 =	sshll.u32 @p0 s6, $0xE  }
0xaf: {  	s6 =	sadd.s32 @p0 $0x11B8D, s6;
	s7 =	sshll.u32 @p0 s5, $0x11  }
0xb0: {  	s6 =	sor.u32 @p0 s7, s6  }
0xb1: {  	[sflag:s6] =	ssyncadd.remote.s32 @p0 $0x1;
	_ =	sdelay $0x1  }
0xb2: {  	s6 =	simm.s32 @p0 $0x1B8D  }
0xb3: {  	_ =	swait.eq @p0 [sflag:s6], $0x1  }
0xb4: {  	[sflag:s6] =	ssyncadd.s32 @p0 $0xFFFFFFFF  }
0xb5: {  	s7 =	sshll.u32 @!p0 s1, $0xE  }
0xb6: {  	s7 =	sor.u32 @!p0 $0x4000, s7;
	s6 =	simm.s32 @!p0 $0x1B8D  }
0xb7: {  	s5 =	sshll.u32 @!p0 s5, $0x11;
	s7 =	sadd.s32 @!p0 $0x11B8D, s7;
	_ =	swait.eq @!p0 [sflag:s6], $0x1  }
0xb8: {  	s5 =	sor.u32 @!p0 s5, s7;
	[sflag:s6] =	ssyncadd.s32 @!p0 $0xFFFFFFFF  }
0xb9: {  	s25 =	simm.s32 $0x1B8E;
	s24 =	sld [smem:$0x3FFE];
	[sflag:s5] =	ssyncadd.remote.s32 @!p0 $0x1  }
0xba: {  	s26 =	simm.s32 $execute0_lowered;
	[smem:$0x3FD2] =	sst s25  }
0xbb: {  	s6 =	sshll.u32 s26, $0x1;
	_ =	strace $0x8000004C;
	[dreg:$0x1] =	wrdreg $0xFFFFFFFF  }
0xbc: {  	s28 =	simm.s32 $_size_execute0_lowered;
	s4 =	sadd.s32 s4, s6;
	[dreg:$0x0] =	wrdreg $0x0  }
0xbd: {  	s6 =	sshll.u32 s28, $0x1;
	[dreg:$0x2] =	wrdreg s4  }
0xbe: {  	[dreg:$0x3] =	wrdreg s6  }
0xbf: {  	[dreg:$0x4] =	wrdreg $0xC0  }
0xc0: {  	_ =	task [dreg:s22], $0x5FFFF  }
0xc1: {  	[dreg:$0x1] =	wrdreg $0xFFFFFFFF  }
0xc2: {  	[dreg:$0x0] =	wrdreg $0x60  }
0xc3: {  	[dreg:$0x2] =	wrdreg s24  }
0xc4: {  	[dreg:$0x3] =	wrdreg s17  }
0xc5: {  	[dreg:$0x4] =	wrdreg $0x52000  }
0xc6: {  	[dreg:$0x5] =	wrdreg $0xA  }
0xc7: {  	_ =	task.clear_ibuf [dreg:s22], $0x6FFFF;
	_ =	strace $0x9000004C  }
0xc8: {  	s29 =	simm.s32 $0xA;
	_ =	strace $0x8000004E  }
0xc9: {  	_ =	swait.ge [sflag:s29], $0x1  }
0xca: {  	[sflag:s29] =	ssyncadd.s32 $0xFFFFFFFF  }
0xcb: {  	_ =	strace $0x9000004E  }
0xcc: {  	_ =	sfence  }
0xcd: {  	s30 =	sld [smem:$0x0];
	_ =	sdelay $0x2  }
0xce: {  	s31 =	sshll.u32 s1, $0xD;
	s1 =	sshrl.u32 s1, $0x2  }
0xcf: {  	s4 =	sand.u32 $0x4000, s31;
	s1 =	sadd.s32 s1, s30  }
0xd0: {  	s0 =	sor.u32 s4, s0;
	s1 =	sshll.u32 s1, $0x11  }
0xd1: {  	s0 =	sor.u32 s1, s0  }
0xd2: {  	s0 =	sadd.s32 $0x8F2B, s0  }
0xd3: {  	[sflag:s0] =	ssyncadd.remote.s32 $0x1  }
0xd4: {  	_ =	sfence.sel $0xFFFF  }
0xd5: {  	[dreg:$0x0] =	wrdreg $0xFFFFFFFF;
	(pc) =	sbr.abs _section_cstart, $3  }
0xd6: {  	[dreg:$0x1] =	wrdreg $0xFFFFFFFF  }
0xd7: {  	_ =	task.clear_ibuf [dreg:s22], $0x2FFFF;
	_ =	strace $0x9FFFFFFF  }
0xd8: {  	(tm) =	ssettm $0x7FFFFFFF  }
0xd9: {  	_ =	shalt  }
tec
execute0_lowered:
.L_overlay_start_1:
0x0: {  	(tag) =	ssettag $0x1  }
0x1: {  	s0 =	rddreg [dreg:$0x0]  }
0x2: {  	s1 =	rddreg [dreg:$0x1]  }
0x3: {  	s2 =	rddreg [dreg:$0x2];
	s3 =	simm.s32 $0x0  }
0x4: {  	s4 =	srdreg.scid;
	s14 =	stileid.u32;
	s28 =	simm.s32 $0x80  }
0x5: {  	s29 =	simm.s32 $0x50;
	[smem:$0x7FF] =	sst s3;
	s7 =	sadd.s32 $0x18000, s0  }
0x6: {  	s8 =	sadd.s32 $0x21E00, s0;
	s15 =	sadd.s32 $0xE200, s0;
	s17 =	sadd.s32 $0x4400, s0  }
0x7: {  	s9 =	sadd.s32 $0x55C00, s0;
	s10 =	sadd.s32 $0x2BC00, s0;
	s11 =	sadd.s32 $0xCEA00, s0  }
0x8: {  	s0 =	sadd.s32 $0xF6A00, s0;
	_ =	strace $0x8000004D;
	[dreg:$0x8] =	wrdreg s11  }
0x9: {  	s30 =	simm.s32 $0x200;
	s6 =	smul.u32 $0x50000, s14;
	[dreg:$0x9] =	wrdreg s0  }
0xa: {  	s31 =	simm.s32 $0x100;
	s12 =	smul.u32 $0x4E20, s14;
	[dreg:$0x5] =	wrdreg s8  }
0xb: {  	s4 =	sand.u32 $0x1, s4;
	s25 =	smul.u32 $0x9C4, s14;
	[dreg:$0x4] =	wrdreg s7  }
0xc: {  	s26 =	sshll.u32 s14, $0x6;
	s5 =	ssub.s32 $0x2, s4;
	[dreg:$0x7] =	wrdreg s17  }
0xd: {  	p0 =	seq.s32 s4, $0x1;
	[dreg:$0x6] =	wrdreg s15;
	s0 =	simm.s32 $0x180  }
0xe: {  	s11 =	simm.s32 $0x1;
	s16 =	sshrl.u32 s5, $0x1;
	s19 =	sshrl.u32 s6, $0x2  }
0xf: {  	s20 =	sshrl.u32 s12, $0x3;
	s6 =	simm.s32 $0x2A00;
	s12 =	simm.s32 $0x2  }
0x10: {  	s18 =	ssub.s32 s5, s16;
	s13 =	sadd.s32 s19, s2;
	s21 =	sadd.s32 s7, s20  }
0x11: {  	s22 =	sadd.s32 s8, s20;
	s16 =	smul.u32 $0x2800, s14;
	[dreg:$0xa] =	wrdreg s21  }
.Ltmp0:
0x12: {  	s23 =	sadd.s32 s15, s20;
	[dreg:$0xb] =	wrdreg s22;
	(pc) =	sbr.rel .LBB2_1-.Ltmp0, $4  }
0x13: {  	s24 =	sadd.s32 s17, s20;
	s20 =	sadd.s32 $0x9BA, s20;
	[dreg:$0xc] =	wrdreg s23  }
0x14: {  	s14 =	simm.s32 $0x0;
	[dreg:$0xd] =	wrdreg s24;
	s19 =	smax.u32 s18, $0x1  }
0x15: {  	s21 =	sor.u32 $0x1C03, s26;
	s22 =	sadd.s32 s25, s8;
	s23 =	sadd.s32 s25, s7  }
0x16: {  	s24 =	sadd.s32 s25, s17;
	s25 =	sadd.s32 s25, s15;
	s26 =	simm.s32 $0x3  }
.LBB2_7:
0x17: {  	s5 =	sadd.s32 $0x9BA, s4;
	[sflag:s26] =	ssyncadd.s32 $0xFFFFD800  }
0x18: {  	[tilespmem:s31], [sflag:$0x3] =	stream.linear.gather [hbm4b:s5+s3], $0x50, $0x38;
	[tilespmem:$0x19200] =	vst v63  }
0x19: {  	_ =	swait.ge [sflag:s26], $0x50  }
0x1a: {  	s8 =	sadd.s32 s17, s24;
	[sflag:s26] =	ssyncset.done $0x0  }
0x1b: {  	s7 =	sadd.s32 $0x9BA, s8;
	[sflag:s26] =	ssyncadd.s32 $0xFFFFFFB0  }
0x1c: {  	[tilespmem:s0], [sflag:$0x3] =	stream.linear.gather [hbm4b:s7+s3], $0x50, $0x38;
	[tilespmem:$0x19200] =	vst v63  }
0x1d: {  	_ =	swait.ge [sflag:s26], $0x50  }
0x1e: {  	[sflag:s26] =	ssyncset.done $0x0  }
0x1f: {  	[sflag:s26] =	ssyncadd.s32 $0xFFFFFFB0  }
0x20: {  	[tilespmem:s6], [sflag:$0x2] =	stream.indirect.gather [hbm4b:s9+s29], $0x80, s31, s29, $0xb8;
	[tilespmem:$0x19200] =	vst v63  }
0x21: {  	_ =	swait.ge [sflag:s11], $0x2800  }
0x22: {  	[sflag:s11] =	ssyncset.done $0x0  }
0x23: {  	[sflag:s11] =	ssyncadd.s32 $0xFFFFD800  }
0x24: {  	[spmem:s2] =	stream.indirect.scatter.add.f32 [tilespmem:s30], [sflag:$0x3], $0x80, s28, s29, $0xb8;
	[tilespmem:$0x19200] =	vst v63  }
0x25: {  	_ =	swait.ge [sflag:s26], $0x2800  }
0x26: {  	[sflag:s26] =	ssyncset.done $0x0  }
0x27: {  	s17 =	sadd.s32 $0x9C4, s4;
	[sflag:s26] =	ssyncadd.s32 $0xFFFFD800  }
0x28: {  	[tilespmem:s3], [sflag:$0x3] =	stream.linear.gather [hbm4b:s17+s3], $0x50, $0x38;
	[tilespmem:$0x19200] =	vst v63  }
0x29: {  	_ =	swait.ge [sflag:s26], $0x50  }
0x2a: {  	[sflag:s26] =	ssyncset.done $0x0  }
0x2b: {  	s18 =	sadd.s32 $0x9C4, s8;
	[sflag:s26] =	ssyncadd.s32 $0xFFFFFFB0  }
0x2c: {  	[tilespmem:s28], [sflag:$0x3] =	stream.linear.gather [hbm4b:s18+s3], $0x50, $0x38;
	[tilespmem:$0x19200] =	vst v63  }
0x2d: {  	_ =	swait.ge [sflag:s26], $0x50  }
0x2e: {  	[sflag:s26] =	ssyncset.done $0x0  }
0x2f: {  	[sflag:s26] =	ssyncadd.s32 $0xFFFFFFB0  }
0x30: {  	[tilespmem:s30], [sflag:$0x1] =	stream.indirect.gather [hbm4b:s9+s29], $0x80, s3, s29, $0xb8;
	[tilespmem:$0x19200] =	vst v63  }
0x31: {  	_ =	swait.ge [sflag:s12], $0x2800  }
0x32: {  	[sflag:s12] =	ssyncset.done $0x0  }
0x33: {  	[sflag:s12] =	ssyncadd.s32 $0xFFFFD800  }
0x34: {  	[spmem:s2] =	stream.indirect.scatter.add.f32 [tilespmem:s6], [sflag:$0x3], $0x80, s0, s29, $0xb8;
	[tilespmem:$0x19200] =	vst v63  }
0x35: {  	_ =	swait.ge [sflag:s26], $0x2800  }
0x36: {  	s18 =	rddreg [dreg:$0x6]  }
0x37: {  	[sflag:s26] =	ssyncset.done $0x0;
	s5 =	rddreg [dreg:$0x7]  }
0x38: {  	s17 =	smov.u32 s9;
	s4 =	rddreg [dreg:$0x9];
	[sflag:s26] =	ssyncadd.s32 $0xFFFFD800  }
.LBB2_8:
0x39: {  	s7 =	sadd.s32 s18, s20  }
0x3a: {  	[tilespmem:s31], [sflag:$0x3] =	stream.linear.gather [hbm4b:s7+s3], $0x50, $0x38;
	[tilespmem:$0x19200] =	vst v63  }
0x3b: {  	_ =	swait.ge [sflag:s26], $0x50  }
0x3c: {  	[sflag:s26] =	ssyncset.done $0x0  }
0x3d: {  	s5 =	sadd.s32 s5, s20;
	[sflag:s26] =	ssyncadd.s32 $0xFFFFFFB0  }
0x3e: {  	[tilespmem:s0], [sflag:$0x3] =	stream.linear.gather [hbm4b:s5+s3], $0x50, $0x38;
	[tilespmem:$0x19200] =	vst v63  }
0x3f: {  	_ =	swait.ge [sflag:s26], $0x50  }
0x40: {  	[sflag:s26] =	ssyncset.done $0x0  }
0x41: {  	[sflag:s26] =	ssyncadd.s32 $0xFFFFFFB0  }
0x42: {  	[tilespmem:s6], [sflag:$0x2] =	stream.indirect.gather [hbm4b:s17+s29], $0x80, s31, s29, $0xb8;
	[tilespmem:$0x19200] =	vst v63  }
0x43: {  	_ =	swait.ge [sflag:s11], $0x2800  }
0x44: {  	[sflag:s11] =	ssyncset.done $0x0  }
0x45: {  	[sflag:s11] =	ssyncadd.s32 $0xFFFFD800  }
0x46: {  	[spmem:s2] =	stream.indirect.scatter.add.f32 [tilespmem:s30], [sflag:$0x3], $0x80, s28, s29, $0xb8;
	[tilespmem:$0x19200] =	vst v63  }
0x47: {  	_ =	swait.ge [sflag:s26], $0x2800  }
0x48: {  	[sflag:s26] =	ssyncset.done $0x0  }
0x49: {  	[sflag:s26] =	ssyncadd.s32 $0xFFFFD800  }
0x4a: {  	_ =	swait.ge [sflag:s12], $0x2800  }
0x4b: {  	[sflag:s12] =	ssyncset.done $0x0  }
0x4c: {  	[sflag:s12] =	ssyncadd.s32 $0xFFFFD800  }
0x4d: {  	[spmem:s2] =	stream.indirect.scatter.add.f32 [tilespmem:s6], [sflag:$0x3], $0x80, s0, s29, $0xb8;
	[tilespmem:$0x19200] =	vst v63  }
0x4e: {  	_ =	swait.ge [sflag:s26], $0x2800  }
0x4f: {  	s14 =	sadd.s32 $0x1, s14;
	[sflag:s26] =	ssyncset.done $0x0  }
0x50: {  	p1 =	sne.s32 s14, s19;
	[sflag:s26] =	ssyncadd.s32 $0xFFFFD800  }
.Ltmp1:
0x51: {  	s4 =	sadd.s32 s4, s16;
	[bflag:$0x0] =	sbarrier.arrive $0xFFFF;
	(pc) =	sbr.rel @!p1 .LBB2_9-.Ltmp1, $4  }
0x52: {  	[hbm:s4], [sflag:s21] =	dma.local [spmem:s15], $0x2800  }
0x53: {  	_ =	swait.ge [sflag:s26], $0x2800  }
0x54: {  	[sflag:s26] =	ssyncset.done $0x0  }
0x55: {  	[sflag:s26] =	ssyncadd.s32 $0xFFFFD800  }
.LBB2_1:
0x56: {  	s15 =	sshrl.u32 s13, $0x3  }
0x57: {  	[spmem:s15], [sflag:s21] =	dma.local [hbm:s10], $0x2800  }
.Ltmp2:
0x58: {  	_ =	swait.ge [sflag:s26], $0x2800;
	(pc) =	sbr.rel @!p0 .LBB2_2-.Ltmp2, $3  }
0x59: {  	[sflag:s26] =	ssyncset.done $0x0  }
0x5a: {  	[sflag:s26] =	ssyncadd.s32 $0xFFFFD800  }
0x5b: {  	[bflag:$0x0] =	sbarrier.arrive $0xFFFF;
	_ =	sdelay $0x1  }
0x5c: {  	s4 =	rddreg [dreg:$0xc]  }
0x5d: {  	[tilespmem:s3], [sflag:$0x3] =	stream.linear.gather [hbm4b:s4+s3], $0x50, $0x38;
	[tilespmem:$0x19200] =	vst v63  }
0x5e: {  	_ =	swait.ge [sflag:s26], $0x50  }
0x5f: {  	[sflag:s26] =	ssyncset.done $0x0  }
0x60: {  	s7 =	rddreg [dreg:$0xd];
	[sflag:s26] =	ssyncadd.s32 $0xFFFFFFB0  }
0x61: {  	[tilespmem:s28], [sflag:$0x3] =	stream.linear.gather [hbm4b:s7+s3], $0x50, $0x38;
	[tilespmem:$0x19200] =	vst v63  }
0x62: {  	_ =	swait.ge [sflag:s26], $0x50  }
0x63: {  	[sflag:s26] =	ssyncset.done $0x0  }
0x64: {  	s8 =	sadd.s32 $0xFFFFF650, s25;
	[sflag:s26] =	ssyncadd.s32 $0xFFFFFFB0  }
0x65: {  	[tilespmem:s30], [sflag:$0x1] =	stream.indirect.gather [hbm4b:s9+s29], $0x80, s3, s29, $0xb8;
	[tilespmem:$0x19200] =	vst v63  }
0x66: {  	s5 =	sadd.s32 $0x9BA, s8  }
0x67: {  	[tilespmem:s31], [sflag:$0x3] =	stream.linear.gather [hbm4b:s5+s3], $0x50, $0x38;
	[tilespmem:$0x19200] =	vst v63  }
0x68: {  	_ =	swait.ge [sflag:s26], $0x50  }
0x69: {  	s17 =	sadd.s32 $0xFFFFF650, s24;
	[sflag:s26] =	ssyncset.done $0x0  }
0x6a: {  	s7 =	sadd.s32 $0x9BA, s17;
	[sflag:s26] =	ssyncadd.s32 $0xFFFFFFB0  }
0x6b: {  	[tilespmem:s0], [sflag:$0x3] =	stream.linear.gather [hbm4b:s7+s3], $0x50, $0x38;
	[tilespmem:$0x19200] =	vst v63  }
0x6c: {  	_ =	swait.ge [sflag:s26], $0x50  }
0x6d: {  	[sflag:s26] =	ssyncset.done $0x0  }
0x6e: {  	[sflag:s26] =	ssyncadd.s32 $0xFFFFFFB0  }
0x6f: {  	[tilespmem:s6], [sflag:$0x2] =	stream.indirect.gather [hbm4b:s9+s29], $0x80, s31, s29, $0xb8;
	[tilespmem:$0x19200] =	vst v63  }
0x70: {  	_ =	swait.ge [sflag:s11], $0x2800  }
0x71: {  	[sflag:s11] =	ssyncset.done $0x0  }
0x72: {  	[sflag:s11] =	ssyncadd.s32 $0xFFFFD800  }
0x73: {  	[spmem:s2] =	stream.indirect.scatter.add.f32 [tilespmem:s30], [sflag:$0x3], $0x80, s28, s29, $0xb8;
	[tilespmem:$0x19200] =	vst v63  }
0x74: {  	_ =	swait.ge [sflag:s26], $0x2800  }
0x75: {  	[sflag:s26] =	ssyncset.done $0x0  }
0x76: {  	s4 =	sadd.s32 $0x9C4, s8;
	[sflag:s26] =	ssyncadd.s32 $0xFFFFD800  }
0x77: {  	[tilespmem:s3], [sflag:$0x3] =	stream.linear.gather [hbm4b:s4+s3], $0x50, $0x38;
	[tilespmem:$0x19200] =	vst v63  }
0x78: {  	_ =	swait.ge [sflag:s26], $0x50  }
0x79: {  	[sflag:s26] =	ssyncset.done $0x0  }
0x7a: {  	s18 =	sadd.s32 $0x9C4, s17;
	[sflag:s26] =	ssyncadd.s32 $0xFFFFFFB0  }
0x7b: {  	[tilespmem:s28], [sflag:$0x3] =	stream.linear.gather [hbm4b:s18+s3], $0x50, $0x38;
	[tilespmem:$0x19200] =	vst v63  }
0x7c: {  	_ =	swait.ge [sflag:s26], $0x50  }
0x7d: {  	[sflag:s26] =	ssyncset.done $0x0  }
0x7e: {  	[sflag:s26] =	ssyncadd.s32 $0xFFFFFFB0  }
0x7f: {  	[tilespmem:s30], [sflag:$0x1] =	stream.indirect.gather [hbm4b:s9+s29], $0x80, s3, s29, $0xb8;
	[tilespmem:$0x19200] =	vst v63  }
0x80: {  	_ =	swait.ge [sflag:s12], $0x2800  }
0x81: {  	[sflag:s12] =	ssyncset.done $0x0  }
0x82: {  	[sflag:s12] =	ssyncadd.s32 $0xFFFFD800  }
0x83: {  	[spmem:s2] =	stream.indirect.scatter.add.f32 [tilespmem:s6], [sflag:$0x3], $0x80, s0, s29, $0xb8;
	[tilespmem:$0x19200] =	vst v63  }
0x84: {  	s17 =	simm.s32 $0xFFFFF664;
	_ =	swait.ge [sflag:s26], $0x2800  }
0x85: {  	s5 =	simm.s32 $0xFFFFF678;
	s4 =	sadd.s32 $0xFFFFF664, s25;
	[sflag:s26] =	ssyncset.done $0x0  }
.LBB2_6:
0x86: {  	s7 =	sadd.s32 $0x9BA, s4  }
0x87: {  	[sflag:s26] =	ssyncadd.s32 $0xFFFFD800;
	s8 =	smov.u32 s5;
	s18 =	sadd.s32 $0x14, s5  }
0x88: {  	[tilespmem:s31], [sflag:$0x3] =	stream.linear.gather [hbm4b:s7+s3], $0x50, $0x38;
	[tilespmem:$0x19200] =	vst v63  }
0x89: {  	p1 =	sne.s32 s5, $0xFFFFFFEC;
	_ =	swait.ge [sflag:s26], $0x50  }
0x8a: {  	s5 =	sadd.s32 s17, s24;
	s17 =	smov.u32 s8;
	[sflag:s26] =	ssyncset.done $0x0  }
0x8b: {  	s7 =	sadd.s32 $0x9BA, s5;
	[sflag:s26] =	ssyncadd.s32 $0xFFFFFFB0  }
0x8c: {  	[tilespmem:s0], [sflag:$0x3] =	stream.linear.gather [hbm4b:s7+s3], $0x50, $0x38;
	[tilespmem:$0x19200] =	vst v63  }
0x8d: {  	_ =	swait.ge [sflag:s26], $0x50  }
0x8e: {  	[sflag:s26] =	ssyncset.done $0x0  }
0x8f: {  	[sflag:s26] =	ssyncadd.s32 $0xFFFFFFB0  }
0x90: {  	[tilespmem:s6], [sflag:$0x2] =	stream.indirect.gather [hbm4b:s9+s29], $0x80, s31, s29, $0xb8;
	[tilespmem:$0x19200] =	vst v63  }
0x91: {  	_ =	swait.ge [sflag:s11], $0x2800  }
0x92: {  	[sflag:s11] =	ssyncset.done $0x0  }
0x93: {  	[sflag:s11] =	ssyncadd.s32 $0xFFFFD800  }
0x94: {  	[spmem:s2] =	stream.indirect.scatter.add.f32 [tilespmem:s30], [sflag:$0x3], $0x80, s28, s29, $0xb8;
	[tilespmem:$0x19200] =	vst v63  }
0x95: {  	_ =	swait.ge [sflag:s26], $0x2800  }
0x96: {  	[sflag:s26] =	ssyncset.done $0x0  }
0x97: {  	s4 =	sadd.s32 $0x9C4, s4;
	[sflag:s26] =	ssyncadd.s32 $0xFFFFD800  }
0x98: {  	[tilespmem:s3], [sflag:$0x3] =	stream.linear.gather [hbm4b:s4+s3], $0x50, $0x38;
	[tilespmem:$0x19200] =	vst v63  }
0x99: {  	_ =	swait.ge [sflag:s26], $0x50  }
0x9a: {  	[sflag:s26] =	ssyncset.done $0x0  }
0x9b: {  	s4 =	sadd.s32 $0x9C4, s5;
	[sflag:s26] =	ssyncadd.s32 $0xFFFFFFB0  }
0x9c: {  	[tilespmem:s28], [sflag:$0x3] =	stream.linear.gather [hbm4b:s4+s3], $0x50, $0x38;
	[tilespmem:$0x19200] =	vst v63  }
0x9d: {  	_ =	swait.ge [sflag:s26], $0x50  }
0x9e: {  	[sflag:s26] =	ssyncset.done $0x0  }
0x9f: {  	[sflag:s26] =	ssyncadd.s32 $0xFFFFFFB0  }
0xa0: {  	[tilespmem:s30], [sflag:$0x1] =	stream.indirect.gather [hbm4b:s9+s29], $0x80, s3, s29, $0xb8;
	[tilespmem:$0x19200] =	vst v63  }
0xa1: {  	_ =	swait.ge [sflag:s12], $0x2800  }
.Ltmp3:
0xa2: {  	[sflag:s12] =	ssyncset.done $0x0;
	(pc) =	sbr.rel @p1 .LBB2_6-.Ltmp3, $4  }
0xa3: {  	[sflag:s12] =	ssyncadd.s32 $0xFFFFD800  }
0xa4: {  	[spmem:s2] =	stream.indirect.scatter.add.f32 [tilespmem:s6], [sflag:$0x3], $0x80, s0, s29, $0xb8;
	[tilespmem:$0x19200] =	vst v63  }
0xa5: {  	_ =	swait.ge [sflag:s26], $0x2800  }
0xa6: {  	s5 =	smov.u32 s18;
	s4 =	sadd.s32 s17, s25;
	[sflag:s26] =	ssyncset.done $0x0  }
.Ltmp4:
0xa7: {  	_ = 	snop;
	(pc) =	sbr.rel .LBB2_7-.Ltmp4, $1  }
0xa8: {  	_ =	sdelay $0x3  }
.LBB2_2:
0xa9: {  	s4 =	rddreg [dreg:$0xa]  }
0xaa: {  	[tilespmem:s3], [sflag:$0x3] =	stream.linear.gather [hbm4b:s4+s3], $0x50, $0x38;
	[tilespmem:$0x19200] =	vst v63  }
0xab: {  	_ =	swait.ge [sflag:s26], $0x50  }
0xac: {  	[sflag:s26] =	ssyncset.done $0x0  }
0xad: {  	s5 =	rddreg [dreg:$0xb];
	[sflag:s26] =	ssyncadd.s32 $0xFFFFFFB0  }
0xae: {  	[tilespmem:s28], [sflag:$0x3] =	stream.linear.gather [hbm4b:s5+s3], $0x50, $0x38;
	[tilespmem:$0x19200] =	vst v63  }
0xaf: {  	_ =	swait.ge [sflag:s26], $0x50  }
0xb0: {  	[sflag:s26] =	ssyncset.done $0x0  }
0xb1: {  	s7 =	sadd.s32 $0xFFFFF650, s23;
	[sflag:s26] =	ssyncadd.s32 $0xFFFFFFB0  }
0xb2: {  	[tilespmem:s30], [sflag:$0x1] =	stream.indirect.gather [hbm4b:s1+s29], $0x80, s3, s29, $0xb8;
	[tilespmem:$0x19200] =	vst v63  }
0xb3: {  	s5 =	sadd.s32 $0x9BA, s7  }
0xb4: {  	[tilespmem:s31], [sflag:$0x3] =	stream.linear.gather [hbm4b:s5+s3], $0x50, $0x38;
	[tilespmem:$0x19200] =	vst v63  }
0xb5: {  	_ =	swait.ge [sflag:s26], $0x50  }
0xb6: {  	s8 =	sadd.s32 $0xFFFFF650, s22;
	[sflag:s26] =	ssyncset.done $0x0  }
0xb7: {  	s17 =	sadd.s32 $0x9BA, s8;
	[sflag:s26] =	ssyncadd.s32 $0xFFFFFFB0  }
0xb8: {  	[tilespmem:s0], [sflag:$0x3] =	stream.linear.gather [hbm4b:s17+s3], $0x50, $0x38;
	[tilespmem:$0x19200] =	vst v63  }
0xb9: {  	_ =	swait.ge [sflag:s26], $0x50  }
0xba: {  	[sflag:s26] =	ssyncset.done $0x0  }
0xbb: {  	[sflag:s26] =	ssyncadd.s32 $0xFFFFFFB0  }
0xbc: {  	[tilespmem:s6], [sflag:$0x2] =	stream.indirect.gather [hbm4b:s1+s29], $0x80, s31, s29, $0xb8;
	[tilespmem:$0x19200] =	vst v63  }
0xbd: {  	_ =	swait.ge [sflag:s11], $0x2800  }
0xbe: {  	[sflag:s11] =	ssyncset.done $0x0  }
0xbf: {  	[sflag:s11] =	ssyncadd.s32 $0xFFFFD800  }
0xc0: {  	[spmem:s2] =	stream.indirect.scatter.add.f32 [tilespmem:s30], [sflag:$0x3], $0x80, s28, s29, $0xb8;
	[tilespmem:$0x19200] =	vst v63  }
0xc1: {  	_ =	swait.ge [sflag:s26], $0x2800  }
0xc2: {  	[sflag:s26] =	ssyncset.done $0x0  }
0xc3: {  	s4 =	sadd.s32 $0x9C4, s7;
	[sflag:s26] =	ssyncadd.s32 $0xFFFFD800  }
0xc4: {  	[tilespmem:s3], [sflag:$0x3] =	stream.linear.gather [hbm4b:s4+s3], $0x50, $0x38;
	[tilespmem:$0x19200] =	vst v63  }
0xc5: {  	_ =	swait.ge [sflag:s26], $0x50  }
0xc6: {  	[sflag:s26] =	ssyncset.done $0x0  }
0xc7: {  	s18 =	sadd.s32 $0x9C4, s8;
	[sflag:s26] =	ssyncadd.s32 $0xFFFFFFB0  }
0xc8: {  	[tilespmem:s28], [sflag:$0x3] =	stream.linear.gather [hbm4b:s18+s3], $0x50, $0x38;
	[tilespmem:$0x19200] =	vst v63  }
0xc9: {  	_ =	swait.ge [sflag:s26], $0x50  }
0xca: {  	[sflag:s26] =	ssyncset.done $0x0  }
0xcb: {  	[sflag:s26] =	ssyncadd.s32 $0xFFFFFFB0  }
0xcc: {  	[tilespmem:s30], [sflag:$0x1] =	stream.indirect.gather [hbm4b:s1+s29], $0x80, s3, s29, $0xb8;
	[tilespmem:$0x19200] =	vst v63  }
0xcd: {  	_ =	swait.ge [sflag:s12], $0x2800  }
0xce: {  	[sflag:s12] =	ssyncset.done $0x0  }
0xcf: {  	[sflag:s12] =	ssyncadd.s32 $0xFFFFD800  }
0xd0: {  	[spmem:s2] =	stream.indirect.scatter.add.f32 [tilespmem:s6], [sflag:$0x3], $0x80, s0, s29, $0xb8;
	[tilespmem:$0x19200] =	vst v63  }
0xd1: {  	s17 =	simm.s32 $0xFFFFF664;
	_ =	swait.ge [sflag:s26], $0x2800  }
0xd2: {  	s4 =	sadd.s32 $0xFFFFF664, s23;
	s18 =	simm.s32 $0xFFFFF678;
	[sflag:s26] =	ssyncset.done $0x0  }
.LBB2_3:
0xd3: {  	s7 =	sadd.s32 $0x9BA, s4  }
0xd4: {  	[sflag:s26] =	ssyncadd.s32 $0xFFFFD800;
	s8 =	smov.u32 s18;
	s5 =	sadd.s32 $0x14, s18  }
0xd5: {  	[tilespmem:s31], [sflag:$0x3] =	stream.linear.gather [hbm4b:s7+s3], $0x50, $0x38;
	[tilespmem:$0x19200] =	vst v63  }
0xd6: {  	p1 =	seq.s32 s18, $0xFFFFFFEC;
	_ =	swait.ge [sflag:s26], $0x50  }
0xd7: {  	s7 =	sadd.s32 s17, s22;
	s17 =	smov.u32 s8;
	[sflag:s26] =	ssyncset.done $0x0  }
0xd8: {  	s8 =	sadd.s32 $0x9BA, s7;
	[sflag:s26] =	ssyncadd.s32 $0xFFFFFFB0  }
0xd9: {  	[tilespmem:s0], [sflag:$0x3] =	stream.linear.gather [hbm4b:s8+s3], $0x50, $0x38;
	[tilespmem:$0x19200] =	vst v63  }
0xda: {  	_ =	swait.ge [sflag:s26], $0x50  }
0xdb: {  	[sflag:s26] =	ssyncset.done $0x0  }
0xdc: {  	[sflag:s26] =	ssyncadd.s32 $0xFFFFFFB0  }
0xdd: {  	[tilespmem:s6], [sflag:$0x2] =	stream.indirect.gather [hbm4b:s1+s29], $0x80, s31, s29, $0xb8;
	[tilespmem:$0x19200] =	vst v63  }
0xde: {  	_ =	swait.ge [sflag:s11], $0x2800  }
0xdf: {  	[sflag:s11] =	ssyncset.done $0x0  }
0xe0: {  	[sflag:s11] =	ssyncadd.s32 $0xFFFFD800  }
0xe1: {  	[spmem:s2] =	stream.indirect.scatter.add.f32 [tilespmem:s30], [sflag:$0x3], $0x80, s28, s29, $0xb8;
	[tilespmem:$0x19200] =	vst v63  }
0xe2: {  	_ =	swait.ge [sflag:s26], $0x2800  }
0xe3: {  	[sflag:s26] =	ssyncset.done $0x0  }
0xe4: {  	s4 =	sadd.s32 $0x9C4, s4;
	[sflag:s26] =	ssyncadd.s32 $0xFFFFD800  }
0xe5: {  	[tilespmem:s3], [sflag:$0x3] =	stream.linear.gather [hbm4b:s4+s3], $0x50, $0x38;
	[tilespmem:$0x19200] =	vst v63  }
0xe6: {  	_ =	swait.ge [sflag:s26], $0x50  }
0xe7: {  	[sflag:s26] =	ssyncset.done $0x0  }
0xe8: {  	s4 =	sadd.s32 $0x9C4, s7;
	[sflag:s26] =	ssyncadd.s32 $0xFFFFFFB0  }
0xe9: {  	[tilespmem:s28], [sflag:$0x3] =	stream.linear.gather [hbm4b:s4+s3], $0x50, $0x38;
	[tilespmem:$0x19200] =	vst v63  }
0xea: {  	_ =	swait.ge [sflag:s26], $0x50  }
0xeb: {  	[sflag:s26] =	ssyncset.done $0x0  }
0xec: {  	[sflag:s26] =	ssyncadd.s32 $0xFFFFFFB0  }
0xed: {  	[tilespmem:s30], [sflag:$0x1] =	stream.indirect.gather [hbm4b:s1+s29], $0x80, s3, s29, $0xb8;
	[tilespmem:$0x19200] =	vst v63  }
0xee: {  	_ =	swait.ge [sflag:s12], $0x2800  }
.Ltmp5:
0xef: {  	[sflag:s12] =	ssyncset.done $0x0;
	(pc) =	sbr.rel @!p1 .LBB2_3-.Ltmp5, $4  }
0xf0: {  	[sflag:s12] =	ssyncadd.s32 $0xFFFFD800  }
0xf1: {  	[spmem:s2] =	stream.indirect.scatter.add.f32 [tilespmem:s6], [sflag:$0x3], $0x80, s0, s29, $0xb8;
	[tilespmem:$0x19200] =	vst v63  }
0xf2: {  	_ =	swait.ge [sflag:s26], $0x2800  }
0xf3: {  	s18 =	smov.u32 s5;
	s4 =	sadd.s32 s17, s23;
	[sflag:s26] =	ssyncset.done $0x0  }
0xf4: {  	s5 =	sadd.s32 $0x9BA, s4;
	[sflag:s26] =	ssyncadd.s32 $0xFFFFD800  }
0xf5: {  	[tilespmem:s31], [sflag:$0x3] =	stream.linear.gather [hbm4b:s5+s3], $0x50, $0x38;
	[tilespmem:$0x19200] =	vst v63  }
0xf6: {  	_ =	swait.ge [sflag:s26], $0x50  }
0xf7: {  	s8 =	sadd.s32 s17, s22;
	[sflag:s26] =	ssyncset.done $0x0  }
0xf8: {  	s7 =	sadd.s32 $0x9BA, s8;
	[sflag:s26] =	ssyncadd.s32 $0xFFFFFFB0  }
0xf9: {  	[tilespmem:s0], [sflag:$0x3] =	stream.linear.gather [hbm4b:s7+s3], $0x50, $0x38;
	[tilespmem:$0x19200] =	vst v63  }
0xfa: {  	_ =	swait.ge [sflag:s26], $0x50  }
0xfb: {  	[sflag:s26] =	ssyncset.done $0x0  }
0xfc: {  	[sflag:s26] =	ssyncadd.s32 $0xFFFFFFB0  }
0xfd: {  	[tilespmem:s6], [sflag:$0x2] =	stream.indirect.gather [hbm4b:s1+s29], $0x80, s31, s29, $0xb8;
	[tilespmem:$0x19200] =	vst v63  }
0xfe: {  	_ =	swait.ge [sflag:s11], $0x2800  }
0xff: {  	[sflag:s11] =	ssyncset.done $0x0  }
0x100: {  	[sflag:s11] =	ssyncadd.s32 $0xFFFFD800  }
0x101: {  	[spmem:s2] =	stream.indirect.scatter.add.f32 [tilespmem:s30], [sflag:$0x3], $0x80, s28, s29, $0xb8;
	[tilespmem:$0x19200] =	vst v63  }
0x102: {  	_ =	swait.ge [sflag:s26], $0x2800  }
0x103: {  	[sflag:s26] =	ssyncset.done $0x0  }
0x104: {  	s17 =	sadd.s32 $0x9C4, s4;
	[sflag:s26] =	ssyncadd.s32 $0xFFFFD800  }
0x105: {  	[tilespmem:s3], [sflag:$0x3] =	stream.linear.gather [hbm4b:s17+s3], $0x50, $0x38;
	[tilespmem:$0x19200] =	vst v63  }
0x106: {  	_ =	swait.ge [sflag:s26], $0x50  }
0x107: {  	[sflag:s26] =	ssyncset.done $0x0  }
0x108: {  	s18 =	sadd.s32 $0x9C4, s8;
	[sflag:s26] =	ssyncadd.s32 $0xFFFFFFB0  }
0x109: {  	[tilespmem:s28], [sflag:$0x3] =	stream.linear.gather [hbm4b:s18+s3], $0x50, $0x38;
	[tilespmem:$0x19200] =	vst v63  }
0x10a: {  	_ =	swait.ge [sflag:s26], $0x50  }
0x10b: {  	[sflag:s26] =	ssyncset.done $0x0  }
0x10c: {  	[sflag:s26] =	ssyncadd.s32 $0xFFFFFFB0  }
0x10d: {  	[tilespmem:s30], [sflag:$0x1] =	stream.indirect.gather [hbm4b:s1+s29], $0x80, s3, s29, $0xb8;
	[tilespmem:$0x19200] =	vst v63  }
0x10e: {  	_ =	swait.ge [sflag:s12], $0x2800  }
0x10f: {  	[sflag:s12] =	ssyncset.done $0x0  }
0x110: {  	[sflag:s12] =	ssyncadd.s32 $0xFFFFD800  }
0x111: {  	[spmem:s2] =	stream.indirect.scatter.add.f32 [tilespmem:s6], [sflag:$0x3], $0x80, s0, s29, $0xb8;
	[tilespmem:$0x19200] =	vst v63  }
.Ltmp6:
0x112: {  	_ = 	snop;
	(pc) =	sbr.rel .LBB2_8-.Ltmp6, $4  }
0x113: {  	_ =	swait.ge [sflag:s26], $0x2800  }
0x114: {  	s18 =	rddreg [dreg:$0x4]  }
0x115: {  	[sflag:s26] =	ssyncset.done $0x0;
	s5 =	rddreg [dreg:$0x5]  }
0x116: {  	s17 =	smov.u32 s1;
	s4 =	rddreg [dreg:$0x8];
	[sflag:s26] =	ssyncadd.s32 $0xFFFFD800  }
.LBB2_9:
0x117: {  	_ =	sfence.sel $0x180000  }
0x118: {  	[bflag:$0x0] =	sbarrier.arrive $0xFFFF  }
0x119: {  	_ =	strace $0x9000004D  }
0x11a: {  	s0 =	stileid.u32;
	[bflag:$0x2] =	sbarrier.arrive $0xFFFF  }
0x11b: {  	p0 =	sne.s32 s0, $0x0;
	s0 =	rddreg [dreg:$0x3]  }
0x11c: {  	s0 =	sadd.s32 @!p0 $0x100000, s0  }
0x11d: {  	[sflag:s0] =	ssyncadd.tile.s32 @!p0 $0x1;
	_ =	shalt  }
.Lfunc_end2:
_tile_overlayer_lowered:
.L_overlay_start_2:
0x11e: {  	(tag) =	ssettag $0x2  }
0x11f: {  	s0 =	rddreg [dreg:$0x0];
	s2 =	stileid.u32  }
0x120: {  	s1 =	rddreg [dreg:$0x1];
	p0 =	sne.s32 s2, $0x0  }
0x121: {  	s3 =	rddreg [dreg:$0x2];
	[bflag:$0x3] =	sbarrier.arrive $0xFFFF;
	s2 =	simm.s32 @!p0 $0x1C03  }
0x122: {  	[timem:s3], [sflag:s2] =	dma.local @!p0 [hbm:s0], s1  }
0x123: {  	s0 =	simm.s32 @!p0 $0x3  }
0x124: {  	_ =	swait.ge @!p0 [sflag:s0], s1  }
0x125: {  	s1 =	ssub.s32 @!p0 $0x0, s1;
	[sflag:s0] =	ssyncset.done @!p0 $0x0  }
0x126: {  	[sflag:s0] =	ssyncadd.s32 @!p0 s1  }
0x127: {  	[bflag:$0x3] =	sbarrier.arrive $0xFFFF  }
0x128: {  	_ =	shalt  }

// kernel: kernel.18.cloned.1.call-start
scs
__scs_entry_jumppad:
0x0: {  	(pc) =	sbr.rel $0x88, $3  }
0x1: {  	(tag) =	ssettag $0x0;
	lr =	simm.s32 $0x1  }
0x2: {  	[smem:$0x3F95] =	sst lr;
	_ =	strace $0xD0000000  }
0x3: {  	_ = 	snop  }
0x4: {  	_ = 	snop  }
0x5: {  	_ = 	snop  }
0x6: {  	_ = 	snop  }
0x7: {  	_ = 	snop  }
__scs_overlays_trampoline_lowered:
0x8: {  	[smem:$0x3FA4] =	sst s0  }
0x9: {  	[smem:$0x3FA5] =	sst s1  }
0xa: {  	[smem:$0x3FA6] =	sst s2  }
0xb: {  	[smem:$0x3FA7] =	sst s3  }
0xc: {  	[smem:$0x3FA8] =	sst s4  }
0xd: {  	[smem:$0x3FA9] =	sst s5  }
0xe: {  	[smem:$0x3FAA] =	sst s6  }
0xf: {  	[smem:$0x3FAB] =	sst s7  }
0x10: {  	[smem:$0x3FAC] =	sst s8  }
0x11: {  	[smem:$0x3FAD] =	sst s9;
	s0 =	simm.s32 @!p0 $0x0  }
0x12: {  	s1 =	sld [smem:$0x3F93];
	s0 =	simm.s32 @p0 $0x1  }
0x13: {  	[smem:$0x3FAE] =	sst s0;
	s0 =	simm.s32 @!p1 $0x0  }
0x14: {  	s2 =	sld [smem:$0x3F92];
	s0 =	simm.s32 @p1 $0x1  }
0x15: {  	[smem:$0x3FAF] =	sst s0;
	s0 =	simm.s32 @!p2 $0x0  }
0x16: {  	s3 =	sld [smem:$0x3FDB];
	s0 =	simm.s32 @p2 $0x1  }
0x17: {  	s4 =	simm.s32 $0x1BF5;
	[smem:$0x3FB1] =	sst s0  }
0x18: {  	s0 =	sld [smem:$0x3F94];
	_ =	swait.ge [sflag:s4], $0x0  }
0x19: {  	s7 =	sld [smem:$0x3F95]  }
0x1a: {  	s8 =	sadd.s32 $0xFFFFE003, lr  }
0x1b: {  	s9 =	sadd.s32 $0xFFFFFEF7, lr;
	s5 =	simm.s32 $0xFFFFFFFF;
	p2 =	slt.u32 s8, $0xFFFFF086  }
0x1c: {  	p1 =	slt.u32 s9, $0xF7A;
	s5 =	simm.s32 @!p2 $0x0  }
0x1d: {  	s5 =	simm.s32 @p1 $0x1;
	p0 =	seq.s32 s7, s2  }
0x1e: {  	s7 =	smul.u32 @!p0 $0xF7A, s2;
	p2 =	seq.s32 @!p0 s5, $0x0  }
0x1f: {  	s9 =	smul.u32 $0xF7A, s1;
	s8 =	simm.s32 @!p0 $0x1BF5;
	p2 =	por !p2, p0  }
0x20: {  	[sflag:s8] =	ssyncset.s32 @!p0 $0xFFFFF086;
	s6 =	sadd.s32 @!p0 s3, s7;
	s7 =	simm.s32 @!p0 $0x108  }
0x21: {  	s3 =	sadd.s32 s3, s9;
	s6 =	sadd.s32 @!p0 $0x88, s6;
	s7 =	simm.s32 @p2 $0x1082  }
0x22: {  	[simem:s7], [sflag:s8] =	dma.local @!p0 [hbm:s6], $0xF7A  }
0x23: {  	s9 =	sor.u32 $0xD0000000, s2;
	s6 =	simm.s32 $0x108;
	_ =	swait.ge @!p0 [sflag:s8], $0x0  }
0x24: {  	s3 =	sadd.s32 $0x88, s3;
	s6 =	simm.s32 @!p1 $0x1082;
	[sflag:s4] =	ssyncset.s32 $0xFFFFF086  }
0x25: {  	[simem:s6], [sflag:s4] =	dma.local [hbm:s3], $0xF7A  }
0x26: {  	[smem:$0x3F95] =	sst s1;
	(tag) =	ssettag s2;
	_ =	strace s9  }
0x27: {  	s1 =	sld [smem:$0x3FA5]  }
0x28: {  	s2 =	sld [smem:$0x3FA6]  }
0x29: {  	s4 =	sld [smem:$0x3FA8]  }
0x2a: {  	p0 =	seq.s32 s5, $0x0;
	s5 =	sld [smem:$0x3FA9]  }
0x2b: {  	s6 =	sld [smem:$0x3FAA]  }
0x2c: {  	s7 =	sld [smem:$0x3FAB]  }
0x2d: {  	s3 =	simm.s32 $0x108;
	s8 =	sld [smem:$0x3FAC]  }
0x2e: {  	s3 =	simm.s32 @!p0 $0x1082;
	s9 =	sld [smem:$0x3FAD]  }
0x2f: {  	lr =	sadd.s32 s0, s3;
	s0 =	sld [smem:$0x3FA4]  }
0x30: {  	s3 =	sld [smem:$0x3FA7]  }
0x31: {  	[smem:$0x3FB0] =	sst s10  }
0x32: {  	s10 =	sld [smem:$0x3FAE];
	_ =	sdelay $0x3  }
0x33: {  	p0 =	seq.s32 s10, $0x1;
	s10 =	sld [smem:$0x3FB0];
	_ =	sdelay $0x3  }
0x34: {  	[smem:$0x3FB0] =	sst s10  }
0x35: {  	s10 =	sld [smem:$0x3FAF];
	_ =	sdelay $0x3  }
0x36: {  	p1 =	seq.s32 s10, $0x1;
	s10 =	sld [smem:$0x3FB0];
	_ =	sdelay $0x3  }
0x37: {  	[smem:$0x3FB0] =	sst s10  }
0x38: {  	s10 =	sld [smem:$0x3FB1]  }
0x39: {  	_ = 	snop;
	(pc) =	sbr.ind lr, $3  }
0x3a: {  	_ = 	snop  }
0x3b: {  	_ = 	snop  }
0x3c: {  	p2 =	seq.s32 s10, $0x1;
	s10 =	sld [smem:$0x3FB0]  }
0x3d: {  	_ =	shalt  }
0x3e: {  	_ =	shalt  }
0x3f: {  	_ =	shalt  }
0x40: {  	_ =	shalt  }
0x41: {  	_ =	shalt  }
0x42: {  	_ =	shalt  }
0x43: {  	_ =	shalt  }
0x44: {  	_ =	shalt  }
0x45: {  	_ =	shalt  }
0x46: {  	_ =	shalt  }
0x47: {  	_ =	shalt  }
0x48: {  	_ =	shalt  }
0x49: {  	_ =	shalt  }
0x4a: {  	_ =	shalt  }
0x4b: {  	_ =	shalt  }
0x4c: {  	_ =	shalt  }
0x4d: {  	_ =	shalt  }
0x4e: {  	_ =	shalt  }
0x4f: {  	_ =	shalt  }
0x50: {  	_ =	shalt  }
0x51: {  	_ =	shalt  }
0x52: {  	_ =	shalt  }
0x53: {  	_ =	shalt  }
0x54: {  	_ =	shalt  }
0x55: {  	_ =	shalt  }
0x56: {  	_ =	shalt  }
0x57: {  	_ =	shalt  }
0x58: {  	_ =	shalt  }
0x59: {  	_ =	shalt  }
0x5a: {  	_ =	shalt  }
0x5b: {  	_ =	shalt  }
0x5c: {  	_ =	shalt  }
0x5d: {  	_ =	shalt  }
0x5e: {  	_ =	shalt  }
0x5f: {  	_ =	shalt  }
0x60: {  	_ =	shalt  }
0x61: {  	_ =	shalt  }
0x62: {  	_ =	shalt  }
0x63: {  	_ =	shalt  }
0x64: {  	_ =	shalt  }
0x65: {  	_ =	shalt  }
0x66: {  	_ =	shalt  }
0x67: {  	_ =	shalt  }
0x68: {  	_ =	shalt  }
0x69: {  	_ =	shalt  }
0x6a: {  	_ =	shalt  }
0x6b: {  	_ =	shalt  }
0x6c: {  	_ =	shalt  }
0x6d: {  	_ =	shalt  }
0x6e: {  	_ =	shalt  }
0x6f: {  	_ =	shalt  }
0x70: {  	_ =	shalt  }
0x71: {  	_ =	shalt  }
0x72: {  	_ =	shalt  }
0x73: {  	_ =	shalt  }
0x74: {  	_ =	shalt  }
0x75: {  	_ =	shalt  }
0x76: {  	_ =	shalt  }
0x77: {  	_ =	shalt  }
0x78: {  	_ =	shalt  }
0x79: {  	_ =	shalt  }
0x7a: {  	_ =	shalt  }
0x7b: {  	_ =	shalt  }
0x7c: {  	_ =	shalt  }
0x7d: {  	_ =	shalt  }
0x7e: {  	_ =	shalt  }
0x7f: {  	_ =	shalt  }
0x80: {  	_ =	shalt  }
0x81: {  	_ =	shalt  }
0x82: {  	_ =	shalt  }
0x83: {  	_ =	shalt  }
0x84: {  	_ =	shalt  }
0x85: {  	_ =	shalt  }
0x86: {  	_ =	shalt  }
0x87: {  	_ =	shalt  }
.Lfunc_end0:
.L_simem_size_0:
called_computation.3_lowered:
.L_overlay_start_0:
0x88: {  	s2 =	sld [smem:$0x3FD9]  }
0x89: {  	s3 =	sld [smem:$0x3FFE];
	_ =	sdelay $0x1  }
0x8a: {  	s1 =	srdreg.scid  }
0x8b: {  	s0 =	sand.u32 $0x1, s1  }
0x8c: {  	s14 =	sshll.u32 s0, $0xA;
	s2 =	sadd.s32 s3, s2  }
0x8d: {  	s2 =	sadd.s32 s2, s14  }
0x8e: {  	[smem:$0x3FBC] =	sst s2  }
0x8f: {  	_ = 	snop  }
0x90: {  	s2 =	sld [smem:$0x3FD0];
	_ =	sdelay $0x2  }
0x91: {  	s15 =	simm.s32 $0xB;
	s4 =	simm.s32 $0x10  }
0x92: {  	[smem:s4], [sflag:s15] =	dma.local [hbm:s2], $0x1  }
0x93: {  	_ =	swait.eq [sflag:s15], $0x1  }
0x94: {  	[sflag:s15] =	ssyncset.done $0x0  }
0x95: {  	s16 =	sld [smem:$0x10];
	[sflag:s15] =	ssyncadd.s32 $0xFFFFFFFF  }
0x96: {  	s17 =	sld [smem:$0x11];
	(tm) =	ssettm $0x1  }
0x97: {  	s18 =	sld [smem:$0x3FFB];
	_ =	sdelay $0x3  }
0x98: {  	_ =	strace s18  }
0x99: {  	s4 =	sld [smem:$0x3FFC];
	_ =	sdelay $0x3  }
0x9a: {  	_ =	strace s4  }
0x9b: {  	s4 =	sld [smem:$0x3FFD];
	_ =	sdelay $0x3  }
0x9c: {  	_ =	strace s4  }
0x9d: {  	_ =	strace $0x8FFFFFFF  }
0x9e: {  	s19 =	sld [smem:$0x3FDB];
	_ =	sdelay $0x1  }
0x9f: {  	s5 =	simm.s32 $_scs_section_size  }
0xa0: {  	s6 =	simm.s32 $_size__tile_overlayer_lowered;
	s7 =	simm.s32 $_tile_overlayer_lowered  }
0xa1: {  	s22 =	simm.s32 $0x1BFF;
	s21 =	sshll.u32 s7, $0x1;
	s4 =	sadd.s32 s5, s19  }
0xa2: {  	s8 =	simm.s32 $0x0;
	s20 =	sshll.u32 s6, $0x1;
	s6 =	sadd.s32 s21, s4  }
0xa3: {  	[timem:s8], [sflag:s22] =	dma.local [hbm:s6], s20  }
0xa4: {  	_ =	swait.ge [sflag:s22], s20  }
0xa5: {  	s5 =	ssub.s32 $0x0, s20;
	[sflag:s22] =	ssyncset.done $0x0  }
0xa6: {  	[sflag:s22] =	ssyncadd.s32 s5;
	_ =	sdelay $0x1  }
0xa7: {  	s23 =	simm.s32 $0x1B8B  }
0xa8: {  	_ =	swait.ge [sflag:s23], $0x1  }
0xa9: {  	[sflag:s23] =	ssyncset.done $0x0  }
0xaa: {  	s25 =	simm.s32 $0x1B8E;
	s24 =	sld [smem:$0x3FFE];
	[sflag:s23] =	ssyncadd.s32 $0xFFFFFFFF  }
0xab: {  	s26 =	simm.s32 $execute0_lowered;
	[smem:$0x3FD2] =	sst s25  }
0xac: {  	s6 =	sshll.u32 s26, $0x1;
	_ =	strace $0x8000004F;
	[dreg:$0x1] =	wrdreg $0xFFFFFFFF  }
0xad: {  	s28 =	simm.s32 $_size_execute0_lowered;
	s4 =	sadd.s32 s4, s6;
	[dreg:$0x0] =	wrdreg $0x0  }
0xae: {  	s6 =	sshll.u32 s28, $0x1;
	[dreg:$0x2] =	wrdreg s4  }
0xaf: {  	[dreg:$0x3] =	wrdreg s6  }
0xb0: {  	[dreg:$0x4] =	wrdreg $0xC0  }
0xb1: {  	_ =	task [dreg:s8], $0x5FFFF  }
0xb2: {  	[dreg:$0x1] =	wrdreg $0xFFFFFFFF  }
0xb3: {  	[dreg:$0x0] =	wrdreg $0x60  }
0xb4: {  	[dreg:$0x2] =	wrdreg s24  }
0xb5: {  	[dreg:$0x3] =	wrdreg s16  }
0xb6: {  	[dreg:$0x4] =	wrdreg s17  }
0xb7: {  	[dreg:$0x5] =	wrdreg $0x52000  }
0xb8: {  	[dreg:$0x6] =	wrdreg $0x9  }
0xb9: {  	_ =	task.clear_ibuf [dreg:s8], $0x7FFFF;
	_ =	strace $0x9000004F  }
0xba: {  	s29 =	simm.s32 $0x9;
	_ =	strace $0x80000051  }
0xbb: {  	_ =	swait.ge [sflag:s29], $0x1  }
0xbc: {  	[sflag:s29] =	ssyncadd.s32 $0xFFFFFFFF  }
0xbd: {  	_ =	strace $0x90000051  }
0xbe: {  	_ =	sfence  }
0xbf: {  	s30 =	sld [smem:$0x0];
	_ =	sdelay $0x2  }
0xc0: {  	s31 =	sshll.u32 s1, $0xD;
	s1 =	sshrl.u32 s1, $0x2  }
0xc1: {  	s3 =	sand.u32 $0x4000, s31;
	s1 =	sadd.s32 s1, s30  }
0xc2: {  	s0 =	sor.u32 s3, s0;
	s1 =	sshll.u32 s1, $0x11  }
0xc3: {  	s0 =	sor.u32 s1, s0  }
0xc4: {  	s0 =	sadd.s32 $0x8F2B, s0  }
0xc5: {  	[sflag:s0] =	ssyncadd.remote.s32 $0x1  }
0xc6: {  	_ =	sfence.sel $0xFFFF  }
0xc7: {  	[dreg:$0x0] =	wrdreg $0xFFFFFFFF;
	(pc) =	sbr.abs _section_cstart, $3  }
0xc8: {  	[dreg:$0x1] =	wrdreg $0xFFFFFFFF  }
0xc9: {  	_ =	task.clear_ibuf [dreg:s8], $0x2FFFF;
	_ =	strace $0x9FFFFFFF  }
0xca: {  	(tm) =	ssettm $0x7FFFFFFF  }
0xcb: {  	_ =	shalt  }
tec
execute0_lowered:
.L_overlay_start_1:
0x0: {  	(tag) =	ssettag $0x1  }
0x1: {  	s0 =	rddreg [dreg:$0x0]  }
0x2: {  	s1 =	rddreg [dreg:$0x1]  }
0x3: {  	s2 =	rddreg [dreg:$0x2]  }
0x4: {  	s3 =	rddreg [dreg:$0x3]  }
0x5: {  	s4 =	simm.s32 $0x0;
	s5 =	srdreg.scid;
	s9 =	stileid.u32  }
0x6: {  	s28 =	simm.s32 $0x80;
	s29 =	simm.s32 $0x50;
	[smem:$0x7FF] =	sst s4  }
0x7: {  	s8 =	sadd.s32 $0x18000, s0;
	s14 =	sadd.s32 $0x21E00, s0;
	s15 =	sadd.s32 $0xE200, s0  }
0x8: {  	s17 =	sadd.s32 $0x4400, s0;
	s10 =	sadd.s32 $0x2BC00, s0;
	s11 =	sadd.s32 $0x2E400, s0  }
0x9: {  	s0 =	sadd.s32 $0xA4000, s0;
	_ =	strace $0x80000050;
	[dreg:$0x9] =	wrdreg s11  }
0xa: {  	s30 =	simm.s32 $0x200;
	s7 =	smul.u32 $0x50000, s9;
	[dreg:$0xa] =	wrdreg s0  }
0xb: {  	s31 =	simm.s32 $0x100;
	s12 =	smul.u32 $0x4E20, s9;
	[dreg:$0x6] =	wrdreg s14  }
0xc: {  	s5 =	sand.u32 $0x1, s5;
	s25 =	smul.u32 $0x9C4, s9;
	[dreg:$0x5] =	wrdreg s8  }
0xd: {  	s26 =	sshll.u32 s9, $0x6;
	s6 =	ssub.s32 $0x2, s5;
	[dreg:$0x8] =	wrdreg s17  }
0xe: {  	p0 =	seq.s32 s5, $0x1;
	[dreg:$0x7] =	wrdreg s15;
	s0 =	simm.s32 $0x180  }
0xf: {  	s11 =	simm.s32 $0x1;
	s16 =	sshrl.u32 s6, $0x1;
	s19 =	sshrl.u32 s7, $0x2  }
0x10: {  	s20 =	sshrl.u32 s12, $0x3;
	s12 =	simm.s32 $0x2;
	s18 =	ssub.s32 s6, s16  }
0x11: {  	s13 =	sadd.s32 s19, s3;
	s21 =	sadd.s32 s8, s20;
	s22 =	sadd.s32 s14, s20  }
0x12: {  	s16 =	smul.u32 $0x2800, s9;
	s23 =	sadd.s32 s15, s20;
	[dreg:$0xb] =	wrdreg s21  }
.Ltmp0:
0x13: {  	s24 =	sadd.s32 s17, s20;
	[dreg:$0xc] =	wrdreg s22;
	(pc) =	sbr.rel .LBB2_1-.Ltmp0, $4  }
0x14: {  	s20 =	sadd.s32 $0x9BA, s20;
	s6 =	simm.s32 $0x2A00;
	[dreg:$0xd] =	wrdreg s23  }
0x15: {  	[dreg:$0xe] =	wrdreg s24;
	s19 =	smax.u32 s18, $0x1;
	s21 =	sor.u32 $0x1C03, s26  }
0x16: {  	s22 =	sadd.s32 s25, s14;
	s23 =	sadd.s32 s25, s8;
	s24 =	sadd.s32 s25, s17  }
0x17: {  	s25 =	sadd.s32 s25, s15;
	s26 =	simm.s32 $0x3;
	s14 =	simm.s32 $0x0  }
.LBB2_7:
0x18: {  	s7 =	sadd.s32 $0x9BA, s5;
	[sflag:s26] =	ssyncadd.s32 $0xFFFFD800  }
0x19: {  	[tilespmem:s31], [sflag:$0x3] =	stream.linear.gather [hbm4b:s7+s4], $0x50, $0x38;
	[tilespmem:$0x19200] =	vst v63  }
0x1a: {  	_ =	swait.ge [sflag:s26], $0x50  }
0x1b: {  	s9 =	sadd.s32 s17, s24;
	[sflag:s26] =	ssyncset.done $0x0  }
0x1c: {  	s8 =	sadd.s32 $0x9BA, s9;
	[sflag:s26] =	ssyncadd.s32 $0xFFFFFFB0  }
0x1d: {  	[tilespmem:s0], [sflag:$0x3] =	stream.linear.gather [hbm4b:s8+s4], $0x50, $0x38;
	[tilespmem:$0x19200] =	vst v63  }
0x1e: {  	_ =	swait.ge [sflag:s26], $0x50  }
0x1f: {  	[sflag:s26] =	ssyncset.done $0x0  }
0x20: {  	[sflag:s26] =	ssyncadd.s32 $0xFFFFFFB0  }
0x21: {  	[tilespmem:s6], [sflag:$0x2] =	stream.indirect.gather [hbm4b:s2+s29], $0x80, s31, s29, $0xb8;
	[tilespmem:$0x19200] =	vst v63  }
0x22: {  	_ =	swait.ge [sflag:s11], $0x2800  }
0x23: {  	[sflag:s11] =	ssyncset.done $0x0  }
0x24: {  	[sflag:s11] =	ssyncadd.s32 $0xFFFFD800  }
0x25: {  	[spmem:s3] =	stream.indirect.scatter.add.f32 [tilespmem:s30], [sflag:$0x3], $0x80, s28, s29, $0xb8;
	[tilespmem:$0x19200] =	vst v63  }
0x26: {  	_ =	swait.ge [sflag:s26], $0x2800  }
0x27: {  	[sflag:s26] =	ssyncset.done $0x0  }
0x28: {  	s17 =	sadd.s32 $0x9C4, s5;
	[sflag:s26] =	ssyncadd.s32 $0xFFFFD800  }
0x29: {  	[tilespmem:s4], [sflag:$0x3] =	stream.linear.gather [hbm4b:s17+s4], $0x50, $0x38;
	[tilespmem:$0x19200] =	vst v63  }
0x2a: {  	_ =	swait.ge [sflag:s26], $0x50  }
0x2b: {  	[sflag:s26] =	ssyncset.done $0x0  }
0x2c: {  	s18 =	sadd.s32 $0x9C4, s9;
	[sflag:s26] =	ssyncadd.s32 $0xFFFFFFB0  }
0x2d: {  	[tilespmem:s28], [sflag:$0x3] =	stream.linear.gather [hbm4b:s18+s4], $0x50, $0x38;
	[tilespmem:$0x19200] =	vst v63  }
0x2e: {  	_ =	swait.ge [sflag:s26], $0x50  }
0x2f: {  	[sflag:s26] =	ssyncset.done $0x0  }
0x30: {  	[sflag:s26] =	ssyncadd.s32 $0xFFFFFFB0  }
0x31: {  	[tilespmem:s30], [sflag:$0x1] =	stream.indirect.gather [hbm4b:s2+s29], $0x80, s4, s29, $0xb8;
	[tilespmem:$0x19200] =	vst v63  }
0x32: {  	_ =	swait.ge [sflag:s12], $0x2800  }
0x33: {  	[sflag:s12] =	ssyncset.done $0x0  }
0x34: {  	[sflag:s12] =	ssyncadd.s32 $0xFFFFD800  }
0x35: {  	[spmem:s3] =	stream.indirect.scatter.add.f32 [tilespmem:s6], [sflag:$0x3], $0x80, s0, s29, $0xb8;
	[tilespmem:$0x19200] =	vst v63  }
0x36: {  	_ =	swait.ge [sflag:s26], $0x2800  }
0x37: {  	s18 =	rddreg [dreg:$0x7]  }
0x38: {  	[sflag:s26] =	ssyncset.done $0x0;
	s7 =	rddreg [dreg:$0x8]  }
0x39: {  	s17 =	smov.u32 s2;
	s5 =	rddreg [dreg:$0xa];
	[sflag:s26] =	ssyncadd.s32 $0xFFFFD800  }
.LBB2_8:
0x3a: {  	s8 =	sadd.s32 s18, s20  }
0x3b: {  	[tilespmem:s31], [sflag:$0x3] =	stream.linear.gather [hbm4b:s8+s4], $0x50, $0x38;
	[tilespmem:$0x19200] =	vst v63  }
0x3c: {  	_ =	swait.ge [sflag:s26], $0x50  }
0x3d: {  	[sflag:s26] =	ssyncset.done $0x0  }
0x3e: {  	s7 =	sadd.s32 s7, s20;
	[sflag:s26] =	ssyncadd.s32 $0xFFFFFFB0  }
0x3f: {  	[tilespmem:s0], [sflag:$0x3] =	stream.linear.gather [hbm4b:s7+s4], $0x50, $0x38;
	[tilespmem:$0x19200] =	vst v63  }
0x40: {  	_ =	swait.ge [sflag:s26], $0x50  }
0x41: {  	[sflag:s26] =	ssyncset.done $0x0  }
0x42: {  	[sflag:s26] =	ssyncadd.s32 $0xFFFFFFB0  }
0x43: {  	[tilespmem:s6], [sflag:$0x2] =	stream.indirect.gather [hbm4b:s17+s29], $0x80, s31, s29, $0xb8;
	[tilespmem:$0x19200] =	vst v63  }
0x44: {  	_ =	swait.ge [sflag:s11], $0x2800  }
0x45: {  	[sflag:s11] =	ssyncset.done $0x0  }
0x46: {  	[sflag:s11] =	ssyncadd.s32 $0xFFFFD800  }
0x47: {  	[spmem:s3] =	stream.indirect.scatter.add.f32 [tilespmem:s30], [sflag:$0x3], $0x80, s28, s29, $0xb8;
	[tilespmem:$0x19200] =	vst v63  }
0x48: {  	_ =	swait.ge [sflag:s26], $0x2800  }
0x49: {  	[sflag:s26] =	ssyncset.done $0x0  }
0x4a: {  	[sflag:s26] =	ssyncadd.s32 $0xFFFFD800  }
0x4b: {  	_ =	swait.ge [sflag:s12], $0x2800  }
0x4c: {  	[sflag:s12] =	ssyncset.done $0x0  }
0x4d: {  	[sflag:s12] =	ssyncadd.s32 $0xFFFFD800  }
0x4e: {  	[spmem:s3] =	stream.indirect.scatter.add.f32 [tilespmem:s6], [sflag:$0x3], $0x80, s0, s29, $0xb8;
	[tilespmem:$0x19200] =	vst v63  }
0x4f: {  	_ =	swait.ge [sflag:s26], $0x2800  }
0x50: {  	s14 =	sadd.s32 $0x1, s14;
	[sflag:s26] =	ssyncset.done $0x0  }
0x51: {  	p1 =	sne.s32 s14, s19;
	[sflag:s26] =	ssyncadd.s32 $0xFFFFD800  }
.Ltmp1:
0x52: {  	s5 =	sadd.s32 s5, s16;
	[bflag:$0x0] =	sbarrier.arrive $0xFFFF;
	(pc) =	sbr.rel @!p1 .LBB2_9-.Ltmp1, $4  }
0x53: {  	[hbm:s5], [sflag:s21] =	dma.local [spmem:s15], $0x2800  }
0x54: {  	_ =	swait.ge [sflag:s26], $0x2800  }
0x55: {  	[sflag:s26] =	ssyncset.done $0x0  }
0x56: {  	[sflag:s26] =	ssyncadd.s32 $0xFFFFD800  }
.LBB2_1:
0x57: {  	s15 =	sshrl.u32 s13, $0x3  }
0x58: {  	[spmem:s15], [sflag:s21] =	dma.local [hbm:s10], $0x2800  }
.Ltmp2:
0x59: {  	_ =	swait.ge [sflag:s26], $0x2800;
	(pc) =	sbr.rel @!p0 .LBB2_2-.Ltmp2, $3  }
0x5a: {  	[sflag:s26] =	ssyncset.done $0x0  }
0x5b: {  	[sflag:s26] =	ssyncadd.s32 $0xFFFFD800  }
0x5c: {  	[bflag:$0x0] =	sbarrier.arrive $0xFFFF;
	_ =	sdelay $0x1  }
0x5d: {  	s5 =	rddreg [dreg:$0xd]  }
0x5e: {  	[tilespmem:s4], [sflag:$0x3] =	stream.linear.gather [hbm4b:s5+s4], $0x50, $0x38;
	[tilespmem:$0x19200] =	vst v63  }
0x5f: {  	_ =	swait.ge [sflag:s26], $0x50  }
0x60: {  	[sflag:s26] =	ssyncset.done $0x0  }
0x61: {  	s8 =	rddreg [dreg:$0xe];
	[sflag:s26] =	ssyncadd.s32 $0xFFFFFFB0  }
0x62: {  	[tilespmem:s28], [sflag:$0x3] =	stream.linear.gather [hbm4b:s8+s4], $0x50, $0x38;
	[tilespmem:$0x19200] =	vst v63  }
0x63: {  	_ =	swait.ge [sflag:s26], $0x50  }
0x64: {  	[sflag:s26] =	ssyncset.done $0x0  }
0x65: {  	s9 =	sadd.s32 $0xFFFFF650, s25;
	[sflag:s26] =	ssyncadd.s32 $0xFFFFFFB0  }
0x66: {  	[tilespmem:s30], [sflag:$0x1] =	stream.indirect.gather [hbm4b:s2+s29], $0x80, s4, s29, $0xb8;
	[tilespmem:$0x19200] =	vst v63  }
0x67: {  	s7 =	sadd.s32 $0x9BA, s9  }
0x68: {  	[tilespmem:s31], [sflag:$0x3] =	stream.linear.gather [hbm4b:s7+s4], $0x50, $0x38;
	[tilespmem:$0x19200] =	vst v63  }
0x69: {  	_ =	swait.ge [sflag:s26], $0x50  }
0x6a: {  	s17 =	sadd.s32 $0xFFFFF650, s24;
	[sflag:s26] =	ssyncset.done $0x0  }
0x6b: {  	s8 =	sadd.s32 $0x9BA, s17;
	[sflag:s26] =	ssyncadd.s32 $0xFFFFFFB0  }
0x6c: {  	[tilespmem:s0], [sflag:$0x3] =	stream.linear.gather [hbm4b:s8+s4], $0x50, $0x38;
	[tilespmem:$0x19200] =	vst v63  }
0x6d: {  	_ =	swait.ge [sflag:s26], $0x50  }
0x6e: {  	[sflag:s26] =	ssyncset.done $0x0  }
0x6f: {  	[sflag:s26] =	ssyncadd.s32 $0xFFFFFFB0  }
0x70: {  	[tilespmem:s6], [sflag:$0x2] =	stream.indirect.gather [hbm4b:s2+s29], $0x80, s31, s29, $0xb8;
	[tilespmem:$0x19200] =	vst v63  }
0x71: {  	_ =	swait.ge [sflag:s11], $0x2800  }
0x72: {  	[sflag:s11] =	ssyncset.done $0x0  }
0x73: {  	[sflag:s11] =	ssyncadd.s32 $0xFFFFD800  }
0x74: {  	[spmem:s3] =	stream.indirect.scatter.add.f32 [tilespmem:s30], [sflag:$0x3], $0x80, s28, s29, $0xb8;
	[tilespmem:$0x19200] =	vst v63  }
0x75: {  	_ =	swait.ge [sflag:s26], $0x2800  }
0x76: {  	[sflag:s26] =	ssyncset.done $0x0  }
0x77: {  	s5 =	sadd.s32 $0x9C4, s9;
	[sflag:s26] =	ssyncadd.s32 $0xFFFFD800  }
0x78: {  	[tilespmem:s4], [sflag:$0x3] =	stream.linear.gather [hbm4b:s5+s4], $0x50, $0x38;
	[tilespmem:$0x19200] =	vst v63  }
0x79: {  	_ =	swait.ge [sflag:s26], $0x50  }
0x7a: {  	[sflag:s26] =	ssyncset.done $0x0  }
0x7b: {  	s18 =	sadd.s32 $0x9C4, s17;
	[sflag:s26] =	ssyncadd.s32 $0xFFFFFFB0  }
0x7c: {  	[tilespmem:s28], [sflag:$0x3] =	stream.linear.gather [hbm4b:s18+s4], $0x50, $0x38;
	[tilespmem:$0x19200] =	vst v63  }
0x7d: {  	_ =	swait.ge [sflag:s26], $0x50  }
0x7e: {  	[sflag:s26] =	ssyncset.done $0x0  }
0x7f: {  	[sflag:s26] =	ssyncadd.s32 $0xFFFFFFB0  }
0x80: {  	[tilespmem:s30], [sflag:$0x1] =	stream.indirect.gather [hbm4b:s2+s29], $0x80, s4, s29, $0xb8;
	[tilespmem:$0x19200] =	vst v63  }
0x81: {  	_ =	swait.ge [sflag:s12], $0x2800  }
0x82: {  	[sflag:s12] =	ssyncset.done $0x0  }
0x83: {  	[sflag:s12] =	ssyncadd.s32 $0xFFFFD800  }
0x84: {  	[spmem:s3] =	stream.indirect.scatter.add.f32 [tilespmem:s6], [sflag:$0x3], $0x80, s0, s29, $0xb8;
	[tilespmem:$0x19200] =	vst v63  }
0x85: {  	s17 =	simm.s32 $0xFFFFF664;
	_ =	swait.ge [sflag:s26], $0x2800  }
0x86: {  	s7 =	simm.s32 $0xFFFFF678;
	s5 =	sadd.s32 $0xFFFFF664, s25;
	[sflag:s26] =	ssyncset.done $0x0  }
.LBB2_6:
0x87: {  	s8 =	sadd.s32 $0x9BA, s5  }
0x88: {  	[sflag:s26] =	ssyncadd.s32 $0xFFFFD800;
	s9 =	smov.u32 s7;
	s18 =	sadd.s32 $0x14, s7  }
0x89: {  	[tilespmem:s31], [sflag:$0x3] =	stream.linear.gather [hbm4b:s8+s4], $0x50, $0x38;
	[tilespmem:$0x19200] =	vst v63  }
0x8a: {  	p1 =	sne.s32 s7, $0xFFFFFFEC;
	_ =	swait.ge [sflag:s26], $0x50  }
0x8b: {  	s7 =	sadd.s32 s17, s24;
	s17 =	smov.u32 s9;
	[sflag:s26] =	ssyncset.done $0x0  }
0x8c: {  	s8 =	sadd.s32 $0x9BA, s7;
	[sflag:s26] =	ssyncadd.s32 $0xFFFFFFB0  }
0x8d: {  	[tilespmem:s0], [sflag:$0x3] =	stream.linear.gather [hbm4b:s8+s4], $0x50, $0x38;
	[tilespmem:$0x19200] =	vst v63  }
0x8e: {  	_ =	swait.ge [sflag:s26], $0x50  }
0x8f: {  	[sflag:s26] =	ssyncset.done $0x0  }
0x90: {  	[sflag:s26] =	ssyncadd.s32 $0xFFFFFFB0  }
0x91: {  	[tilespmem:s6], [sflag:$0x2] =	stream.indirect.gather [hbm4b:s2+s29], $0x80, s31, s29, $0xb8;
	[tilespmem:$0x19200] =	vst v63  }
0x92: {  	_ =	swait.ge [sflag:s11], $0x2800  }
0x93: {  	[sflag:s11] =	ssyncset.done $0x0  }
0x94: {  	[sflag:s11] =	ssyncadd.s32 $0xFFFFD800  }
0x95: {  	[spmem:s3] =	stream.indirect.scatter.add.f32 [tilespmem:s30], [sflag:$0x3], $0x80, s28, s29, $0xb8;
	[tilespmem:$0x19200] =	vst v63  }
0x96: {  	_ =	swait.ge [sflag:s26], $0x2800  }
0x97: {  	[sflag:s26] =	ssyncset.done $0x0  }
0x98: {  	s5 =	sadd.s32 $0x9C4, s5;
	[sflag:s26] =	ssyncadd.s32 $0xFFFFD800  }
0x99: {  	[tilespmem:s4], [sflag:$0x3] =	stream.linear.gather [hbm4b:s5+s4], $0x50, $0x38;
	[tilespmem:$0x19200] =	vst v63  }
0x9a: {  	_ =	swait.ge [sflag:s26], $0x50  }
0x9b: {  	[sflag:s26] =	ssyncset.done $0x0  }
0x9c: {  	s5 =	sadd.s32 $0x9C4, s7;
	[sflag:s26] =	ssyncadd.s32 $0xFFFFFFB0  }
0x9d: {  	[tilespmem:s28], [sflag:$0x3] =	stream.linear.gather [hbm4b:s5+s4], $0x50, $0x38;
	[tilespmem:$0x19200] =	vst v63  }
0x9e: {  	_ =	swait.ge [sflag:s26], $0x50  }
0x9f: {  	[sflag:s26] =	ssyncset.done $0x0  }
0xa0: {  	[sflag:s26] =	ssyncadd.s32 $0xFFFFFFB0  }
0xa1: {  	[tilespmem:s30], [sflag:$0x1] =	stream.indirect.gather [hbm4b:s2+s29], $0x80, s4, s29, $0xb8;
	[tilespmem:$0x19200] =	vst v63  }
0xa2: {  	_ =	swait.ge [sflag:s12], $0x2800  }
.Ltmp3:
0xa3: {  	[sflag:s12] =	ssyncset.done $0x0;
	(pc) =	sbr.rel @p1 .LBB2_6-.Ltmp3, $4  }
0xa4: {  	[sflag:s12] =	ssyncadd.s32 $0xFFFFD800  }
0xa5: {  	[spmem:s3] =	stream.indirect.scatter.add.f32 [tilespmem:s6], [sflag:$0x3], $0x80, s0, s29, $0xb8;
	[tilespmem:$0x19200] =	vst v63  }
0xa6: {  	_ =	swait.ge [sflag:s26], $0x2800  }
0xa7: {  	s7 =	smov.u32 s18;
	s5 =	sadd.s32 s17, s25;
	[sflag:s26] =	ssyncset.done $0x0  }
.Ltmp4:
0xa8: {  	_ = 	snop;
	(pc) =	sbr.rel .LBB2_7-.Ltmp4, $1  }
0xa9: {  	_ =	sdelay $0x3  }
.LBB2_2:
0xaa: {  	s5 =	rddreg [dreg:$0xb]  }
0xab: {  	[tilespmem:s4], [sflag:$0x3] =	stream.linear.gather [hbm4b:s5+s4], $0x50, $0x38;
	[tilespmem:$0x19200] =	vst v63  }
0xac: {  	_ =	swait.ge [sflag:s26], $0x50  }
0xad: {  	[sflag:s26] =	ssyncset.done $0x0  }
0xae: {  	s7 =	rddreg [dreg:$0xc];
	[sflag:s26] =	ssyncadd.s32 $0xFFFFFFB0  }
0xaf: {  	[tilespmem:s28], [sflag:$0x3] =	stream.linear.gather [hbm4b:s7+s4], $0x50, $0x38;
	[tilespmem:$0x19200] =	vst v63  }
0xb0: {  	_ =	swait.ge [sflag:s26], $0x50  }
0xb1: {  	[sflag:s26] =	ssyncset.done $0x0  }
0xb2: {  	s8 =	sadd.s32 $0xFFFFF650, s23;
	[sflag:s26] =	ssyncadd.s32 $0xFFFFFFB0  }
0xb3: {  	[tilespmem:s30], [sflag:$0x1] =	stream.indirect.gather [hbm4b:s1+s29], $0x80, s4, s29, $0xb8;
	[tilespmem:$0x19200] =	vst v63  }
0xb4: {  	s7 =	sadd.s32 $0x9BA, s8  }
0xb5: {  	[tilespmem:s31], [sflag:$0x3] =	stream.linear.gather [hbm4b:s7+s4], $0x50, $0x38;
	[tilespmem:$0x19200] =	vst v63  }
0xb6: {  	_ =	swait.ge [sflag:s26], $0x50  }
0xb7: {  	s9 =	sadd.s32 $0xFFFFF650, s22;
	[sflag:s26] =	ssyncset.done $0x0  }
0xb8: {  	s17 =	sadd.s32 $0x9BA, s9;
	[sflag:s26] =	ssyncadd.s32 $0xFFFFFFB0  }
0xb9: {  	[tilespmem:s0], [sflag:$0x3] =	stream.linear.gather [hbm4b:s17+s4], $0x50, $0x38;
	[tilespmem:$0x19200] =	vst v63  }
0xba: {  	_ =	swait.ge [sflag:s26], $0x50  }
0xbb: {  	[sflag:s26] =	ssyncset.done $0x0  }
0xbc: {  	[sflag:s26] =	ssyncadd.s32 $0xFFFFFFB0  }
0xbd: {  	[tilespmem:s6], [sflag:$0x2] =	stream.indirect.gather [hbm4b:s1+s29], $0x80, s31, s29, $0xb8;
	[tilespmem:$0x19200] =	vst v63  }
0xbe: {  	_ =	swait.ge [sflag:s11], $0x2800  }
0xbf: {  	[sflag:s11] =	ssyncset.done $0x0  }
0xc0: {  	[sflag:s11] =	ssyncadd.s32 $0xFFFFD800  }
0xc1: {  	[spmem:s3] =	stream.indirect.scatter.add.f32 [tilespmem:s30], [sflag:$0x3], $0x80, s28, s29, $0xb8;
	[tilespmem:$0x19200] =	vst v63  }
0xc2: {  	_ =	swait.ge [sflag:s26], $0x2800  }
0xc3: {  	[sflag:s26] =	ssyncset.done $0x0  }
0xc4: {  	s5 =	sadd.s32 $0x9C4, s8;
	[sflag:s26] =	ssyncadd.s32 $0xFFFFD800  }
0xc5: {  	[tilespmem:s4], [sflag:$0x3] =	stream.linear.gather [hbm4b:s5+s4], $0x50, $0x38;
	[tilespmem:$0x19200] =	vst v63  }
0xc6: {  	_ =	swait.ge [sflag:s26], $0x50  }
0xc7: {  	[sflag:s26] =	ssyncset.done $0x0  }
0xc8: {  	s18 =	sadd.s32 $0x9C4, s9;
	[sflag:s26] =	ssyncadd.s32 $0xFFFFFFB0  }
0xc9: {  	[tilespmem:s28], [sflag:$0x3] =	stream.linear.gather [hbm4b:s18+s4], $0x50, $0x38;
	[tilespmem:$0x19200] =	vst v63  }
0xca: {  	_ =	swait.ge [sflag:s26], $0x50  }
0xcb: {  	[sflag:s26] =	ssyncset.done $0x0  }
0xcc: {  	[sflag:s26] =	ssyncadd.s32 $0xFFFFFFB0  }
0xcd: {  	[tilespmem:s30], [sflag:$0x1] =	stream.indirect.gather [hbm4b:s1+s29], $0x80, s4, s29, $0xb8;
	[tilespmem:$0x19200] =	vst v63  }
0xce: {  	_ =	swait.ge [sflag:s12], $0x2800  }
0xcf: {  	[sflag:s12] =	ssyncset.done $0x0  }
0xd0: {  	[sflag:s12] =	ssyncadd.s32 $0xFFFFD800  }
0xd1: {  	[spmem:s3] =	stream.indirect.scatter.add.f32 [tilespmem:s6], [sflag:$0x3], $0x80, s0, s29, $0xb8;
	[tilespmem:$0x19200] =	vst v63  }
0xd2: {  	s17 =	simm.s32 $0xFFFFF664;
	_ =	swait.ge [sflag:s26], $0x2800  }
0xd3: {  	s5 =	sadd.s32 $0xFFFFF664, s23;
	s18 =	simm.s32 $0xFFFFF678;
	[sflag:s26] =	ssyncset.done $0x0  }
.LBB2_3:
0xd4: {  	s8 =	sadd.s32 $0x9BA, s5  }
0xd5: {  	[sflag:s26] =	ssyncadd.s32 $0xFFFFD800;
	s9 =	smov.u32 s18;
	s7 =	sadd.s32 $0x14, s18  }
0xd6: {  	[tilespmem:s31], [sflag:$0x3] =	stream.linear.gather [hbm4b:s8+s4], $0x50, $0x38;
	[tilespmem:$0x19200] =	vst v63  }
0xd7: {  	p1 =	seq.s32 s18, $0xFFFFFFEC;
	_ =	swait.ge [sflag:s26], $0x50  }
0xd8: {  	s8 =	sadd.s32 s17, s22;
	s17 =	smov.u32 s9;
	[sflag:s26] =	ssyncset.done $0x0  }
0xd9: {  	s9 =	sadd.s32 $0x9BA, s8;
	[sflag:s26] =	ssyncadd.s32 $0xFFFFFFB0  }
0xda: {  	[tilespmem:s0], [sflag:$0x3] =	stream.linear.gather [hbm4b:s9+s4], $0x50, $0x38;
	[tilespmem:$0x19200] =	vst v63  }
0xdb: {  	_ =	swait.ge [sflag:s26], $0x50  }
0xdc: {  	[sflag:s26] =	ssyncset.done $0x0  }
0xdd: {  	[sflag:s26] =	ssyncadd.s32 $0xFFFFFFB0  }
0xde: {  	[tilespmem:s6], [sflag:$0x2] =	stream.indirect.gather [hbm4b:s1+s29], $0x80, s31, s29, $0xb8;
	[tilespmem:$0x19200] =	vst v63  }
0xdf: {  	_ =	swait.ge [sflag:s11], $0x2800  }
0xe0: {  	[sflag:s11] =	ssyncset.done $0x0  }
0xe1: {  	[sflag:s11] =	ssyncadd.s32 $0xFFFFD800  }
0xe2: {  	[spmem:s3] =	stream.indirect.scatter.add.f32 [tilespmem:s30], [sflag:$0x3], $0x80, s28, s29, $0xb8;
	[tilespmem:$0x19200] =	vst v63  }
0xe3: {  	_ =	swait.ge [sflag:s26], $0x2800  }
0xe4: {  	[sflag:s26] =	ssyncset.done $0x0  }
0xe5: {  	s5 =	sadd.s32 $0x9C4, s5;
	[sflag:s26] =	ssyncadd.s32 $0xFFFFD800  }
0xe6: {  	[tilespmem:s4], [sflag:$0x3] =	stream.linear.gather [hbm4b:s5+s4], $0x50, $0x38;
	[tilespmem:$0x19200] =	vst v63  }
0xe7: {  	_ =	swait.ge [sflag:s26], $0x50  }
0xe8: {  	[sflag:s26] =	ssyncset.done $0x0  }
0xe9: {  	s5 =	sadd.s32 $0x9C4, s8;
	[sflag:s26] =	ssyncadd.s32 $0xFFFFFFB0  }
0xea: {  	[tilespmem:s28], [sflag:$0x3] =	stream.linear.gather [hbm4b:s5+s4], $0x50, $0x38;
	[tilespmem:$0x19200] =	vst v63  }
0xeb: {  	_ =	swait.ge [sflag:s26], $0x50  }
0xec: {  	[sflag:s26] =	ssyncset.done $0x0  }
0xed: {  	[sflag:s26] =	ssyncadd.s32 $0xFFFFFFB0  }
0xee: {  	[tilespmem:s30], [sflag:$0x1] =	stream.indirect.gather [hbm4b:s1+s29], $0x80, s4, s29, $0xb8;
	[tilespmem:$0x19200] =	vst v63  }
0xef: {  	_ =	swait.ge [sflag:s12], $0x2800  }
.Ltmp5:
0xf0: {  	[sflag:s12] =	ssyncset.done $0x0;
	(pc) =	sbr.rel @!p1 .LBB2_3-.Ltmp5, $4  }
0xf1: {  	[sflag:s12] =	ssyncadd.s32 $0xFFFFD800  }
0xf2: {  	[spmem:s3] =	stream.indirect.scatter.add.f32 [tilespmem:s6], [sflag:$0x3], $0x80, s0, s29, $0xb8;
	[tilespmem:$0x19200] =	vst v63  }
0xf3: {  	_ =	swait.ge [sflag:s26], $0x2800  }
0xf4: {  	s18 =	smov.u32 s7;
	s5 =	sadd.s32 s17, s23;
	[sflag:s26] =	ssyncset.done $0x0  }
0xf5: {  	s7 =	sadd.s32 $0x9BA, s5;
	[sflag:s26] =	ssyncadd.s32 $0xFFFFD800  }
0xf6: {  	[tilespmem:s31], [sflag:$0x3] =	stream.linear.gather [hbm4b:s7+s4], $0x50, $0x38;
	[tilespmem:$0x19200] =	vst v63  }
0xf7: {  	_ =	swait.ge [sflag:s26], $0x50  }
0xf8: {  	s9 =	sadd.s32 s17, s22;
	[sflag:s26] =	ssyncset.done $0x0  }
0xf9: {  	s8 =	sadd.s32 $0x9BA, s9;
	[sflag:s26] =	ssyncadd.s32 $0xFFFFFFB0  }
0xfa: {  	[tilespmem:s0], [sflag:$0x3] =	stream.linear.gather [hbm4b:s8+s4], $0x50, $0x38;
	[tilespmem:$0x19200] =	vst v63  }
0xfb: {  	_ =	swait.ge [sflag:s26], $0x50  }
0xfc: {  	[sflag:s26] =	ssyncset.done $0x0  }
0xfd: {  	[sflag:s26] =	ssyncadd.s32 $0xFFFFFFB0  }
0xfe: {  	[tilespmem:s6], [sflag:$0x2] =	stream.indirect.gather [hbm4b:s1+s29], $0x80, s31, s29, $0xb8;
	[tilespmem:$0x19200] =	vst v63  }
0xff: {  	_ =	swait.ge [sflag:s11], $0x2800  }
0x100: {  	[sflag:s11] =	ssyncset.done $0x0  }
0x101: {  	[sflag:s11] =	ssyncadd.s32 $0xFFFFD800  }
0x102: {  	[spmem:s3] =	stream.indirect.scatter.add.f32 [tilespmem:s30], [sflag:$0x3], $0x80, s28, s29, $0xb8;
	[tilespmem:$0x19200] =	vst v63  }
0x103: {  	_ =	swait.ge [sflag:s26], $0x2800  }
0x104: {  	[sflag:s26] =	ssyncset.done $0x0  }
0x105: {  	s17 =	sadd.s32 $0x9C4, s5;
	[sflag:s26] =	ssyncadd.s32 $0xFFFFD800  }
0x106: {  	[tilespmem:s4], [sflag:$0x3] =	stream.linear.gather [hbm4b:s17+s4], $0x50, $0x38;
	[tilespmem:$0x19200] =	vst v63  }
0x107: {  	_ =	swait.ge [sflag:s26], $0x50  }
0x108: {  	[sflag:s26] =	ssyncset.done $0x0  }
0x109: {  	s18 =	sadd.s32 $0x9C4, s9;
	[sflag:s26] =	ssyncadd.s32 $0xFFFFFFB0  }
0x10a: {  	[tilespmem:s28], [sflag:$0x3] =	stream.linear.gather [hbm4b:s18+s4], $0x50, $0x38;
	[tilespmem:$0x19200] =	vst v63  }
0x10b: {  	_ =	swait.ge [sflag:s26], $0x50  }
0x10c: {  	[sflag:s26] =	ssyncset.done $0x0  }
0x10d: {  	[sflag:s26] =	ssyncadd.s32 $0xFFFFFFB0  }
0x10e: {  	[tilespmem:s30], [sflag:$0x1] =	stream.indirect.gather [hbm4b:s1+s29], $0x80, s4, s29, $0xb8;
	[tilespmem:$0x19200] =	vst v63  }
0x10f: {  	_ =	swait.ge [sflag:s12], $0x2800  }
0x110: {  	[sflag:s12] =	ssyncset.done $0x0  }
0x111: {  	[sflag:s12] =	ssyncadd.s32 $0xFFFFD800  }
0x112: {  	[spmem:s3] =	stream.indirect.scatter.add.f32 [tilespmem:s6], [sflag:$0x3], $0x80, s0, s29, $0xb8;
	[tilespmem:$0x19200] =	vst v63  }
.Ltmp6:
0x113: {  	_ = 	snop;
	(pc) =	sbr.rel .LBB2_8-.Ltmp6, $4  }
0x114: {  	_ =	swait.ge [sflag:s26], $0x2800  }
0x115: {  	s18 =	rddreg [dreg:$0x5]  }
0x116: {  	[sflag:s26] =	ssyncset.done $0x0;
	s7 =	rddreg [dreg:$0x6]  }
0x117: {  	s17 =	smov.u32 s1;
	s5 =	rddreg [dreg:$0x9];
	[sflag:s26] =	ssyncadd.s32 $0xFFFFD800  }
.LBB2_9:
0x118: {  	_ =	sfence.sel $0x180000  }
0x119: {  	[bflag:$0x0] =	sbarrier.arrive $0xFFFF  }
0x11a: {  	_ =	strace $0x90000050  }
0x11b: {  	s0 =	stileid.u32;
	[bflag:$0x2] =	sbarrier.arrive $0xFFFF  }
0x11c: {  	p0 =	sne.s32 s0, $0x0;
	s0 =	rddreg [dreg:$0x4]  }
0x11d: {  	s0 =	sadd.s32 @!p0 $0x100000, s0  }
0x11e: {  	[sflag:s0] =	ssyncadd.tile.s32 @!p0 $0x1;
	_ =	shalt  }
.Lfunc_end2:
_tile_overlayer_lowered:
.L_overlay_start_2:
0x11f: {  	(tag) =	ssettag $0x2  }
0x120: {  	s0 =	rddreg [dreg:$0x0];
	s2 =	stileid.u32  }
0x121: {  	s1 =	rddreg [dreg:$0x1];
	p0 =	sne.s32 s2, $0x0  }
0x122: {  	s3 =	rddreg [dreg:$0x2];
	[bflag:$0x3] =	sbarrier.arrive $0xFFFF;
	s2 =	simm.s32 @!p0 $0x1C03  }
0x123: {  	[timem:s3], [sflag:s2] =	dma.local @!p0 [hbm:s0], s1  }
0x124: {  	s0 =	simm.s32 @!p0 $0x3  }
0x125: {  	_ =	swait.ge @!p0 [sflag:s0], s1  }
0x126: {  	s1 =	ssub.s32 @!p0 $0x0, s1;
	[sflag:s0] =	ssyncset.done @!p0 $0x0  }
0x127: {  	[sflag:s0] =	ssyncadd.s32 @!p0 s1  }
0x128: {  	[bflag:$0x3] =	sbarrier.arrive $0xFFFF  }
0x129: {  	_ =	shalt  }

// kernel: kernel.9.cloned.1.call-start
scs
__scs_entry_jumppad:
0x0: {  	(pc) =	sbr.rel $0x88, $3  }
0x1: {  	(tag) =	ssettag $0x0;
	lr =	simm.s32 $0x1  }
0x2: {  	[smem:$0x3F95] =	sst lr;
	_ =	strace $0xD0000000  }
0x3: {  	_ = 	snop  }
0x4: {  	_ = 	snop  }
0x5: {  	_ = 	snop  }
0x6: {  	_ = 	snop  }
0x7: {  	_ = 	snop  }
__scs_overlays_trampoline_lowered:
0x8: {  	[smem:$0x3FA4] =	sst s0  }
0x9: {  	[smem:$0x3FA5] =	sst s1  }
0xa: {  	[smem:$0x3FA6] =	sst s2  }
0xb: {  	[smem:$0x3FA7] =	sst s3  }
0xc: {  	[smem:$0x3FA8] =	sst s4  }
0xd: {  	[smem:$0x3FA9] =	sst s5  }
0xe: {  	[smem:$0x3FAA] =	sst s6  }
0xf: {  	[smem:$0x3FAB] =	sst s7  }
0x10: {  	[smem:$0x3FAC] =	sst s8  }
0x11: {  	[smem:$0x3FAD] =	sst s9;
	s0 =	simm.s32 @!p0 $0x0  }
0x12: {  	s1 =	sld [smem:$0x3F93];
	s0 =	simm.s32 @p0 $0x1  }
0x13: {  	[smem:$0x3FAE] =	sst s0;
	s0 =	simm.s32 @!p1 $0x0  }
0x14: {  	s2 =	sld [smem:$0x3F92];
	s0 =	simm.s32 @p1 $0x1  }
0x15: {  	[smem:$0x3FAF] =	sst s0;
	s0 =	simm.s32 @!p2 $0x0  }
0x16: {  	s3 =	sld [smem:$0x3FDB];
	s0 =	simm.s32 @p2 $0x1  }
0x17: {  	s4 =	simm.s32 $0x1BF5;
	[smem:$0x3FB1] =	sst s0  }
0x18: {  	s0 =	sld [smem:$0x3F94];
	_ =	swait.ge [sflag:s4], $0x0  }
0x19: {  	s7 =	sld [smem:$0x3F95]  }
0x1a: {  	s8 =	sadd.s32 $0xFFFFE003, lr  }
0x1b: {  	s9 =	sadd.s32 $0xFFFFFEF7, lr;
	s5 =	simm.s32 $0xFFFFFFFF;
	p2 =	slt.u32 s8, $0xFFFFF086  }
0x1c: {  	p1 =	slt.u32 s9, $0xF7A;
	s5 =	simm.s32 @!p2 $0x0  }
0x1d: {  	s5 =	simm.s32 @p1 $0x1;
	p0 =	seq.s32 s7, s2  }
0x1e: {  	s7 =	smul.u32 @!p0 $0xF7A, s2;
	p2 =	seq.s32 @!p0 s5, $0x0  }
0x1f: {  	s9 =	smul.u32 $0xF7A, s1;
	s8 =	simm.s32 @!p0 $0x1BF5;
	p2 =	por !p2, p0  }
0x20: {  	[sflag:s8] =	ssyncset.s32 @!p0 $0xFFFFF086;
	s6 =	sadd.s32 @!p0 s3, s7;
	s7 =	simm.s32 @!p0 $0x108  }
0x21: {  	s3 =	sadd.s32 s3, s9;
	s6 =	sadd.s32 @!p0 $0x88, s6;
	s7 =	simm.s32 @p2 $0x1082  }
0x22: {  	[simem:s7], [sflag:s8] =	dma.local @!p0 [hbm:s6], $0xF7A  }
0x23: {  	s9 =	sor.u32 $0xD0000000, s2;
	s6 =	simm.s32 $0x108;
	_ =	swait.ge @!p0 [sflag:s8], $0x0  }
0x24: {  	s3 =	sadd.s32 $0x88, s3;
	s6 =	simm.s32 @!p1 $0x1082;
	[sflag:s4] =	ssyncset.s32 $0xFFFFF086  }
0x25: {  	[simem:s6], [sflag:s4] =	dma.local [hbm:s3], $0xF7A  }
0x26: {  	[smem:$0x3F95] =	sst s1;
	(tag) =	ssettag s2;
	_ =	strace s9  }
0x27: {  	s1 =	sld [smem:$0x3FA5]  }
0x28: {  	s2 =	sld [smem:$0x3FA6]  }
0x29: {  	s4 =	sld [smem:$0x3FA8]  }
0x2a: {  	p0 =	seq.s32 s5, $0x0;
	s5 =	sld [smem:$0x3FA9]  }
0x2b: {  	s6 =	sld [smem:$0x3FAA]  }
0x2c: {  	s7 =	sld [smem:$0x3FAB]  }
0x2d: {  	s3 =	simm.s32 $0x108;
	s8 =	sld [smem:$0x3FAC]  }
0x2e: {  	s3 =	simm.s32 @!p0 $0x1082;
	s9 =	sld [smem:$0x3FAD]  }
0x2f: {  	lr =	sadd.s32 s0, s3;
	s0 =	sld [smem:$0x3FA4]  }
0x30: {  	s3 =	sld [smem:$0x3FA7]  }
0x31: {  	[smem:$0x3FB0] =	sst s10  }
0x32: {  	s10 =	sld [smem:$0x3FAE];
	_ =	sdelay $0x3  }
0x33: {  	p0 =	seq.s32 s10, $0x1;
	s10 =	sld [smem:$0x3FB0];
	_ =	sdelay $0x3  }
0x34: {  	[smem:$0x3FB0] =	sst s10  }
0x35: {  	s10 =	sld [smem:$0x3FAF];
	_ =	sdelay $0x3  }
0x36: {  	p1 =	seq.s32 s10, $0x1;
	s10 =	sld [smem:$0x3FB0];
	_ =	sdelay $0x3  }
0x37: {  	[smem:$0x3FB0] =	sst s10  }
0x38: {  	s10 =	sld [smem:$0x3FB1]  }
0x39: {  	_ = 	snop;
	(pc) =	sbr.ind lr, $3  }
0x3a: {  	_ = 	snop  }
0x3b: {  	_ = 	snop  }
0x3c: {  	p2 =	seq.s32 s10, $0x1;
	s10 =	sld [smem:$0x3FB0]  }
0x3d: {  	_ =	shalt  }
0x3e: {  	_ =	shalt  }
0x3f: {  	_ =	shalt  }
0x40: {  	_ =	shalt  }
0x41: {  	_ =	shalt  }
0x42: {  	_ =	shalt  }
0x43: {  	_ =	shalt  }
0x44: {  	_ =	shalt  }
0x45: {  	_ =	shalt  }
0x46: {  	_ =	shalt  }
0x47: {  	_ =	shalt  }
0x48: {  	_ =	shalt  }
0x49: {  	_ =	shalt  }
0x4a: {  	_ =	shalt  }
0x4b: {  	_ =	shalt  }
0x4c: {  	_ =	shalt  }
0x4d: {  	_ =	shalt  }
0x4e: {  	_ =	shalt  }
0x4f: {  	_ =	shalt  }
0x50: {  	_ =	shalt  }
0x51: {  	_ =	shalt  }
0x52: {  	_ =	shalt  }
0x53: {  	_ =	shalt  }
0x54: {  	_ =	shalt  }
0x55: {  	_ =	shalt  }
0x56: {  	_ =	shalt  }
0x57: {  	_ =	shalt  }
0x58: {  	_ =	shalt  }
0x59: {  	_ =	shalt  }
0x5a: {  	_ =	shalt  }
0x5b: {  	_ =	shalt  }
0x5c: {  	_ =	shalt  }
0x5d: {  	_ =	shalt  }
0x5e: {  	_ =	shalt  }
0x5f: {  	_ =	shalt  }
0x60: {  	_ =	shalt  }
0x61: {  	_ =	shalt  }
0x62: {  	_ =	shalt  }
0x63: {  	_ =	shalt  }
0x64: {  	_ =	shalt  }
0x65: {  	_ =	shalt  }
0x66: {  	_ =	shalt  }
0x67: {  	_ =	shalt  }
0x68: {  	_ =	shalt  }
0x69: {  	_ =	shalt  }
0x6a: {  	_ =	shalt  }
0x6b: {  	_ =	shalt  }
0x6c: {  	_ =	shalt  }
0x6d: {  	_ =	shalt  }
0x6e: {  	_ =	shalt  }
0x6f: {  	_ =	shalt  }
0x70: {  	_ =	shalt  }
0x71: {  	_ =	shalt  }
0x72: {  	_ =	shalt  }
0x73: {  	_ =	shalt  }
0x74: {  	_ =	shalt  }
0x75: {  	_ =	shalt  }
0x76: {  	_ =	shalt  }
0x77: {  	_ =	shalt  }
0x78: {  	_ =	shalt  }
0x79: {  	_ =	shalt  }
0x7a: {  	_ =	shalt  }
0x7b: {  	_ =	shalt  }
0x7c: {  	_ =	shalt  }
0x7d: {  	_ =	shalt  }
0x7e: {  	_ =	shalt  }
0x7f: {  	_ =	shalt  }
0x80: {  	_ =	shalt  }
0x81: {  	_ =	shalt  }
0x82: {  	_ =	shalt  }
0x83: {  	_ =	shalt  }
0x84: {  	_ =	shalt  }
0x85: {  	_ =	shalt  }
0x86: {  	_ =	shalt  }
0x87: {  	_ =	shalt  }
.Lfunc_end0:
.L_simem_size_0:
called_computation_lowered:
.L_overlay_start_0:
0x88: {  	s2 =	sld [smem:$0x3FD9]  }
0x89: {  	s3 =	sld [smem:$0x3FFE];
	_ =	sdelay $0x1  }
0x8a: {  	s1 =	srdreg.scid  }
0x8b: {  	s0 =	sand.u32 $0x1, s1  }
0x8c: {  	s16 =	sshll.u32 s0, $0xA;
	s2 =	sadd.s32 s3, s2  }
0x8d: {  	s2 =	sadd.s32 s2, s16  }
0x8e: {  	[smem:$0x3FBC] =	sst s2  }
0x8f: {  	_ = 	snop  }
0x90: {  	(tm) =	ssettm $0x1  }
0x91: {  	s17 =	sld [smem:$0x3FFB];
	_ =	sdelay $0x3  }
0x92: {  	_ =	strace s17  }
0x93: {  	s2 =	sld [smem:$0x3FFC];
	_ =	sdelay $0x3  }
0x94: {  	_ =	strace s2  }
0x95: {  	s2 =	sld [smem:$0x3FFD];
	_ =	sdelay $0x3  }
0x96: {  	_ =	strace s2  }
0x97: {  	_ =	strace $0x8FFFFFFF  }
0x98: {  	s18 =	sld [smem:$0x3FDB];
	_ =	sdelay $0x1  }
0x99: {  	s19 =	simm.s32 $_scs_section_size  }
0x9a: {  	s4 =	simm.s32 $_size__tile_overlayer_lowered;
	s5 =	simm.s32 $_tile_overlayer_lowered  }
0x9b: {  	s22 =	simm.s32 $0x1BFF;
	s21 =	sshll.u32 s5, $0x1;
	s2 =	sadd.s32 s19, s18  }
0x9c: {  	s6 =	simm.s32 $0x0;
	s20 =	sshll.u32 s4, $0x1;
	s4 =	sadd.s32 s21, s2  }
0x9d: {  	[timem:s6], [sflag:s22] =	dma.local [hbm:s4], s20  }
0x9e: {  	_ =	swait.ge [sflag:s22], s20  }
0x9f: {  	s3 =	ssub.s32 $0x0, s20;
	[sflag:s22] =	ssyncset.done $0x0  }
0xa0: {  	[sflag:s22] =	ssyncadd.s32 s3;
	_ =	sdelay $0x1  }
0xa1: {  	s23 =	simm.s32 $0x1B8B  }
0xa2: {  	_ =	swait.ge [sflag:s23], $0x1  }
0xa3: {  	[sflag:s23] =	ssyncset.done $0x0  }
0xa4: {  	s25 =	simm.s32 $0x1B8E;
	s24 =	sld [smem:$0x3FFE];
	[sflag:s23] =	ssyncadd.s32 $0xFFFFFFFF  }
0xa5: {  	s26 =	simm.s32 $execute0_lowered;
	[smem:$0x3FD2] =	sst s25  }
0xa6: {  	s4 =	sshll.u32 s26, $0x1;
	_ =	strace $0x80000046;
	[dreg:$0x1] =	wrdreg $0xFFFFFFFF  }
0xa7: {  	s28 =	simm.s32 $_size_execute0_lowered;
	s2 =	sadd.s32 s2, s4;
	[dreg:$0x0] =	wrdreg $0x0  }
0xa8: {  	s4 =	sshll.u32 s28, $0x1;
	[dreg:$0x2] =	wrdreg s2  }
0xa9: {  	[dreg:$0x3] =	wrdreg s4  }
0xaa: {  	[dreg:$0x4] =	wrdreg $0xC0  }
0xab: {  	_ =	task [dreg:s6], $0x5FFFF  }
0xac: {  	[dreg:$0x1] =	wrdreg $0xFFFFFFFF  }
0xad: {  	[dreg:$0x0] =	wrdreg $0x60  }
0xae: {  	[dreg:$0x2] =	wrdreg s24  }
0xaf: {  	[dreg:$0x3] =	wrdreg $0x29000  }
0xb0: {  	[dreg:$0x4] =	wrdreg $0xA  }
0xb1: {  	_ =	task.clear_ibuf [dreg:s6], $0x5FFFF;
	_ =	strace $0x90000046  }
0xb2: {  	s29 =	simm.s32 $0xA;
	_ =	strace $0x80000048  }
0xb3: {  	_ =	swait.ge [sflag:s29], $0x1  }
0xb4: {  	[sflag:s29] =	ssyncadd.s32 $0xFFFFFFFF  }
0xb5: {  	_ =	strace $0x90000048  }
0xb6: {  	_ =	sfence  }
0xb7: {  	s30 =	sld [smem:$0x0];
	_ =	sdelay $0x2  }
0xb8: {  	s31 =	sshll.u32 s1, $0xD;
	s1 =	sshrl.u32 s1, $0x2  }
0xb9: {  	s3 =	sand.u32 $0x4000, s31;
	s1 =	sadd.s32 s1, s30  }
0xba: {  	s0 =	sor.u32 s3, s0;
	s1 =	sshll.u32 s1, $0x11  }
0xbb: {  	s0 =	sor.u32 s1, s0  }
0xbc: {  	s0 =	sadd.s32 $0x8F2B, s0  }
0xbd: {  	[sflag:s0] =	ssyncadd.remote.s32 $0x1  }
0xbe: {  	_ =	sfence.sel $0xFFFF  }
0xbf: {  	[dreg:$0x0] =	wrdreg $0xFFFFFFFF;
	(pc) =	sbr.abs _section_cstart, $3  }
0xc0: {  	[dreg:$0x1] =	wrdreg $0xFFFFFFFF  }
0xc1: {  	_ =	task.clear_ibuf [dreg:s6], $0x2FFFF;
	_ =	strace $0x9FFFFFFF  }
0xc2: {  	(tm) =	ssettm $0x7FFFFFFF  }
0xc3: {  	_ =	shalt  }
tec
execute0_lowered:
.L_overlay_start_1:
0x0: {  	(tag) =	ssettag $0x1  }
0x1: {  	s9 =	rddreg [dreg:$0x0]  }
0x2: {  	s1 =	rddreg [dreg:$0x1]  }
0x3: {  	s0 =	rddreg [dreg:$0x2];
	s2 =	simm.s32 $0x0  }
0x4: {  	s7 =	srdreg.scid;
	s3 =	stileid.u32;
	s19 =	simm.s32 $0x3  }
0x5: {  	s20 =	simm.s32 $0x100;
	s21 =	simm.s32 $0x80;
	s22 =	simm.s32 $0x1  }
0x6: {  	s23 =	simm.s32 $0x50;
	s24 =	simm.s32 $0x2;
	s25 =	simm.s32 $0x0  }
0x7: {  	[smem:$0x7FF] =	sst s2;
	s4 =	sadd.s32 $0x18000, s9;
	s5 =	sadd.s32 $0xE200, s9  }
0x8: {  	s6 =	sadd.s32 $0x2E400, s9;
	s10 =	sand.u32 $0x1, s7;
	s12 =	smul.u32 $0x50000, s3  }
0x9: {  	s7 =	sadd.s32 $0x2BC00, s9;
	s8 =	sadd.s32 $0x2EA00, s9;
	s14 =	smul.u32 $0x4E20, s3  }
0xa: {  	s9 =	sadd.s32 $0x56A00, s9;
	s17 =	smul.u32 $0x9C4, s3;
	s15 =	sshll.u32 s3, $0x6  }
0xb: {  	s11 =	ssub.s32 $0x2, s10;
	p0 =	seq.s32 s10, $0x1;
	s10 =	smul.u32 $0x2800, s3  }
.Ltmp0:
0xc: {  	_ =	strace $0x80000047;
	s15 =	sor.u32 $0x1C03, s15;
	(pc) =	sbr.rel .LBB2_1-.Ltmp0, $4  }
0xd: {  	s13 =	sshrl.u32 s11, $0x1;
	s31 =	sshrl.u32 s12, $0x2;
	s14 =	sshrl.u32 s14, $0x3  }
0xe: {  	s16 =	sadd.s32 s17, s4;
	s17 =	sadd.s32 s17, s5;
	s13 =	ssub.s32 s11, s13  }
0xf: {  	s18 =	sadd.s32 s31, s1;
	s11 =	sadd.s32 s4, s14;
	s12 =	sadd.s32 s5, s14  }
0x10: {  	s14 =	sadd.s32 $0x9BA, s14;
	s13 =	smax.u32 s13, $0x1;
	s18 =	sshrl.u32 s18, $0x3  }
.LBB2_7:
0x11: {  	s28 =	sadd.s32 $0x9BA, s26;
	[sflag:s19] =	ssyncadd.s32 $0xFFFFD800  }
0x12: {  	[tilespmem:s21], [sflag:$0x2] =	stream.linear.gather [hbm4b:s28+s2], $0x50, $0x38;
	[tilespmem:$0x16900] =	vst v63  }
0x13: {  	_ =	swait.ge [sflag:s22], $0x50  }
0x14: {  	[sflag:s22] =	ssyncset.done $0x0  }
0x15: {  	[sflag:s22] =	ssyncadd.s32 $0xFFFFFFB0  }
0x16: {  	[spmem:s1] =	stream.indirect.scatter.add.f32 [tilespmem:s20], [sflag:$0x3], $0x80, s2, s23, $0xb8;
	[tilespmem:$0x16900] =	vst v63  }
0x17: {  	_ =	swait.ge [sflag:s19], $0x2800  }
0x18: {  	[sflag:s19] =	ssyncset.done $0x0  }
0x19: {  	s31 =	sadd.s32 $0x9C4, s26;
	[sflag:s19] =	ssyncadd.s32 $0xFFFFD800  }
0x1a: {  	[tilespmem:s2], [sflag:$0x1] =	stream.linear.gather [hbm4b:s31+s2], $0x50, $0x38;
	[tilespmem:$0x16900] =	vst v63  }
0x1b: {  	_ =	swait.ge [sflag:s24], $0x50  }
0x1c: {  	[sflag:s24] =	ssyncset.done $0x0  }
0x1d: {  	[sflag:s24] =	ssyncadd.s32 $0xFFFFFFB0  }
0x1e: {  	[spmem:s1] =	stream.indirect.scatter.add.f32 [tilespmem:s20], [sflag:$0x3], $0x80, s21, s23, $0xb8;
	[tilespmem:$0x16900] =	vst v63  }
0x1f: {  	_ =	swait.ge [sflag:s19], $0x2800  }
0x20: {  	[sflag:s19] =	ssyncset.done $0x0  }
0x21: {  	s26 =	smov.u32 s9;
	s28 =	smov.u32 s5;
	[sflag:s19] =	ssyncadd.s32 $0xFFFFD800  }
.LBB2_8:
0x22: {  	s28 =	sadd.s32 s28, s14  }
0x23: {  	[tilespmem:s21], [sflag:$0x2] =	stream.linear.gather [hbm4b:s28+s2], $0x50, $0x38;
	[tilespmem:$0x16900] =	vst v63  }
0x24: {  	_ =	swait.ge [sflag:s22], $0x50  }
0x25: {  	[sflag:s22] =	ssyncset.done $0x0  }
0x26: {  	[sflag:s22] =	ssyncadd.s32 $0xFFFFFFB0  }
0x27: {  	[spmem:s1] =	stream.indirect.scatter.add.f32 [tilespmem:s20], [sflag:$0x3], $0x80, s2, s23, $0xb8;
	[tilespmem:$0x16900] =	vst v63  }
0x28: {  	_ =	swait.ge [sflag:s19], $0x2800  }
0x29: {  	[sflag:s19] =	ssyncset.done $0x0  }
0x2a: {  	[sflag:s19] =	ssyncadd.s32 $0xFFFFD800  }
0x2b: {  	_ =	swait.ge [sflag:s24], $0x50  }
0x2c: {  	[sflag:s24] =	ssyncset.done $0x0  }
0x2d: {  	[sflag:s24] =	ssyncadd.s32 $0xFFFFFFB0  }
0x2e: {  	[spmem:s1] =	stream.indirect.scatter.add.f32 [tilespmem:s20], [sflag:$0x3], $0x80, s21, s23, $0xb8;
	[tilespmem:$0x16900] =	vst v63  }
0x2f: {  	_ =	swait.ge [sflag:s19], $0x2800  }
0x30: {  	s25 =	sadd.s32 $0x1, s25;
	[sflag:s19] =	ssyncset.done $0x0  }
0x31: {  	p1 =	sne.s32 s25, s13;
	[sflag:s19] =	ssyncadd.s32 $0xFFFFD800  }
.Ltmp1:
0x32: {  	s26 =	sadd.s32 s26, s10;
	[bflag:$0x0] =	sbarrier.arrive $0xFFFF;
	(pc) =	sbr.rel @!p1 .LBB2_9-.Ltmp1, $4  }
0x33: {  	[hbm:s26], [sflag:s15] =	dma.local [spmem:s18], $0x2800  }
0x34: {  	_ =	swait.ge [sflag:s19], $0x2800  }
0x35: {  	[sflag:s19] =	ssyncset.done $0x0  }
0x36: {  	[sflag:s19] =	ssyncadd.s32 $0xFFFFD800  }
.LBB2_1:
0x37: {  	[spmem:s18], [sflag:s15] =	dma.local [hbm:s7], $0x2800  }
0x38: {  	_ =	swait.ge [sflag:s19], $0x2800  }
0x39: {  	[sflag:s19] =	ssyncset.done $0x0  }
0x3a: {  	[sflag:s19] =	ssyncadd.s32 $0xFFFFD800  }
0x3b: {  	[tilespmem:s20], [sflag:$0x3] =	stream.linear.gather [hbm4b:s6+s2], $0x2800, $0x38;
	[tilespmem:$0x16900] =	vst v63  }
.Ltmp2:
0x3c: {  	_ =	swait.ge [sflag:s19], $0x2800;
	(pc) =	sbr.rel @!p0 .LBB2_2-.Ltmp2, $3  }
0x3d: {  	[sflag:s19] =	ssyncset.done $0x0  }
0x3e: {  	[sflag:s19] =	ssyncadd.s32 $0xFFFFD800  }
0x3f: {  	[bflag:$0x0] =	sbarrier.arrive $0xFFFF;
	_ =	sdelay $0x1  }
0x40: {  	[tilespmem:s2], [sflag:$0x1] =	stream.linear.gather [hbm4b:s12+s2], $0x50, $0x38;
	[tilespmem:$0x16900] =	vst v63  }
0x41: {  	s26 =	sadd.s32 $0xFFFFF650, s17  }
0x42: {  	s28 =	sadd.s32 $0x9BA, s26  }
0x43: {  	[tilespmem:s21], [sflag:$0x2] =	stream.linear.gather [hbm4b:s28+s2], $0x50, $0x38;
	[tilespmem:$0x16900] =	vst v63  }
0x44: {  	_ =	swait.ge [sflag:s22], $0x50  }
0x45: {  	[sflag:s22] =	ssyncset.done $0x0  }
0x46: {  	[sflag:s22] =	ssyncadd.s32 $0xFFFFFFB0  }
0x47: {  	[spmem:s1] =	stream.indirect.scatter.add.f32 [tilespmem:s20], [sflag:$0x3], $0x80, s2, s23, $0xb8;
	[tilespmem:$0x16900] =	vst v63  }
0x48: {  	_ =	swait.ge [sflag:s19], $0x2800  }
0x49: {  	[sflag:s19] =	ssyncset.done $0x0  }
0x4a: {  	s26 =	sadd.s32 $0x9C4, s26;
	[sflag:s19] =	ssyncadd.s32 $0xFFFFD800  }
0x4b: {  	[tilespmem:s2], [sflag:$0x1] =	stream.linear.gather [hbm4b:s26+s2], $0x50, $0x38;
	[tilespmem:$0x16900] =	vst v63  }
0x4c: {  	_ =	swait.ge [sflag:s24], $0x50  }
0x4d: {  	[sflag:s24] =	ssyncset.done $0x0  }
0x4e: {  	[sflag:s24] =	ssyncadd.s32 $0xFFFFFFB0  }
0x4f: {  	[spmem:s1] =	stream.indirect.scatter.add.f32 [tilespmem:s20], [sflag:$0x3], $0x80, s21, s23, $0xb8;
	[tilespmem:$0x16900] =	vst v63  }
0x50: {  	_ =	swait.ge [sflag:s19], $0x2800  }
0x51: {  	s28 =	simm.s32 $0xFFFFF678;
	s26 =	sadd.s32 $0xFFFFF664, s17;
	[sflag:s19] =	ssyncset.done $0x0  }
.LBB2_6:
0x52: {  	s29 =	sadd.s32 $0x9BA, s26  }
0x53: {  	[sflag:s19] =	ssyncadd.s32 $0xFFFFD800;
	s30 =	smov.u32 s28;
	s31 =	sadd.s32 $0x14, s28  }
0x54: {  	[tilespmem:s21], [sflag:$0x2] =	stream.linear.gather [hbm4b:s29+s2], $0x50, $0x38;
	[tilespmem:$0x16900] =	vst v63  }
0x55: {  	p1 =	sne.s32 s28, $0xFFFFFFEC;
	_ =	swait.ge [sflag:s22], $0x50  }
0x56: {  	[sflag:s22] =	ssyncset.done $0x0  }
0x57: {  	[sflag:s22] =	ssyncadd.s32 $0xFFFFFFB0  }
0x58: {  	[spmem:s1] =	stream.indirect.scatter.add.f32 [tilespmem:s20], [sflag:$0x3], $0x80, s2, s23, $0xb8;
	[tilespmem:$0x16900] =	vst v63  }
0x59: {  	_ =	swait.ge [sflag:s19], $0x2800  }
0x5a: {  	[sflag:s19] =	ssyncset.done $0x0  }
0x5b: {  	s26 =	sadd.s32 $0x9C4, s26;
	[sflag:s19] =	ssyncadd.s32 $0xFFFFD800  }
0x5c: {  	[tilespmem:s2], [sflag:$0x1] =	stream.linear.gather [hbm4b:s26+s2], $0x50, $0x38;
	[tilespmem:$0x16900] =	vst v63  }
0x5d: {  	_ =	swait.ge [sflag:s24], $0x50  }
.Ltmp3:
0x5e: {  	[sflag:s24] =	ssyncset.done $0x0;
	(pc) =	sbr.rel @p1 .LBB2_6-.Ltmp3, $4  }
0x5f: {  	[sflag:s24] =	ssyncadd.s32 $0xFFFFFFB0  }
0x60: {  	[spmem:s1] =	stream.indirect.scatter.add.f32 [tilespmem:s20], [sflag:$0x3], $0x80, s21, s23, $0xb8;
	[tilespmem:$0x16900] =	vst v63  }
0x61: {  	_ =	swait.ge [sflag:s19], $0x2800  }
0x62: {  	s28 =	smov.u32 s31;
	s26 =	sadd.s32 s30, s17;
	[sflag:s19] =	ssyncset.done $0x0  }
.Ltmp4:
0x63: {  	_ = 	snop;
	(pc) =	sbr.rel .LBB2_7-.Ltmp4, $1  }
0x64: {  	_ =	sdelay $0x3  }
.LBB2_2:
0x65: {  	[tilespmem:s2], [sflag:$0x1] =	stream.linear.gather [hbm4b:s11+s2], $0x50, $0x38;
	[tilespmem:$0x16900] =	vst v63  }
0x66: {  	s26 =	sadd.s32 $0xFFFFF650, s16  }
0x67: {  	s28 =	sadd.s32 $0x9BA, s26  }
0x68: {  	[tilespmem:s21], [sflag:$0x2] =	stream.linear.gather [hbm4b:s28+s2], $0x50, $0x38;
	[tilespmem:$0x16900] =	vst v63  }
0x69: {  	_ =	swait.ge [sflag:s22], $0x50  }
0x6a: {  	[sflag:s22] =	ssyncset.done $0x0  }
0x6b: {  	[sflag:s22] =	ssyncadd.s32 $0xFFFFFFB0  }
0x6c: {  	[spmem:s1] =	stream.indirect.scatter.add.f32 [tilespmem:s20], [sflag:$0x3], $0x80, s2, s23, $0xb8;
	[tilespmem:$0x16900] =	vst v63  }
0x6d: {  	_ =	swait.ge [sflag:s19], $0x2800  }
0x6e: {  	[sflag:s19] =	ssyncset.done $0x0  }
0x6f: {  	s26 =	sadd.s32 $0x9C4, s26;
	[sflag:s19] =	ssyncadd.s32 $0xFFFFD800  }
0x70: {  	[tilespmem:s2], [sflag:$0x1] =	stream.linear.gather [hbm4b:s26+s2], $0x50, $0x38;
	[tilespmem:$0x16900] =	vst v63  }
0x71: {  	_ =	swait.ge [sflag:s24], $0x50  }
0x72: {  	[sflag:s24] =	ssyncset.done $0x0  }
0x73: {  	[sflag:s24] =	ssyncadd.s32 $0xFFFFFFB0  }
0x74: {  	[spmem:s1] =	stream.indirect.scatter.add.f32 [tilespmem:s20], [sflag:$0x3], $0x80, s21, s23, $0xb8;
	[tilespmem:$0x16900] =	vst v63  }
0x75: {  	_ =	swait.ge [sflag:s19], $0x2800  }
0x76: {  	s28 =	simm.s32 $0xFFFFF678;
	s26 =	sadd.s32 $0xFFFFF664, s16;
	[sflag:s19] =	ssyncset.done $0x0  }
.LBB2_3:
0x77: {  	s29 =	sadd.s32 $0x9BA, s26  }
0x78: {  	[sflag:s19] =	ssyncadd.s32 $0xFFFFD800;
	s30 =	smov.u32 s28;
	s31 =	sadd.s32 $0x14, s28  }
0x79: {  	[tilespmem:s21], [sflag:$0x2] =	stream.linear.gather [hbm4b:s29+s2], $0x50, $0x38;
	[tilespmem:$0x16900] =	vst v63  }
0x7a: {  	p1 =	seq.s32 s28, $0xFFFFFFEC;
	_ =	swait.ge [sflag:s22], $0x50  }
0x7b: {  	[sflag:s22] =	ssyncset.done $0x0  }
0x7c: {  	[sflag:s22] =	ssyncadd.s32 $0xFFFFFFB0  }
0x7d: {  	[spmem:s1] =	stream.indirect.scatter.add.f32 [tilespmem:s20], [sflag:$0x3], $0x80, s2, s23, $0xb8;
	[tilespmem:$0x16900] =	vst v63  }
0x7e: {  	_ =	swait.ge [sflag:s19], $0x2800  }
0x7f: {  	[sflag:s19] =	ssyncset.done $0x0  }
0x80: {  	s26 =	sadd.s32 $0x9C4, s26;
	[sflag:s19] =	ssyncadd.s32 $0xFFFFD800  }
0x81: {  	[tilespmem:s2], [sflag:$0x1] =	stream.linear.gather [hbm4b:s26+s2], $0x50, $0x38;
	[tilespmem:$0x16900] =	vst v63  }
0x82: {  	_ =	swait.ge [sflag:s24], $0x50  }
.Ltmp5:
0x83: {  	[sflag:s24] =	ssyncset.done $0x0;
	(pc) =	sbr.rel @!p1 .LBB2_3-.Ltmp5, $4  }
0x84: {  	[sflag:s24] =	ssyncadd.s32 $0xFFFFFFB0  }
0x85: {  	[spmem:s1] =	stream.indirect.scatter.add.f32 [tilespmem:s20], [sflag:$0x3], $0x80, s21, s23, $0xb8;
	[tilespmem:$0x16900] =	vst v63  }
0x86: {  	_ =	swait.ge [sflag:s19], $0x2800  }
0x87: {  	s28 =	smov.u32 s31;
	s26 =	sadd.s32 s30, s16;
	[sflag:s19] =	ssyncset.done $0x0  }
0x88: {  	s28 =	sadd.s32 $0x9BA, s26;
	[sflag:s19] =	ssyncadd.s32 $0xFFFFD800  }
0x89: {  	[tilespmem:s21], [sflag:$0x2] =	stream.linear.gather [hbm4b:s28+s2], $0x50, $0x38;
	[tilespmem:$0x16900] =	vst v63  }
0x8a: {  	_ =	swait.ge [sflag:s22], $0x50  }
0x8b: {  	[sflag:s22] =	ssyncset.done $0x0  }
0x8c: {  	[sflag:s22] =	ssyncadd.s32 $0xFFFFFFB0  }
0x8d: {  	[spmem:s1] =	stream.indirect.scatter.add.f32 [tilespmem:s20], [sflag:$0x3], $0x80, s2, s23, $0xb8;
	[tilespmem:$0x16900] =	vst v63  }
0x8e: {  	_ =	swait.ge [sflag:s19], $0x2800  }
0x8f: {  	[sflag:s19] =	ssyncset.done $0x0  }
0x90: {  	s31 =	sadd.s32 $0x9C4, s26;
	[sflag:s19] =	ssyncadd.s32 $0xFFFFD800  }
0x91: {  	[tilespmem:s2], [sflag:$0x1] =	stream.linear.gather [hbm4b:s31+s2], $0x50, $0x38;
	[tilespmem:$0x16900] =	vst v63  }
0x92: {  	_ =	swait.ge [sflag:s24], $0x50  }
0x93: {  	[sflag:s24] =	ssyncset.done $0x0  }
.Ltmp6:
0x94: {  	[sflag:s24] =	ssyncadd.s32 $0xFFFFFFB0;
	(pc) =	sbr.rel .LBB2_8-.Ltmp6, $4  }
0x95: {  	[spmem:s1] =	stream.indirect.scatter.add.f32 [tilespmem:s20], [sflag:$0x3], $0x80, s21, s23, $0xb8;
	[tilespmem:$0x16900] =	vst v63  }
0x96: {  	_ =	swait.ge [sflag:s19], $0x2800  }
0x97: {  	[sflag:s19] =	ssyncset.done $0x0  }
0x98: {  	s26 =	smov.u32 s8;
	s28 =	smov.u32 s4;
	[sflag:s19] =	ssyncadd.s32 $0xFFFFD800  }
.LBB2_9:
0x99: {  	_ =	sfence.sel $0x180000  }
0x9a: {  	[bflag:$0x0] =	sbarrier.arrive $0xFFFF  }
0x9b: {  	p0 =	sne.s32 s3, $0x0;
	_ =	strace $0x90000047  }
0x9c: {  	s0 =	sadd.s32 @!p0 $0x100000, s0;
	[bflag:$0x2] =	sbarrier.arrive $0xFFFF  }
0x9d: {  	[sflag:s0] =	ssyncadd.tile.s32 @!p0 $0x1;
	_ =	shalt  }
.Lfunc_end2:
_tile_overlayer_lowered:
.L_overlay_start_2:
0x9e: {  	(tag) =	ssettag $0x2  }
0x9f: {  	s0 =	rddreg [dreg:$0x0];
	s2 =	stileid.u32  }
0xa0: {  	s1 =	rddreg [dreg:$0x1];
	p0 =	sne.s32 s2, $0x0  }
0xa1: {  	s3 =	rddreg [dreg:$0x2];
	[bflag:$0x3] =	sbarrier.arrive $0xFFFF;
	s2 =	simm.s32 @!p0 $0x1C03  }
0xa2: {  	[timem:s3], [sflag:s2] =	dma.local @!p0 [hbm:s0], s1  }
0xa3: {  	s0 =	simm.s32 @!p0 $0x3  }
0xa4: {  	_ =	swait.ge @!p0 [sflag:s0], s1  }
0xa5: {  	s1 =	ssub.s32 @!p0 $0x0, s1;
	[sflag:s0] =	ssyncset.done @!p0 $0x0  }
0xa6: {  	[sflag:s0] =	ssyncadd.s32 @!p0 s1  }
0xa7: {  	[bflag:$0x3] =	sbarrier.arrive $0xFFFF  }
0xa8: {  	_ =	shalt  }

</sc_bundles>
